<compile_context>
chip_gen: v7x
topology: tpu7x:2x2x1
jax: 0.10.2.dev20260603
libtpu: 0.0.44.dev20260713+nightly
codegen_flags: <defaults>
</compile_context>

<pallas_src>
import functools

import jax
import jax.numpy as jnp
from jax import lax
from jax.experimental import pallas as pl
from jax.experimental.pallas import tpu as pltpu
from jax.experimental.pallas import tpu_sc as plsc

N = 10000
E = 320000
D = 128

NC = 2
NS = 16
NW = NC * NS
EP = E // NW
C = 80
NCH = EP // C
NB = 4
NG = (NCH - NB) // NB
TAIL = NCH - NB * (NG + 1)
NPAD = 10240
ROWS_PER_SUB = NPAD // NS
ZR = 8


def _segsum_sc(h, src, dst):
    mesh = plsc.VectorSubcoreMesh(core_axis_name="core", subcore_axis_name="subcore")

    @functools.partial(
        pl.kernel,
        out_type=[
            jax.ShapeDtypeStruct((NPAD, D), jnp.float32),
            jax.ShapeDtypeStruct((NPAD, D), jnp.float32),
        ],
        mesh=mesh,
        scratch_types=[
            pltpu.VMEM((C,), jnp.int32),
            pltpu.VMEM((C,), jnp.int32),
            pltpu.VMEM((C,), jnp.int32),
            pltpu.VMEM((C,), jnp.int32),
            pltpu.VMEM((C,), jnp.int32),
            pltpu.VMEM((C,), jnp.int32),
            pltpu.VMEM((C,), jnp.int32),
            pltpu.VMEM((C,), jnp.int32),
            pltpu.VMEM((C, D), jnp.float32),
            pltpu.VMEM((C, D), jnp.float32),
            pltpu.VMEM((C, D), jnp.float32),
            pltpu.VMEM((C, D), jnp.float32),
            pltpu.VMEM((ZR, D), jnp.float32),
            pltpu.VMEM_SHARED((NPAD, D), jnp.float32),
            pltpu.SemaphoreType.DMA,
            pltpu.SemaphoreType.DMA,
            pltpu.SemaphoreType.DMA,
            pltpu.SemaphoreType.DMA,
            pltpu.SemaphoreType.DMA,
            pltpu.SemaphoreType.DMA,
            pltpu.SemaphoreType.DMA,
            pltpu.SemaphoreType.DMA,
            pltpu.SemaphoreType.DMA,
            pltpu.SemaphoreType.DMA,
            pltpu.SemaphoreType.DMA,
            pltpu.SemaphoreType.DMA,
            pltpu.SemaphoreType.DMA,
            pltpu.SemaphoreType.DMA,
            pltpu.SemaphoreType.DMA,
            pltpu.SemaphoreType.DMA,
        ],
    )
    def seg_kernel(h_hbm, src_hbm, dst_hbm, o0_hbm, o1_hbm,
                   sv0, sv1, sv2, sv3, dv0, dv1, dv2, dv3,
                   r0, r1, r2, r3, zbuf, acc,
                   g0, g1, g2, g3, s0, s1, s2, s3,
                   ds0, ds1, ds2, ds3, is0, is1, is2, is3):
        srcv = [sv0, sv1, sv2, sv3]
        dstv = [dv0, dv1, dv2, dv3]
        rows = [r0, r1, r2, r3]
        gsem = [g0, g1, g2, g3]
        ssem = [s0, s1, s2, s3]
        dsem = [ds0, ds1, ds2, ds3]
        isem = [is0, is1, is2, is3]
        cid = lax.axis_index("core")
        sid = lax.axis_index("subcore")
        w = sid * NC + cid

        def start_src_idx(i, b):
            pltpu.async_copy(src_hbm.at[pl.ds(w * EP + i * C, C)], srcv[b],
                             isem[b])

        def start_dst_idx(i, b):
            pltpu.async_copy(dst_hbm.at[pl.ds(w * EP + i * C, C)], dstv[b],
                             dsem[b])

        def start_gather(i, b):
            pltpu.make_async_copy(src_hbm.at[pl.ds(w * EP + i * C, C)],
                                  srcv[b], isem[b]).wait()
            pltpu.async_copy(h_hbm.at[srcv[b]], rows[b], gsem[b])

        def finish_chunk(i, b):
            pltpu.make_async_copy(dst_hbm.at[pl.ds(w * EP + i * C, C)],
                                  dstv[b], dsem[b]).wait()
            pltpu.make_async_copy(h_hbm.at[srcv[b]], rows[b], gsem[b]).wait()
            pltpu.async_copy(rows[b], acc.at[dstv[b]], ssem[b], add=True)

        def wait_scatter(b):
            pltpu.make_async_copy(rows[b], acc.at[dstv[b]], ssem[b]).wait()

        for b in range(NB):
            start_src_idx(b, b)
            start_dst_idx(b, b)
        for b in range(NB):
            start_gather(b, b)

        @pl.loop(0, ZR)
        def _(i):
            @pl.loop(0, D, step=16)
            def _(j):
                zbuf[i, pl.ds(j, 16)] = jnp.zeros((16,), jnp.float32)

        @pl.loop(0, ROWS_PER_SUB // ZR)
        def _(k):
            pltpu.sync_copy(zbuf, acc.at[pl.ds(sid * ROWS_PER_SUB + k * ZR, ZR)])

        plsc.subcore_barrier()

        @pl.loop(0, NG)
        def _(g):
            i0 = g * NB
            for b in range(NB):
                finish_chunk(i0 + b, b)
                start_src_idx(i0 + NB + b, b)
            for b in range(NB):
                wait_scatter(b)
                start_dst_idx(i0 + NB + b, b)
                start_gather(i0 + NB + b, b)

        i0 = NG * NB
        for b in range(NB):
            finish_chunk(i0 + b, b)
            if b < TAIL:
                start_src_idx(i0 + NB + b, b)
        for t in range(TAIL):
            wait_scatter(t)
            start_dst_idx(i0 + NB + t, t)
            start_gather(i0 + NB + t, t)
        for t in range(TAIL):
            finish_chunk(i0 + NB + t, t)
        for b in range(NB):
            wait_scatter(b)

        plsc.subcore_barrier()

        row0 = sid * ROWS_PER_SUB

        @pl.when(cid == 0)
        def _():
            pltpu.sync_copy(acc.at[pl.ds(row0, ROWS_PER_SUB)],
                            o0_hbm.at[pl.ds(row0, ROWS_PER_SUB)])

        @pl.when(cid == 1)
        def _():
            pltpu.sync_copy(acc.at[pl.ds(row0, ROWS_PER_SUB)],
                            o1_hbm.at[pl.ds(row0, ROWS_PER_SUB)])

    return seg_kernel(h, src, dst)


ROW_BLK = 10000


def _mlp_body(final_relu, x_ref, p0_ref, p1_ref, wa_ref, ba_ref, wb_ref, bb_ref,
              o_ref):
    z = x_ref[...] + p0_ref[...] + p1_ref[...]
    t = jnp.dot(z, wa_ref[...], preferred_element_type=jnp.float32)
    t = jnp.maximum(t + ba_ref[...], 0.0)
    o = jnp.dot(t, wb_ref[...], preferred_element_type=jnp.float32)
    o = o + bb_ref[...]
    if final_relu:
        o = jnp.maximum(o, 0.0)
    o_ref[...] = o


def _mlp(x, p0, p1, Wa, ba, Wb, bb, final_relu):
    row_spec = pl.BlockSpec((ROW_BLK, D), lambda i: (i, 0))
    w_spec = pl.BlockSpec((D, D), lambda i: (0, 0))
    b_spec = pl.BlockSpec((1, D), lambda i: (0, 0))
    return pl.pallas_call(
        functools.partial(_mlp_body, final_relu),
        grid=(N // ROW_BLK,),
        in_specs=[row_spec, row_spec, row_spec, w_spec, b_spec, w_spec, b_spec],
        out_specs=row_spec,
        out_shape=jax.ShapeDtypeStruct((N, D), jnp.float32),
    )(x, p0, p1, Wa, ba.reshape(1, D), Wb, bb.reshape(1, D))


def kernel(x, edge_index, W1a, b1a, W1b, b1b, W2a, b2a, W2b, b2b):
    src = edge_index[0]
    dst = edge_index[1]
    p0, p1 = _segsum_sc(x, src, dst)
    h = _mlp(x, p0, p1, W1a, b1a, W1b, b1b, final_relu=True)
    q0, q1 = _segsum_sc(h, src, dst)
    return _mlp(h, q0, q1, W2a, b2a, W2b, b2b, final_relu=False)

# --- scband reference (transcript-rebuilt; emitter-appended) ---
"""Pipeline reference for scband-gin-1812476199284 (READ-ONLY COPY).

The authoritative reference and input builder live on the scoring server;
editing this copy changes nothing except your own understanding.
"""

import jax, jax.numpy as jnp
import numpy as np

N, E, D_IN, D_HID, D_OUT = 10000, 320000, 128, 128, 128


def setup_inputs(seed: int = 0) -> dict:
    key = jax.random.key(seed)
    ks = jax.random.split(key, 12)
    x = jax.random.normal(ks[0], (N, D_IN), dtype=jnp.float32)
    edge_index = jax.random.randint(ks[1], (2, E), 0, N, dtype=jnp.int32)
    s1 = 1.0 / np.sqrt(D_IN)
    s2 = 1.0 / np.sqrt(D_HID)
    W1a = jax.random.normal(ks[2], (D_IN, D_HID), dtype=jnp.float32) * s1
    b1a = jnp.zeros((D_HID,), dtype=jnp.float32)
    W1b = jax.random.normal(ks[3], (D_HID, D_HID), dtype=jnp.float32) * s2
    b1b = jnp.zeros((D_HID,), dtype=jnp.float32)
    W2a = jax.random.normal(ks[4], (D_HID, D_HID), dtype=jnp.float32) * s2
    b2a = jnp.zeros((D_HID,), dtype=jnp.float32)
    W2b = jax.random.normal(ks[5], (D_HID, D_OUT), dtype=jnp.float32) * s2
    b2b = jnp.zeros((D_OUT,), dtype=jnp.float32)
    return {"x": x, "edge_index": edge_index, "W1a": W1a, "b1a": b1a,
            "W1b": W1b, "b1b": b1b, "W2a": W2a, "b2a": b2a,
            "W2b": W2b, "b2b": b2b}


def _gin_conv(h, src, dst, Wa, ba, Wb, bb, num_nodes):
    # GINConv with eps=0: out = MLP((1+eps)*h + sum_{j in N(i)} h_j)
    agg = jax.ops.segment_sum(h[src], dst, num_segments=num_nodes)
    z = h + agg
    z = jnp.maximum(z @ Wa + ba, 0.0)
    z = z @ Wb + bb
    return z


def reference(x, edge_index, W1a, b1a, W1b, b1b, W2a, b2a, W2b, b2b):
    src = edge_index[0]
    dst = edge_index[1]
    n = x.shape[0]
    h = _gin_conv(x, src, dst, W1a, b1a, W1b, b1b, n)
    h = jnp.maximum(h, 0.0)
    # dropout(p=0.5) is identity in eval mode
    out = _gin_conv(h, src, dst, W2a, b2a, W2b, b2b, n)
    return out

if __name__ == "__main__":
    import jax
    _d = setup_inputs()
    print(jax.jit(kernel)(*tuple(_d.values())))

</pallas_src>

<mosaic_0001>
#map = affine_map<(d0, d1) -> (0, 0)>
#map1 = affine_map<(d0, d1) -> (0)>
module attributes {stable_mosaic.version = 14 : i64} {
  func.func @seg_kernel(%arg0: i32, %arg1: i32, %arg2: memref<10000x128xf32, #tpu.memory_space<hbm>>, %arg3: memref<320000xi32, #tpu.memory_space<hbm>>, %arg4: memref<320000xi32, #tpu.memory_space<hbm>>, %arg5: memref<10240x128xf32, #tpu.memory_space<hbm>>, %arg6: memref<10240x128xf32, #tpu.memory_space<hbm>>, %arg7: memref<80xi32, #tpu.memory_space<vmem>>, %arg8: memref<80xi32, #tpu.memory_space<vmem>>, %arg9: memref<80xi32, #tpu.memory_space<vmem>>, %arg10: memref<80xi32, #tpu.memory_space<vmem>>, %arg11: memref<80xi32, #tpu.memory_space<vmem>>, %arg12: memref<80xi32, #tpu.memory_space<vmem>>, %arg13: memref<80xi32, #tpu.memory_space<vmem>>, %arg14: memref<80xi32, #tpu.memory_space<vmem>>, %arg15: memref<80x128xf32, #tpu.memory_space<vmem>>, %arg16: memref<80x128xf32, #tpu.memory_space<vmem>>, %arg17: memref<80x128xf32, #tpu.memory_space<vmem>>, %arg18: memref<80x128xf32, #tpu.memory_space<vmem>>, %arg19: memref<8x128xf32, #tpu.memory_space<vmem>>, %arg20: memref<10240x128xf32, #tpu.memory_space<vmem_shared>>, %arg21: memref<!tpu.dma_semaphore, #tpu.memory_space<semaphore_mem>>, %arg22: memref<!tpu.dma_semaphore, #tpu.memory_space<semaphore_mem>>, %arg23: memref<!tpu.dma_semaphore, #tpu.memory_space<semaphore_mem>>, %arg24: memref<!tpu.dma_semaphore, #tpu.memory_space<semaphore_mem>>, %arg25: memref<!tpu.dma_semaphore, #tpu.memory_space<semaphore_mem>>, %arg26: memref<!tpu.dma_semaphore, #tpu.memory_space<semaphore_mem>>, %arg27: memref<!tpu.dma_semaphore, #tpu.memory_space<semaphore_mem>>, %arg28: memref<!tpu.dma_semaphore, #tpu.memory_space<semaphore_mem>>, %arg29: memref<!tpu.dma_semaphore, #tpu.memory_space<semaphore_mem>>, %arg30: memref<!tpu.dma_semaphore, #tpu.memory_space<semaphore_mem>>, %arg31: memref<!tpu.dma_semaphore, #tpu.memory_space<semaphore_mem>>, %arg32: memref<!tpu.dma_semaphore, #tpu.memory_space<semaphore_mem>>, %arg33: memref<!tpu.dma_semaphore, #tpu.memory_space<semaphore_mem>>, %arg34: memref<!tpu.dma_semaphore, #tpu.memory_space<semaphore_mem>>, %arg35: memref<!tpu.dma_semaphore, #tpu.memory_space<semaphore_mem>>, %arg36: memref<!tpu.dma_semaphore, #tpu.memory_space<semaphore_mem>>) attributes {dimension_semantics = [#tpu.dimension_semantics<core_parallel>, #tpu.dimension_semantics<subcore_parallel>], iteration_bounds = array<i64: 2, 16>, scalar_prefetch = 0 : i64, scratch_operands = 30 : i64, tpu.core_type = #tpu.core_type<sc_vector_subcore>, window_params = [{transform_indices = #map}, {transform_indices = #map1}, {transform_indices = #map1}, {transform_indices = #map}, {transform_indices = #map}]} {
    %mul3A = arith.constant 2 : i32
    %mul3A_0 = arith.muli %arg1, %mul3A : i32
    %add3A = arith.addi %mul3A_0, %arg0 : i32
    %mul3A_1 = arith.constant 10000 : i32
    %mul3A_2 = arith.muli %add3A, %mul3A_1 : i32
    %add3A_3 = arith.constant 0 : i32
    %add3A_4 = arith.addi %mul3A_2, %add3A_3 : i32
    %dma_start3A = tpu.memref_slice %arg3[%add3A_4] : memref<320000xi32, #tpu.memory_space<hbm>> -> memref<80xi32, #tpu.memory_space<hbm>>
    %dma_start3A_5 = tpu.memref_slice %arg3[%add3A_4] : memref<320000xi32, #tpu.memory_space<hbm>> -> memref<80xi32, #tpu.memory_space<hbm>>
    tpu.enqueue_dma source(%dma_start3A_5 : memref<80xi32, #tpu.memory_space<hbm>>) target(%arg7 : memref<80xi32, #tpu.memory_space<vmem>>) target_semaphore(%arg33 : memref<!tpu.dma_semaphore, #tpu.memory_space<semaphore_mem>>)
    %mul3A_6 = arith.constant 10000 : i32
    %mul3A_7 = arith.muli %add3A, %mul3A_6 : i32
    %add3A_8 = arith.constant 0 : i32
    %add3A_9 = arith.addi %mul3A_7, %add3A_8 : i32
    %dma_start3A_10 = tpu.memref_slice %arg4[%add3A_9] : memref<320000xi32, #tpu.memory_space<hbm>> -> memref<80xi32, #tpu.memory_space<hbm>>
    %dma_start3A_11 = tpu.memref_slice %arg4[%add3A_9] : memref<320000xi32, #tpu.memory_space<hbm>> -> memref<80xi32, #tpu.memory_space<hbm>>
    tpu.enqueue_dma source(%dma_start3A_11 : memref<80xi32, #tpu.memory_space<hbm>>) target(%arg11 : memref<80xi32, #tpu.memory_space<vmem>>) target_semaphore(%arg29 : memref<!tpu.dma_semaphore, #tpu.memory_space<semaphore_mem>>)
    %mul3A_12 = arith.constant 10000 : i32
    %mul3A_13 = arith.muli %add3A, %mul3A_12 : i32
    %add3A_14 = arith.constant 80 : i32
    %add3A_15 = arith.addi %mul3A_13, %add3A_14 : i32
    %dma_start3A_16 = tpu.memref_slice %arg3[%add3A_15] : memref<320000xi32, #tpu.memory_space<hbm>> -> memref<80xi32, #tpu.memory_space<hbm>>
    %dma_start3A_17 = tpu.memref_slice %arg3[%add3A_15] : memref<320000xi32, #tpu.memory_space<hbm>> -> memref<80xi32, #tpu.memory_space<hbm>>
    tpu.enqueue_dma source(%dma_start3A_17 : memref<80xi32, #tpu.memory_space<hbm>>) target(%arg8 : memref<80xi32, #tpu.memory_space<vmem>>) target_semaphore(%arg34 : memref<!tpu.dma_semaphore, #tpu.memory_space<semaphore_mem>>)
    %mul3A_18 = arith.constant 10000 : i32
    %mul3A_19 = arith.muli %add3A, %mul3A_18 : i32
    %add3A_20 = arith.constant 80 : i32
    %add3A_21 = arith.addi %mul3A_19, %add3A_20 : i32
    %dma_start3A_22 = tpu.memref_slice %arg4[%add3A_21] : memref<320000xi32, #tpu.memory_space<hbm>> -> memref<80xi32, #tpu.memory_space<hbm>>
    %dma_start3A_23 = tpu.memref_slice %arg4[%add3A_21] : memref<320000xi32, #tpu.memory_space<hbm>> -> memref<80xi32, #tpu.memory_space<hbm>>
    tpu.enqueue_dma source(%dma_start3A_23 : memref<80xi32, #tpu.memory_space<hbm>>) target(%arg12 : memref<80xi32, #tpu.memory_space<vmem>>) target_semaphore(%arg30 : memref<!tpu.dma_semaphore, #tpu.memory_space<semaphore_mem>>)
    %mul3A_24 = arith.constant 10000 : i32
    %mul3A_25 = arith.muli %add3A, %mul3A_24 : i32
    %add3A_26 = arith.constant 160 : i32
    %add3A_27 = arith.addi %mul3A_25, %add3A_26 : i32
    %dma_start3A_28 = tpu.memref_slice %arg3[%add3A_27] : memref<320000xi32, #tpu.memory_space<hbm>> -> memref<80xi32, #tpu.memory_space<hbm>>
    %dma_start3A_29 = tpu.memref_slice %arg3[%add3A_27] : memref<320000xi32, #tpu.memory_space<hbm>> -> memref<80xi32, #tpu.memory_space<hbm>>
    tpu.enqueue_dma source(%dma_start3A_29 : memref<80xi32, #tpu.memory_space<hbm>>) target(%arg9 : memref<80xi32, #tpu.memory_space<vmem>>) target_semaphore(%arg35 : memref<!tpu.dma_semaphore, #tpu.memory_space<semaphore_mem>>)
    %mul3A_30 = arith.constant 10000 : i32
    %mul3A_31 = arith.muli %add3A, %mul3A_30 : i32
    %add3A_32 = arith.constant 160 : i32
    %add3A_33 = arith.addi %mul3A_31, %add3A_32 : i32
    %dma_start3A_34 = tpu.memref_slice %arg4[%add3A_33] : memref<320000xi32, #tpu.memory_space<hbm>> -> memref<80xi32, #tpu.memory_space<hbm>>
    %dma_start3A_35 = tpu.memref_slice %arg4[%add3A_33] : memref<320000xi32, #tpu.memory_space<hbm>> -> memref<80xi32, #tpu.memory_space<hbm>>
    tpu.enqueue_dma source(%dma_start3A_35 : memref<80xi32, #tpu.memory_space<hbm>>) target(%arg13 : memref<80xi32, #tpu.memory_space<vmem>>) target_semaphore(%arg31 : memref<!tpu.dma_semaphore, #tpu.memory_space<semaphore_mem>>)
    %mul3A_36 = arith.constant 10000 : i32
    %mul3A_37 = arith.muli %add3A, %mul3A_36 : i32
    %add3A_38 = arith.constant 240 : i32
    %add3A_39 = arith.addi %mul3A_37, %add3A_38 : i32
    %dma_start3A_40 = tpu.memref_slice %arg3[%add3A_39] : memref<320000xi32, #tpu.memory_space<hbm>> -> memref<80xi32, #tpu.memory_space<hbm>>
    %dma_start3A_41 = tpu.memref_slice %arg3[%add3A_39] : memref<320000xi32, #tpu.memory_space<hbm>> -> memref<80xi32, #tpu.memory_space<hbm>>
    tpu.enqueue_dma source(%dma_start3A_41 : memref<80xi32, #tpu.memory_space<hbm>>) target(%arg10 : memref<80xi32, #tpu.memory_space<vmem>>) target_semaphore(%arg36 : memref<!tpu.dma_semaphore, #tpu.memory_space<semaphore_mem>>)
    %mul3A_42 = arith.constant 10000 : i32
    %mul3A_43 = arith.muli %add3A, %mul3A_42 : i32
    %add3A_44 = arith.constant 240 : i32
    %add3A_45 = arith.addi %mul3A_43, %add3A_44 : i32
    %dma_start3A_46 = tpu.memref_slice %arg4[%add3A_45] : memref<320000xi32, #tpu.memory_space<hbm>> -> memref<80xi32, #tpu.memory_space<hbm>>
    %dma_start3A_47 = tpu.memref_slice %arg4[%add3A_45] : memref<320000xi32, #tpu.memory_space<hbm>> -> memref<80xi32, #tpu.memory_space<hbm>>
    tpu.enqueue_dma source(%dma_start3A_47 : memref<80xi32, #tpu.memory_space<hbm>>) target(%arg14 : memref<80xi32, #tpu.memory_space<vmem>>) target_semaphore(%arg32 : memref<!tpu.dma_semaphore, #tpu.memory_space<semaphore_mem>>)
    %mul3A_48 = arith.constant 10000 : i32
    %mul3A_49 = arith.muli %add3A, %mul3A_48 : i32
    %add3A_50 = arith.constant 0 : i32
    %add3A_51 = arith.addi %mul3A_49, %add3A_50 : i32
    %dma_wait3A = tpu.memref_slice %arg3[%add3A_51] : memref<320000xi32, #tpu.memory_space<hbm>> -> memref<80xi32, #tpu.memory_space<hbm>>
    %dma_wait3A_52 = tpu.memref_slice %arg3[%add3A_51] : memref<320000xi32, #tpu.memory_space<hbm>> -> memref<80xi32, #tpu.memory_space<hbm>>
    tpu.wait_dma2 semaphore(%arg33 : memref<!tpu.dma_semaphore, #tpu.memory_space<semaphore_mem>>) src(%dma_wait3A_52 : memref<80xi32, #tpu.memory_space<hbm>>) dst(%arg7 : memref<80xi32, #tpu.memory_space<vmem>>)
    %dma_start3A_53 = arith.constant 0 : i32
    %dma_start3A_54 = arith.constant 0 : i32
    %dma_start3A_55 = tpu.memref_slice %arg2[%dma_start3A_53, %dma_start3A_54] : memref<10000x128xf32, #tpu.memory_space<hbm>> -> memref<10000x128xf32, #tpu.memory_space<hbm>>
    tpu.enqueue_indirect_dma source(%dma_start3A_55 : memref<10000x128xf32, #tpu.memory_space<hbm>>) target(%arg15 : memref<80x128xf32, #tpu.memory_space<vmem>>) offsets(%arg7 : memref<80xi32, #tpu.memory_space<vmem>>) semaphore(%arg21 : memref<!tpu.dma_semaphore, #tpu.memory_space<semaphore_mem>>)
    %mul3A_56 = arith.constant 10000 : i32
    %mul3A_57 = arith.muli %add3A, %mul3A_56 : i32
    %add3A_58 = arith.constant 80 : i32
    %add3A_59 = arith.addi %mul3A_57, %add3A_58 : i32
    %dma_wait3A_60 = tpu.memref_slice %arg3[%add3A_59] : memref<320000xi32, #tpu.memory_space<hbm>> -> memref<80xi32, #tpu.memory_space<hbm>>
    %dma_wait3A_61 = tpu.memref_slice %arg3[%add3A_59] : memref<320000xi32, #tpu.memory_space<hbm>> -> memref<80xi32, #tpu.memory_space<hbm>>
    tpu.wait_dma2 semaphore(%arg34 : memref<!tpu.dma_semaphore, #tpu.memory_space<semaphore_mem>>) src(%dma_wait3A_61 : memref<80xi32, #tpu.memory_space<hbm>>) dst(%arg8 : memref<80xi32, #tpu.memory_space<vmem>>)
    %dma_start3A_62 = arith.constant 0 : i32
    %dma_start3A_63 = arith.constant 0 : i32
    %dma_start3A_64 = tpu.memref_slice %arg2[%dma_start3A_62, %dma_start3A_63] : memref<10000x128xf32, #tpu.memory_space<hbm>> -> memref<10000x128xf32, #tpu.memory_space<hbm>>
    tpu.enqueue_indirect_dma source(%dma_start3A_64 : memref<10000x128xf32, #tpu.memory_space<hbm>>) target(%arg16 : memref<80x128xf32, #tpu.memory_space<vmem>>) offsets(%arg8 : memref<80xi32, #tpu.memory_space<vmem>>) semaphore(%arg22 : memref<!tpu.dma_semaphore, #tpu.memory_space<semaphore_mem>>)
    %mul3A_65 = arith.constant 10000 : i32
    %mul3A_66 = arith.muli %add3A, %mul3A_65 : i32
    %add3A_67 = arith.constant 160 : i32
    %add3A_68 = arith.addi %mul3A_66, %add3A_67 : i32
    %dma_wait3A_69 = tpu.memref_slice %arg3[%add3A_68] : memref<320000xi32, #tpu.memory_space<hbm>> -> memref<80xi32, #tpu.memory_space<hbm>>
    %dma_wait3A_70 = tpu.memref_slice %arg3[%add3A_68] : memref<320000xi32, #tpu.memory_space<hbm>> -> memref<80xi32, #tpu.memory_space<hbm>>
    tpu.wait_dma2 semaphore(%arg35 : memref<!tpu.dma_semaphore, #tpu.memory_space<semaphore_mem>>) src(%dma_wait3A_70 : memref<80xi32, #tpu.memory_space<hbm>>) dst(%arg9 : memref<80xi32, #tpu.memory_space<vmem>>)
    %dma_start3A_71 = arith.constant 0 : i32
    %dma_start3A_72 = arith.constant 0 : i32
    %dma_start3A_73 = tpu.memref_slice %arg2[%dma_start3A_71, %dma_start3A_72] : memref<10000x128xf32, #tpu.memory_space<hbm>> -> memref<10000x128xf32, #tpu.memory_space<hbm>>
    tpu.enqueue_indirect_dma source(%dma_start3A_73 : memref<10000x128xf32, #tpu.memory_space<hbm>>) target(%arg17 : memref<80x128xf32, #tpu.memory_space<vmem>>) offsets(%arg9 : memref<80xi32, #tpu.memory_space<vmem>>) semaphore(%arg23 : memref<!tpu.dma_semaphore, #tpu.memory_space<semaphore_mem>>)
    %mul3A_74 = arith.constant 10000 : i32
    %mul3A_75 = arith.muli %add3A, %mul3A_74 : i32
    %add3A_76 = arith.constant 240 : i32
    %add3A_77 = arith.addi %mul3A_75, %add3A_76 : i32
    %dma_wait3A_78 = tpu.memref_slice %arg3[%add3A_77] : memref<320000xi32, #tpu.memory_space<hbm>> -> memref<80xi32, #tpu.memory_space<hbm>>
    %dma_wait3A_79 = tpu.memref_slice %arg3[%add3A_77] : memref<320000xi32, #tpu.memory_space<hbm>> -> memref<80xi32, #tpu.memory_space<hbm>>
    tpu.wait_dma2 semaphore(%arg36 : memref<!tpu.dma_semaphore, #tpu.memory_space<semaphore_mem>>) src(%dma_wait3A_79 : memref<80xi32, #tpu.memory_space<hbm>>) dst(%arg10 : memref<80xi32, #tpu.memory_space<vmem>>)
    %dma_start3A_80 = arith.constant 0 : i32
    %dma_start3A_81 = arith.constant 0 : i32
    %dma_start3A_82 = tpu.memref_slice %arg2[%dma_start3A_80, %dma_start3A_81] : memref<10000x128xf32, #tpu.memory_space<hbm>> -> memref<10000x128xf32, #tpu.memory_space<hbm>>
    tpu.enqueue_indirect_dma source(%dma_start3A_82 : memref<10000x128xf32, #tpu.memory_space<hbm>>) target(%arg18 : memref<80x128xf32, #tpu.memory_space<vmem>>) offsets(%arg10 : memref<80xi32, #tpu.memory_space<vmem>>) semaphore(%arg24 : memref<!tpu.dma_semaphore, #tpu.memory_space<semaphore_mem>>)
    %scan3A = arith.constant 0 : i32
    %scan3A_83 = arith.constant 8 : i32
    %scan3A_84 = arith.addi %scan3A, %scan3A_83 : i32
    %scan3A_85 = arith.constant 1 : i32
    scf.for %scan3A_203 = %scan3A to %scan3A_84 step %scan3A_85  : i32 {
      %mul3A_204 = arith.constant 1 : i32
      %mul3A_205 = arith.muli %scan3A_203, %mul3A_204 : i32
      %add3A_206 = arith.constant 0 : i32
      %add3A_207 = arith.addi %add3A_206, %mul3A_205 : i32
      %scan3A_208 = arith.constant 0 : i32
      %scan3A_209 = arith.constant 8 : i32
      %scan3A_210 = arith.addi %scan3A_208, %scan3A_209 : i32
      %scan3A_211 = arith.constant 1 : i32
      scf.for %scan3A_213 = %scan3A_208 to %scan3A_210 step %scan3A_211  : i32 {
        %mul3A_214 = arith.constant 16 : i32
        %mul3A_215 = arith.muli %scan3A_213, %mul3A_214 : i32
        %add3A_216 = arith.constant 0 : i32
        %add3A_217 = arith.addi %add3A_216, %mul3A_215 : i32
        %broadcast_in_dim3A = arith.constant 0.000000e+00 : f32
        %broadcast_in_dim3A_218 = vector.broadcast %broadcast_in_dim3A : f32 to vector<16xf32>
        %swap3A = arith.index_cast %add3A_207 : i32 to index
        %swap3A_219 = arith.index_cast %add3A_217 : i32 to index
        %swap3A_220 = tpu.vector_load %arg19[%swap3A, %swap3A_219] {strides = array<i32>} : memref<8x128xf32, #tpu.memory_space<vmem>>, vector<1x16xf32>,
        %swap3A_221 = vector.shape_cast %swap3A_220 : vector<1x16xf32> to vector<16xf32>
        %swap3A_222 = vector.shape_cast %broadcast_in_dim3A_218 : vector<16xf32> to vector<1x16xf32>
        tpu.vector_store %arg19[%swap3A, %swap3A_219], %swap3A_222 {strides = array<i32>} : memref<8x128xf32, #tpu.memory_space<vmem>>, vector<1x16xf32>,
      }
      %scan3A_212 = arith.constant 8 : i32
    }
    %scan3A_86 = arith.constant 8 : i32
    %scan3A_87 = arith.constant 0 : i32
    %scan3A_88 = arith.constant 80 : i32
    %scan3A_89 = arith.addi %scan3A_87, %scan3A_88 : i32
    %scan3A_90 = arith.constant 1 : i32
    scf.for %scan3A_203 = %scan3A_87 to %scan3A_89 step %scan3A_90  : i32 {
      %mul3A_204 = arith.constant 1 : i32
      %mul3A_205 = arith.muli %scan3A_203, %mul3A_204 : i32
      %add3A_206 = arith.constant 0 : i32
      %add3A_207 = arith.addi %add3A_206, %mul3A_205 : i32
      %mul3A_208 = arith.constant 640 : i32
      %mul3A_209 = arith.muli %arg1, %mul3A_208 : i32
      %mul3A_210 = arith.constant 8 : i32
      %mul3A_211 = arith.muli %add3A_207, %mul3A_210 : i32
      %add3A_212 = arith.addi %mul3A_209, %mul3A_211 : i32
      "tpu.region"() ({
        %run_scoped3A = tpu.sem_alloc : memref<!tpu.dma_semaphore, #tpu.memory_space<semaphore_mem>>
        %dma_start3A_213 = arith.constant 0 : i32
        %dma_start3A_214 = tpu.memref_slice %arg20[%add3A_212, %dma_start3A_213] : memref<10240x128xf32, #tpu.memory_space<vmem_shared>> -> memref<8x128xf32, #tpu.memory_space<vmem_shared>>
        %dma_start3A_215 = arith.constant 0 : i32
        %dma_start3A_216 = tpu.memref_slice %arg20[%add3A_212, %dma_start3A_215] : memref<10240x128xf32, #tpu.memory_space<vmem_shared>> -> memref<8x128xf32, #tpu.memory_space<vmem_shared>>
        tpu.enqueue_dma source(%arg19 : memref<8x128xf32, #tpu.memory_space<vmem>>) target(%dma_start3A_216 : memref<8x128xf32, #tpu.memory_space<vmem_shared>>) target_semaphore(%run_scoped3A : memref<!tpu.dma_semaphore, #tpu.memory_space<semaphore_mem>>)
        %dma_wait3A_217 = arith.constant 0 : i32
        %dma_wait3A_218 = tpu.memref_slice %arg20[%add3A_212, %dma_wait3A_217] : memref<10240x128xf32, #tpu.memory_space<vmem_shared>> -> memref<8x128xf32, #tpu.memory_space<vmem_shared>>
        %dma_wait3A_219 = arith.constant 0 : i32
        %dma_wait3A_220 = tpu.memref_slice %arg20[%add3A_212, %dma_wait3A_219] : memref<10240x128xf32, #tpu.memory_space<vmem_shared>> -> memref<8x128xf32, #tpu.memory_space<vmem_shared>>
        tpu.wait_dma2 semaphore(%run_scoped3A : memref<!tpu.dma_semaphore, #tpu.memory_space<semaphore_mem>>) src(%arg19 : memref<8x128xf32, #tpu.memory_space<vmem>>) dst(%dma_wait3A_220 : memref<8x128xf32, #tpu.memory_space<vmem_shared>>)
        tpu.yield
      }) : () -> ()
    }
    %scan3A_91 = arith.constant 80 : i32
    %barrier3A = arith.constant 0 : index
    tpu.barrier barrier_id(%barrier3A)
    %scan3A_92 = arith.constant 0 : i32
    %scan3A_93 = arith.constant 30 : i32
    %scan3A_94 = arith.addi %scan3A_92, %scan3A_93 : i32
    %scan3A_95 = arith.constant 1 : i32
    scf.for %scan3A_203 = %scan3A_92 to %scan3A_94 step %scan3A_95  : i32 {
      %mul3A_204 = arith.constant 1 : i32
      %mul3A_205 = arith.muli %scan3A_203, %mul3A_204 : i32
      %add3A_206 = arith.constant 0 : i32
      %add3A_207 = arith.addi %add3A_206, %mul3A_205 : i32
      %mul3A_208 = arith.constant 4 : i32
      %mul3A_209 = arith.muli %add3A_207, %mul3A_208 : i32
      %add3A_210 = arith.constant 0 : i32
      %add3A_211 = arith.addi %mul3A_209, %add3A_210 : i32
      %mul3A_212 = arith.constant 10000 : i32
      %mul3A_213 = arith.muli %add3A, %mul3A_212 : i32
      %mul3A_214 = arith.constant 80 : i32
      %mul3A_215 = arith.muli %add3A_211, %mul3A_214 : i32
      %add3A_216 = arith.addi %mul3A_213, %mul3A_215 : i32
      %dma_wait3A_217 = tpu.memref_slice %arg4[%add3A_216] : memref<320000xi32, #tpu.memory_space<hbm>> -> memref<80xi32, #tpu.memory_space<hbm>>
      %dma_wait3A_218 = tpu.memref_slice %arg4[%add3A_216] : memref<320000xi32, #tpu.memory_space<hbm>> -> memref<80xi32, #tpu.memory_space<hbm>>
      tpu.wait_dma2 semaphore(%arg29 : memref<!tpu.dma_semaphore, #tpu.memory_space<semaphore_mem>>) src(%dma_wait3A_218 : memref<80xi32, #tpu.memory_space<hbm>>) dst(%arg11 : memref<80xi32, #tpu.memory_space<vmem>>)
      %dma_wait3A_219 = arith.constant 0 : i32
      %dma_wait3A_220 = arith.constant 0 : i32
      %dma_wait3A_221 = tpu.memref_slice %arg2[%dma_wait3A_219, %dma_wait3A_220] : memref<10000x128xf32, #tpu.memory_space<hbm>> -> memref<10000x128xf32, #tpu.memory_space<hbm>>
      tpu.wait_indirect_dma semaphore(%arg21 : memref<!tpu.dma_semaphore, #tpu.memory_space<semaphore_mem>>) src(%dma_wait3A_221 : memref<10000x128xf32, #tpu.memory_space<hbm>>) dst(%arg15 : memref<80x128xf32, #tpu.memory_space<vmem>>)
      %dma_start3A_222 = arith.constant 0 : i32
      %dma_start3A_223 = arith.constant 0 : i32
      %dma_start3A_224 = tpu.memref_slice %arg20[%dma_start3A_222, %dma_start3A_223] : memref<10240x128xf32, #tpu.memory_space<vmem_shared>> -> memref<10240x128xf32, #tpu.memory_space<vmem_shared>>
      tpu.enqueue_indirect_dma source(%arg15 : memref<80x128xf32, #tpu.memory_space<vmem>>) target(%dma_start3A_224 : memref<10240x128xf32, #tpu.memory_space<vmem_shared>>) offsets(%arg11 : memref<80xi32, #tpu.memory_space<vmem>>) semaphore(%arg25 : memref<!tpu.dma_semaphore, #tpu.memory_space<semaphore_mem>>) {add = true}
      %add3A_225 = arith.constant 4 : i32
      %add3A_226 = arith.addi %mul3A_209, %add3A_225 : i32
      %add3A_227 = arith.constant 0 : i32
      %add3A_228 = arith.addi %add3A_226, %add3A_227 : i32
      %mul3A_229 = arith.constant 10000 : i32
      %mul3A_230 = arith.muli %add3A, %mul3A_229 : i32
      %mul3A_231 = arith.constant 80 : i32
      %mul3A_232 = arith.muli %add3A_228, %mul3A_231 : i32
      %add3A_233 = arith.addi %mul3A_230, %mul3A_232 : i32
      %dma_start3A_234 = tpu.memref_slice %arg3[%add3A_233] : memref<320000xi32, #tpu.memory_space<hbm>> -> memref<80xi32, #tpu.memory_space<hbm>>
      %dma_start3A_235 = tpu.memref_slice %arg3[%add3A_233] : memref<320000xi32, #tpu.memory_space<hbm>> -> memref<80xi32, #tpu.memory_space<hbm>>
      tpu.enqueue_dma source(%dma_start3A_235 : memref<80xi32, #tpu.memory_space<hbm>>) target(%arg7 : memref<80xi32, #tpu.memory_space<vmem>>) target_semaphore(%arg33 : memref<!tpu.dma_semaphore, #tpu.memory_space<semaphore_mem>>)
      %add3A_236 = arith.constant 1 : i32
      %add3A_237 = arith.addi %mul3A_209, %add3A_236 : i32
      %mul3A_238 = arith.constant 10000 : i32
      %mul3A_239 = arith.muli %add3A, %mul3A_238 : i32
      %mul3A_240 = arith.constant 80 : i32
      %mul3A_241 = arith.muli %add3A_237, %mul3A_240 : i32
      %add3A_242 = arith.addi %mul3A_239, %mul3A_241 : i32
      %dma_wait3A_243 = tpu.memref_slice %arg4[%add3A_242] : memref<320000xi32, #tpu.memory_space<hbm>> -> memref<80xi32, #tpu.memory_space<hbm>>
      %dma_wait3A_244 = tpu.memref_slice %arg4[%add3A_242] : memref<320000xi32, #tpu.memory_space<hbm>> -> memref<80xi32, #tpu.memory_space<hbm>>
      tpu.wait_dma2 semaphore(%arg30 : memref<!tpu.dma_semaphore, #tpu.memory_space<semaphore_mem>>) src(%dma_wait3A_244 : memref<80xi32, #tpu.memory_space<hbm>>) dst(%arg12 : memref<80xi32, #tpu.memory_space<vmem>>)
      %dma_wait3A_245 = arith.constant 0 : i32
      %dma_wait3A_246 = arith.constant 0 : i32
      %dma_wait3A_247 = tpu.memref_slice %arg2[%dma_wait3A_245, %dma_wait3A_246] : memref<10000x128xf32, #tpu.memory_space<hbm>> -> memref<10000x128xf32, #tpu.memory_space<hbm>>
      tpu.wait_indirect_dma semaphore(%arg22 : memref<!tpu.dma_semaphore, #tpu.memory_space<semaphore_mem>>) src(%dma_wait3A_247 : memref<10000x128xf32, #tpu.memory_space<hbm>>) dst(%arg16 : memref<80x128xf32, #tpu.memory_space<vmem>>)
      %dma_start3A_248 = arith.constant 0 : i32
      %dma_start3A_249 = arith.constant 0 : i32
      %dma_start3A_250 = tpu.memref_slice %arg20[%dma_start3A_248, %dma_start3A_249] : memref<10240x128xf32, #tpu.memory_space<vmem_shared>> -> memref<10240x128xf32, #tpu.memory_space<vmem_shared>>
      tpu.enqueue_indirect_dma source(%arg16 : memref<80x128xf32, #tpu.memory_space<vmem>>) target(%dma_start3A_250 : memref<10240x128xf32, #tpu.memory_space<vmem_shared>>) offsets(%arg12 : memref<80xi32, #tpu.memory_space<vmem>>) semaphore(%arg26 : memref<!tpu.dma_semaphore, #tpu.memory_space<semaphore_mem>>) {add = true}
      %add3A_251 = arith.constant 4 : i32
      %add3A_252 = arith.addi %mul3A_209, %add3A_251 : i32
      %add3A_253 = arith.constant 1 : i32
      %add3A_254 = arith.addi %add3A_252, %add3A_253 : i32
      %mul3A_255 = arith.constant 10000 : i32
      %mul3A_256 = arith.muli %add3A, %mul3A_255 : i32
      %mul3A_257 = arith.constant 80 : i32
      %mul3A_258 = arith.muli %add3A_254, %mul3A_257 : i32
      %add3A_259 = arith.addi %mul3A_256, %mul3A_258 : i32
      %dma_start3A_260 = tpu.memref_slice %arg3[%add3A_259] : memref<320000xi32, #tpu.memory_space<hbm>> -> memref<80xi32, #tpu.memory_space<hbm>>
      %dma_start3A_261 = tpu.memref_slice %arg3[%add3A_259] : memref<320000xi32, #tpu.memory_space<hbm>> -> memref<80xi32, #tpu.memory_space<hbm>>
      tpu.enqueue_dma source(%dma_start3A_261 : memref<80xi32, #tpu.memory_space<hbm>>) target(%arg8 : memref<80xi32, #tpu.memory_space<vmem>>) target_semaphore(%arg34 : memref<!tpu.dma_semaphore, #tpu.memory_space<semaphore_mem>>)
      %add3A_262 = arith.constant 2 : i32
      %add3A_263 = arith.addi %mul3A_209, %add3A_262 : i32
      %mul3A_264 = arith.constant 10000 : i32
      %mul3A_265 = arith.muli %add3A, %mul3A_264 : i32
      %mul3A_266 = arith.constant 80 : i32
      %mul3A_267 = arith.muli %add3A_263, %mul3A_266 : i32
      %add3A_268 = arith.addi %mul3A_265, %mul3A_267 : i32
      %dma_wait3A_269 = tpu.memref_slice %arg4[%add3A_268] : memref<320000xi32, #tpu.memory_space<hbm>> -> memref<80xi32, #tpu.memory_space<hbm>>
      %dma_wait3A_270 = tpu.memref_slice %arg4[%add3A_268] : memref<320000xi32, #tpu.memory_space<hbm>> -> memref<80xi32, #tpu.memory_space<hbm>>
      tpu.wait_dma2 semaphore(%arg31 : memref<!tpu.dma_semaphore, #tpu.memory_space<semaphore_mem>>) src(%dma_wait3A_270 : memref<80xi32, #tpu.memory_space<hbm>>) dst(%arg13 : memref<80xi32, #tpu.memory_space<vmem>>)
      %dma_wait3A_271 = arith.constant 0 : i32
      %dma_wait3A_272 = arith.constant 0 : i32
      %dma_wait3A_273 = tpu.memref_slice %arg2[%dma_wait3A_271, %dma_wait3A_272] : memref<10000x128xf32, #tpu.memory_space<hbm>> -> memref<10000x128xf32, #tpu.memory_space<hbm>>
      tpu.wait_indirect_dma semaphore(%arg23 : memref<!tpu.dma_semaphore, #tpu.memory_space<semaphore_mem>>) src(%dma_wait3A_273 : memref<10000x128xf32, #tpu.memory_space<hbm>>) dst(%arg17 : memref<80x128xf32, #tpu.memory_space<vmem>>)
      %dma_start3A_274 = arith.constant 0 : i32
      %dma_start3A_275 = arith.constant 0 : i32
      %dma_start3A_276 = tpu.memref_slice %arg20[%dma_start3A_274, %dma_start3A_275] : memref<10240x128xf32, #tpu.memory_space<vmem_shared>> -> memref<10240x128xf32, #tpu.memory_space<vmem_shared>>
      tpu.enqueue_indirect_dma source(%arg17 : memref<80x128xf32, #tpu.memory_space<vmem>>) target(%dma_start3A_276 : memref<10240x128xf32, #tpu.memory_space<vmem_shared>>) offsets(%arg13 : memref<80xi32, #tpu.memory_space<vmem>>) semaphore(%arg27 : memref<!tpu.dma_semaphore, #tpu.memory_space<semaphore_mem>>) {add = true}
      %add3A_277 = arith.constant 4 : i32
      %add3A_278 = arith.addi %mul3A_209, %add3A_277 : i32
      %add3A_279 = arith.constant 2 : i32
      %add3A_280 = arith.addi %add3A_278, %add3A_279 : i32
      %mul3A_281 = arith.constant 10000 : i32
      %mul3A_282 = arith.muli %add3A, %mul3A_281 : i32
      %mul3A_283 = arith.constant 80 : i32
      %mul3A_284 = arith.muli %add3A_280, %mul3A_283 : i32
      %add3A_285 = arith.addi %mul3A_282, %mul3A_284 : i32
      %dma_start3A_286 = tpu.memref_slice %arg3[%add3A_285] : memref<320000xi32, #tpu.memory_space<hbm>> -> memref<80xi32, #tpu.memory_space<hbm>>
      %dma_start3A_287 = tpu.memref_slice %arg3[%add3A_285] : memref<320000xi32, #tpu.memory_space<hbm>> -> memref<80xi32, #tpu.memory_space<hbm>>
      tpu.enqueue_dma source(%dma_start3A_287 : memref<80xi32, #tpu.memory_space<hbm>>) target(%arg9 : memref<80xi32, #tpu.memory_space<vmem>>) target_semaphore(%arg35 : memref<!tpu.dma_semaphore, #tpu.memory_space<semaphore_mem>>)
      %add3A_288 = arith.constant 3 : i32
      %add3A_289 = arith.addi %mul3A_209, %add3A_288 : i32
      %mul3A_290 = arith.constant 10000 : i32
      %mul3A_291 = arith.muli %add3A, %mul3A_290 : i32
      %mul3A_292 = arith.constant 80 : i32
      %mul3A_293 = arith.muli %add3A_289, %mul3A_292 : i32
      %add3A_294 = arith.addi %mul3A_291, %mul3A_293 : i32
      %dma_wait3A_295 = tpu.memref_slice %arg4[%add3A_294] : memref<320000xi32, #tpu.memory_space<hbm>> -> memref<80xi32, #tpu.memory_space<hbm>>
      %dma_wait3A_296 = tpu.memref_slice %arg4[%add3A_294] : memref<320000xi32, #tpu.memory_space<hbm>> -> memref<80xi32, #tpu.memory_space<hbm>>
      tpu.wait_dma2 semaphore(%arg32 : memref<!tpu.dma_semaphore, #tpu.memory_space<semaphore_mem>>) src(%dma_wait3A_296 : memref<80xi32, #tpu.memory_space<hbm>>) dst(%arg14 : memref<80xi32, #tpu.memory_space<vmem>>)
      %dma_wait3A_297 = arith.constant 0 : i32
      %dma_wait3A_298 = arith.constant 0 : i32
      %dma_wait3A_299 = tpu.memref_slice %arg2[%dma_wait3A_297, %dma_wait3A_298] : memref<10000x128xf32, #tpu.memory_space<hbm>> -> memref<10000x128xf32, #tpu.memory_space<hbm>>
      tpu.wait_indirect_dma semaphore(%arg24 : memref<!tpu.dma_semaphore, #tpu.memory_space<semaphore_mem>>) src(%dma_wait3A_299 : memref<10000x128xf32, #tpu.memory_space<hbm>>) dst(%arg18 : memref<80x128xf32, #tpu.memory_space<vmem>>)
      %dma_start3A_300 = arith.constant 0 : i32
      %dma_start3A_301 = arith.constant 0 : i32
      %dma_start3A_302 = tpu.memref_slice %arg20[%dma_start3A_300, %dma_start3A_301] : memref<10240x128xf32, #tpu.memory_space<vmem_shared>> -> memref<10240x128xf32, #tpu.memory_space<vmem_shared>>
      tpu.enqueue_indirect_dma source(%arg18 : memref<80x128xf32, #tpu.memory_space<vmem>>) target(%dma_start3A_302 : memref<10240x128xf32, #tpu.memory_space<vmem_shared>>) offsets(%arg14 : memref<80xi32, #tpu.memory_space<vmem>>) semaphore(%arg28 : memref<!tpu.dma_semaphore, #tpu.memory_space<semaphore_mem>>) {add = true}
      %add3A_303 = arith.constant 4 : i32
      %add3A_304 = arith.addi %mul3A_209, %add3A_303 : i32
      %add3A_305 = arith.constant 3 : i32
      %add3A_306 = arith.addi %add3A_304, %add3A_305 : i32
      %mul3A_307 = arith.constant 10000 : i32
      %mul3A_308 = arith.muli %add3A, %mul3A_307 : i32
      %mul3A_309 = arith.constant 80 : i32
      %mul3A_310 = arith.muli %add3A_306, %mul3A_309 : i32
      %add3A_311 = arith.addi %mul3A_308, %mul3A_310 : i32
      %dma_start3A_312 = tpu.memref_slice %arg3[%add3A_311] : memref<320000xi32, #tpu.memory_space<hbm>> -> memref<80xi32, #tpu.memory_space<hbm>>
      %dma_start3A_313 = tpu.memref_slice %arg3[%add3A_311] : memref<320000xi32, #tpu.memory_space<hbm>> -> memref<80xi32, #tpu.memory_space<hbm>>
      tpu.enqueue_dma source(%dma_start3A_313 : memref<80xi32, #tpu.memory_space<hbm>>) target(%arg10 : memref<80xi32, #tpu.memory_space<vmem>>) target_semaphore(%arg36 : memref<!tpu.dma_semaphore, #tpu.memory_space<semaphore_mem>>)
      %dma_wait3A_314 = arith.constant 0 : i32
      %dma_wait3A_315 = arith.constant 0 : i32
      %dma_wait3A_316 = tpu.memref_slice %arg20[%dma_wait3A_314, %dma_wait3A_315] : memref<10240x128xf32, #tpu.memory_space<vmem_shared>> -> memref<10240x128xf32, #tpu.memory_space<vmem_shared>>
      tpu.wait_indirect_dma semaphore(%arg25 : memref<!tpu.dma_semaphore, #tpu.memory_space<semaphore_mem>>) src(%arg15 : memref<80x128xf32, #tpu.memory_space<vmem>>) dst(%dma_wait3A_316 : memref<10240x128xf32, #tpu.memory_space<vmem_shared>>)
      %add3A_317 = arith.constant 4 : i32
      %add3A_318 = arith.addi %mul3A_209, %add3A_317 : i32
      %add3A_319 = arith.constant 0 : i32
      %add3A_320 = arith.addi %add3A_318, %add3A_319 : i32
      %mul3A_321 = arith.constant 10000 : i32
      %mul3A_322 = arith.muli %add3A, %mul3A_321 : i32
      %mul3A_323 = arith.constant 80 : i32
      %mul3A_324 = arith.muli %add3A_320, %mul3A_323 : i32
      %add3A_325 = arith.addi %mul3A_322, %mul3A_324 : i32
      %dma_start3A_326 = tpu.memref_slice %arg4[%add3A_325] : memref<320000xi32, #tpu.memory_space<hbm>> -> memref<80xi32, #tpu.memory_space<hbm>>
      %dma_start3A_327 = tpu.memref_slice %arg4[%add3A_325] : memref<320000xi32, #tpu.memory_space<hbm>> -> memref<80xi32, #tpu.memory_space<hbm>>
      tpu.enqueue_dma source(%dma_start3A_327 : memref<80xi32, #tpu.memory_space<hbm>>) target(%arg11 : memref<80xi32, #tpu.memory_space<vmem>>) target_semaphore(%arg29 : memref<!tpu.dma_semaphore, #tpu.memory_space<semaphore_mem>>)
      %add3A_328 = arith.constant 4 : i32
      %add3A_329 = arith.addi %mul3A_209, %add3A_328 : i32
      %add3A_330 = arith.constant 0 : i32
      %add3A_331 = arith.addi %add3A_329, %add3A_330 : i32
      %mul3A_332 = arith.constant 10000 : i32
      %mul3A_333 = arith.muli %add3A, %mul3A_332 : i32
      %mul3A_334 = arith.constant 80 : i32
      %mul3A_335 = arith.muli %add3A_331, %mul3A_334 : i32
      %add3A_336 = arith.addi %mul3A_333, %mul3A_335 : i32
      %dma_wait3A_337 = tpu.memref_slice %arg3[%add3A_336] : memref<320000xi32, #tpu.memory_space<hbm>> -> memref<80xi32, #tpu.memory_space<hbm>>
      %dma_wait3A_338 = tpu.memref_slice %arg3[%add3A_336] : memref<320000xi32, #tpu.memory_space<hbm>> -> memref<80xi32, #tpu.memory_space<hbm>>
      tpu.wait_dma2 semaphore(%arg33 : memref<!tpu.dma_semaphore, #tpu.memory_space<semaphore_mem>>) src(%dma_wait3A_338 : memref<80xi32, #tpu.memory_space<hbm>>) dst(%arg7 : memref<80xi32, #tpu.memory_space<vmem>>)
      %dma_start3A_339 = arith.constant 0 : i32
      %dma_start3A_340 = arith.constant 0 : i32
      %dma_start3A_341 = tpu.memref_slice %arg2[%dma_start3A_339, %dma_start3A_340] : memref<10000x128xf32, #tpu.memory_space<hbm>> -> memref<10000x128xf32, #tpu.memory_space<hbm>>
      tpu.enqueue_indirect_dma source(%dma_start3A_341 : memref<10000x128xf32, #tpu.memory_space<hbm>>) target(%arg15 : memref<80x128xf32, #tpu.memory_space<vmem>>) offsets(%arg7 : memref<80xi32, #tpu.memory_space<vmem>>) semaphore(%arg21 : memref<!tpu.dma_semaphore, #tpu.memory_space<semaphore_mem>>)
      %dma_wait3A_342 = arith.constant 0 : i32
      %dma_wait3A_343 = arith.constant 0 : i32
      %dma_wait3A_344 = tpu.memref_slice %arg20[%dma_wait3A_342, %dma_wait3A_343] : memref<10240x128xf32, #tpu.memory_space<vmem_shared>> -> memref<10240x128xf32, #tpu.memory_space<vmem_shared>>
      tpu.wait_indirect_dma semaphore(%arg26 : memref<!tpu.dma_semaphore, #tpu.memory_space<semaphore_mem>>) src(%arg16 : memref<80x128xf32, #tpu.memory_space<vmem>>) dst(%dma_wait3A_344 : memref<10240x128xf32, #tpu.memory_space<vmem_shared>>)
      %add3A_345 = arith.constant 4 : i32
      %add3A_346 = arith.addi %mul3A_209, %add3A_345 : i32
      %add3A_347 = arith.constant 1 : i32
      %add3A_348 = arith.addi %add3A_346, %add3A_347 : i32
      %mul3A_349 = arith.constant 10000 : i32
      %mul3A_350 = arith.muli %add3A, %mul3A_349 : i32
      %mul3A_351 = arith.constant 80 : i32
      %mul3A_352 = arith.muli %add3A_348, %mul3A_351 : i32
      %add3A_353 = arith.addi %mul3A_350, %mul3A_352 : i32
      %dma_start3A_354 = tpu.memref_slice %arg4[%add3A_353] : memref<320000xi32, #tpu.memory_space<hbm>> -> memref<80xi32, #tpu.memory_space<hbm>>
      %dma_start3A_355 = tpu.memref_slice %arg4[%add3A_353] : memref<320000xi32, #tpu.memory_space<hbm>> -> memref<80xi32, #tpu.memory_space<hbm>>
      tpu.enqueue_dma source(%dma_start3A_355 : memref<80xi32, #tpu.memory_space<hbm>>) target(%arg12 : memref<80xi32, #tpu.memory_space<vmem>>) target_semaphore(%arg30 : memref<!tpu.dma_semaphore, #tpu.memory_space<semaphore_mem>>)
      %add3A_356 = arith.constant 4 : i32
      %add3A_357 = arith.addi %mul3A_209, %add3A_356 : i32
      %add3A_358 = arith.constant 1 : i32
      %add3A_359 = arith.addi %add3A_357, %add3A_358 : i32
      %mul3A_360 = arith.constant 10000 : i32
      %mul3A_361 = arith.muli %add3A, %mul3A_360 : i32
      %mul3A_362 = arith.constant 80 : i32
      %mul3A_363 = arith.muli %add3A_359, %mul3A_362 : i32
      %add3A_364 = arith.addi %mul3A_361, %mul3A_363 : i32
      %dma_wait3A_365 = tpu.memref_slice %arg3[%add3A_364] : memref<320000xi32, #tpu.memory_space<hbm>> -> memref<80xi32, #tpu.memory_space<hbm>>
      %dma_wait3A_366 = tpu.memref_slice %arg3[%add3A_364] : memref<320000xi32, #tpu.memory_space<hbm>> -> memref<80xi32, #tpu.memory_space<hbm>>
      tpu.wait_dma2 semaphore(%arg34 : memref<!tpu.dma_semaphore, #tpu.memory_space<semaphore_mem>>) src(%dma_wait3A_366 : memref<80xi32, #tpu.memory_space<hbm>>) dst(%arg8 : memref<80xi32, #tpu.memory_space<vmem>>)
      %dma_start3A_367 = arith.constant 0 : i32
      %dma_start3A_368 = arith.constant 0 : i32
      %dma_start3A_369 = tpu.memref_slice %arg2[%dma_start3A_367, %dma_start3A_368] : memref<10000x128xf32, #tpu.memory_space<hbm>> -> memref<10000x128xf32, #tpu.memory_space<hbm>>
      tpu.enqueue_indirect_dma source(%dma_start3A_369 : memref<10000x128xf32, #tpu.memory_space<hbm>>) target(%arg16 : memref<80x128xf32, #tpu.memory_space<vmem>>) offsets(%arg8 : memref<80xi32, #tpu.memory_space<vmem>>) semaphore(%arg22 : memref<!tpu.dma_semaphore, #tpu.memory_space<semaphore_mem>>)
      %dma_wait3A_370 = arith.constant 0 : i32
      %dma_wait3A_371 = arith.constant 0 : i32
      %dma_wait3A_372 = tpu.memref_slice %arg20[%dma_wait3A_370, %dma_wait3A_371] : memref<10240x128xf32, #tpu.memory_space<vmem_shared>> -> memref<10240x128xf32, #tpu.memory_space<vmem_shared>>
      tpu.wait_indirect_dma semaphore(%arg27 : memref<!tpu.dma_semaphore, #tpu.memory_space<semaphore_mem>>) src(%arg17 : memref<80x128xf32, #tpu.memory_space<vmem>>) dst(%dma_wait3A_372 : memref<10240x128xf32, #tpu.memory_space<vmem_shared>>)
      %add3A_373 = arith.constant 4 : i32
      %add3A_374 = arith.addi %mul3A_209, %add3A_373 : i32
      %add3A_375 = arith.constant 2 : i32
      %add3A_376 = arith.addi %add3A_374, %add3A_375 : i32
      %mul3A_377 = arith.constant 10000 : i32
      %mul3A_378 = arith.muli %add3A, %mul3A_377 : i32
      %mul3A_379 = arith.constant 80 : i32
      %mul3A_380 = arith.muli %add3A_376, %mul3A_379 : i32
      %add3A_381 = arith.addi %mul3A_378, %mul3A_380 : i32
      %dma_start3A_382 = tpu.memref_slice %arg4[%add3A_381] : memref<320000xi32, #tpu.memory_space<hbm>> -> memref<80xi32, #tpu.memory_space<hbm>>
      %dma_start3A_383 = tpu.memref_slice %arg4[%add3A_381] : memref<320000xi32, #tpu.memory_space<hbm>> -> memref<80xi32, #tpu.memory_space<hbm>>
      tpu.enqueue_dma source(%dma_start3A_383 : memref<80xi32, #tpu.memory_space<hbm>>) target(%arg13 : memref<80xi32, #tpu.memory_space<vmem>>) target_semaphore(%arg31 : memref<!tpu.dma_semaphore, #tpu.memory_space<semaphore_mem>>)
      %add3A_384 = arith.constant 4 : i32
      %add3A_385 = arith.addi %mul3A_209, %add3A_384 : i32
      %add3A_386 = arith.constant 2 : i32
      %add3A_387 = arith.addi %add3A_385, %add3A_386 : i32
      %mul3A_388 = arith.constant 10000 : i32
      %mul3A_389 = arith.muli %add3A, %mul3A_388 : i32
      %mul3A_390 = arith.constant 80 : i32
      %mul3A_391 = arith.muli %add3A_387, %mul3A_390 : i32
      %add3A_392 = arith.addi %mul3A_389, %mul3A_391 : i32
      %dma_wait3A_393 = tpu.memref_slice %arg3[%add3A_392] : memref<320000xi32, #tpu.memory_space<hbm>> -> memref<80xi32, #tpu.memory_space<hbm>>
      %dma_wait3A_394 = tpu.memref_slice %arg3[%add3A_392] : memref<320000xi32, #tpu.memory_space<hbm>> -> memref<80xi32, #tpu.memory_space<hbm>>
      tpu.wait_dma2 semaphore(%arg35 : memref<!tpu.dma_semaphore, #tpu.memory_space<semaphore_mem>>) src(%dma_wait3A_394 : memref<80xi32, #tpu.memory_space<hbm>>) dst(%arg9 : memref<80xi32, #tpu.memory_space<vmem>>)
      %dma_start3A_395 = arith.constant 0 : i32
      %dma_start3A_396 = arith.constant 0 : i32
      %dma_start3A_397 = tpu.memref_slice %arg2[%dma_start3A_395, %dma_start3A_396] : memref<10000x128xf32, #tpu.memory_space<hbm>> -> memref<10000x128xf32, #tpu.memory_space<hbm>>
      tpu.enqueue_indirect_dma source(%dma_start3A_397 : memref<10000x128xf32, #tpu.memory_space<hbm>>) target(%arg17 : memref<80x128xf32, #tpu.memory_space<vmem>>) offsets(%arg9 : memref<80xi32, #tpu.memory_space<vmem>>) semaphore(%arg23 : memref<!tpu.dma_semaphore, #tpu.memory_space<semaphore_mem>>)
      %dma_wait3A_398 = arith.constant 0 : i32
      %dma_wait3A_399 = arith.constant 0 : i32
      %dma_wait3A_400 = tpu.memref_slice %arg20[%dma_wait3A_398, %dma_wait3A_399] : memref<10240x128xf32, #tpu.memory_space<vmem_shared>> -> memref<10240x128xf32, #tpu.memory_space<vmem_shared>>
      tpu.wait_indirect_dma semaphore(%arg28 : memref<!tpu.dma_semaphore, #tpu.memory_space<semaphore_mem>>) src(%arg18 : memref<80x128xf32, #tpu.memory_space<vmem>>) dst(%dma_wait3A_400 : memref<10240x128xf32, #tpu.memory_space<vmem_shared>>)
      %add3A_401 = arith.constant 4 : i32
      %add3A_402 = arith.addi %mul3A_209, %add3A_401 : i32
      %add3A_403 = arith.constant 3 : i32
      %add3A_404 = arith.addi %add3A_402, %add3A_403 : i32
      %mul3A_405 = arith.constant 10000 : i32
      %mul3A_406 = arith.muli %add3A, %mul3A_405 : i32
      %mul3A_407 = arith.constant 80 : i32
      %mul3A_408 = arith.muli %add3A_404, %mul3A_407 : i32
      %add3A_409 = arith.addi %mul3A_406, %mul3A_408 : i32
      %dma_start3A_410 = tpu.memref_slice %arg4[%add3A_409] : memref<320000xi32, #tpu.memory_space<hbm>> -> memref<80xi32, #tpu.memory_space<hbm>>
      %dma_start3A_411 = tpu.memref_slice %arg4[%add3A_409] : memref<320000xi32, #tpu.memory_space<hbm>> -> memref<80xi32, #tpu.memory_space<hbm>>
      tpu.enqueue_dma source(%dma_start3A_411 : memref<80xi32, #tpu.memory_space<hbm>>) target(%arg14 : memref<80xi32, #tpu.memory_space<vmem>>) target_semaphore(%arg32 : memref<!tpu.dma_semaphore, #tpu.memory_space<semaphore_mem>>)
      %add3A_412 = arith.constant 4 : i32
      %add3A_413 = arith.addi %mul3A_209, %add3A_412 : i32
      %add3A_414 = arith.constant 3 : i32
      %add3A_415 = arith.addi %add3A_413, %add3A_414 : i32
      %mul3A_416 = arith.constant 10000 : i32
      %mul3A_417 = arith.muli %add3A, %mul3A_416 : i32
      %mul3A_418 = arith.constant 80 : i32
      %mul3A_419 = arith.muli %add3A_415, %mul3A_418 : i32
      %add3A_420 = arith.addi %mul3A_417, %mul3A_419 : i32
      %dma_wait3A_421 = tpu.memref_slice %arg3[%add3A_420] : memref<320000xi32, #tpu.memory_space<hbm>> -> memref<80xi32, #tpu.memory_space<hbm>>
      %dma_wait3A_422 = tpu.memref_slice %arg3[%add3A_420] : memref<320000xi32, #tpu.memory_space<hbm>> -> memref<80xi32, #tpu.memory_space<hbm>>
      tpu.wait_dma2 semaphore(%arg36 : memref<!tpu.dma_semaphore, #tpu.memory_space<semaphore_mem>>) src(%dma_wait3A_422 : memref<80xi32, #tpu.memory_space<hbm>>) dst(%arg10 : memref<80xi32, #tpu.memory_space<vmem>>)
      %dma_start3A_423 = arith.constant 0 : i32
      %dma_start3A_424 = arith.constant 0 : i32
      %dma_start3A_425 = tpu.memref_slice %arg2[%dma_start3A_423, %dma_start3A_424] : memref<10000x128xf32, #tpu.memory_space<hbm>> -> memref<10000x128xf32, #tpu.memory_space<hbm>>
      tpu.enqueue_indirect_dma source(%dma_start3A_425 : memref<10000x128xf32, #tpu.memory_space<hbm>>) target(%arg18 : memref<80x128xf32, #tpu.memory_space<vmem>>) offsets(%arg10 : memref<80xi32, #tpu.memory_space<vmem>>) semaphore(%arg24 : memref<!tpu.dma_semaphore, #tpu.memory_space<semaphore_mem>>)
    }
    %scan3A_96 = arith.constant 30 : i32
    %mul3A_97 = arith.constant 10000 : i32
    %mul3A_98 = arith.muli %add3A, %mul3A_97 : i32
    %add3A_99 = arith.constant 9600 : i32
    %add3A_100 = arith.addi %mul3A_98, %add3A_99 : i32
    %dma_wait3A_101 = tpu.memref_slice %arg4[%add3A_100] : memref<320000xi32, #tpu.memory_space<hbm>> -> memref<80xi32, #tpu.memory_space<hbm>>
    %dma_wait3A_102 = tpu.memref_slice %arg4[%add3A_100] : memref<320000xi32, #tpu.memory_space<hbm>> -> memref<80xi32, #tpu.memory_space<hbm>>
    tpu.wait_dma2 semaphore(%arg29 : memref<!tpu.dma_semaphore, #tpu.memory_space<semaphore_mem>>) src(%dma_wait3A_102 : memref<80xi32, #tpu.memory_space<hbm>>) dst(%arg11 : memref<80xi32, #tpu.memory_space<vmem>>)
    %dma_wait3A_103 = arith.constant 0 : i32
    %dma_wait3A_104 = arith.constant 0 : i32
    %dma_wait3A_105 = tpu.memref_slice %arg2[%dma_wait3A_103, %dma_wait3A_104] : memref<10000x128xf32, #tpu.memory_space<hbm>> -> memref<10000x128xf32, #tpu.memory_space<hbm>>
    tpu.wait_indirect_dma semaphore(%arg21 : memref<!tpu.dma_semaphore, #tpu.memory_space<semaphore_mem>>) src(%dma_wait3A_105 : memref<10000x128xf32, #tpu.memory_space<hbm>>) dst(%arg15 : memref<80x128xf32, #tpu.memory_space<vmem>>)
    %dma_start3A_106 = arith.constant 0 : i32
    %dma_start3A_107 = arith.constant 0 : i32
    %dma_start3A_108 = tpu.memref_slice %arg20[%dma_start3A_106, %dma_start3A_107] : memref<10240x128xf32, #tpu.memory_space<vmem_shared>> -> memref<10240x128xf32, #tpu.memory_space<vmem_shared>>
    tpu.enqueue_indirect_dma source(%arg15 : memref<80x128xf32, #tpu.memory_space<vmem>>) target(%dma_start3A_108 : memref<10240x128xf32, #tpu.memory_space<vmem_shared>>) offsets(%arg11 : memref<80xi32, #tpu.memory_space<vmem>>) semaphore(%arg25 : memref<!tpu.dma_semaphore, #tpu.memory_space<semaphore_mem>>) {add = true}
    %mul3A_109 = arith.constant 10000 : i32
    %mul3A_110 = arith.muli %add3A, %mul3A_109 : i32
    %add3A_111 = arith.constant 9920 : i32
    %add3A_112 = arith.addi %mul3A_110, %add3A_111 : i32
    %dma_start3A_113 = tpu.memref_slice %arg3[%add3A_112] : memref<320000xi32, #tpu.memory_space<hbm>> -> memref<80xi32, #tpu.memory_space<hbm>>
    %dma_start3A_114 = tpu.memref_slice %arg3[%add3A_112] : memref<320000xi32, #tpu.memory_space<hbm>> -> memref<80xi32, #tpu.memory_space<hbm>>
    tpu.enqueue_dma source(%dma_start3A_114 : memref<80xi32, #tpu.memory_space<hbm>>) target(%arg7 : memref<80xi32, #tpu.memory_space<vmem>>) target_semaphore(%arg33 : memref<!tpu.dma_semaphore, #tpu.memory_space<semaphore_mem>>)
    %mul3A_115 = arith.constant 10000 : i32
    %mul3A_116 = arith.muli %add3A, %mul3A_115 : i32
    %add3A_117 = arith.constant 9680 : i32
    %add3A_118 = arith.addi %mul3A_116, %add3A_117 : i32
    %dma_wait3A_119 = tpu.memref_slice %arg4[%add3A_118] : memref<320000xi32, #tpu.memory_space<hbm>> -> memref<80xi32, #tpu.memory_space<hbm>>
    %dma_wait3A_120 = tpu.memref_slice %arg4[%add3A_118] : memref<320000xi32, #tpu.memory_space<hbm>> -> memref<80xi32, #tpu.memory_space<hbm>>
    tpu.wait_dma2 semaphore(%arg30 : memref<!tpu.dma_semaphore, #tpu.memory_space<semaphore_mem>>) src(%dma_wait3A_120 : memref<80xi32, #tpu.memory_space<hbm>>) dst(%arg12 : memref<80xi32, #tpu.memory_space<vmem>>)
    %dma_wait3A_121 = arith.constant 0 : i32
    %dma_wait3A_122 = arith.constant 0 : i32
    %dma_wait3A_123 = tpu.memref_slice %arg2[%dma_wait3A_121, %dma_wait3A_122] : memref<10000x128xf32, #tpu.memory_space<hbm>> -> memref<10000x128xf32, #tpu.memory_space<hbm>>
    tpu.wait_indirect_dma semaphore(%arg22 : memref<!tpu.dma_semaphore, #tpu.memory_space<semaphore_mem>>) src(%dma_wait3A_123 : memref<10000x128xf32, #tpu.memory_space<hbm>>) dst(%arg16 : memref<80x128xf32, #tpu.memory_space<vmem>>)
    %dma_start3A_124 = arith.constant 0 : i32
    %dma_start3A_125 = arith.constant 0 : i32
    %dma_start3A_126 = tpu.memref_slice %arg20[%dma_start3A_124, %dma_start3A_125] : memref<10240x128xf32, #tpu.memory_space<vmem_shared>> -> memref<10240x128xf32, #tpu.memory_space<vmem_shared>>
    tpu.enqueue_indirect_dma source(%arg16 : memref<80x128xf32, #tpu.memory_space<vmem>>) target(%dma_start3A_126 : memref<10240x128xf32, #tpu.memory_space<vmem_shared>>) offsets(%arg12 : memref<80xi32, #tpu.memory_space<vmem>>) semaphore(%arg26 : memref<!tpu.dma_semaphore, #tpu.memory_space<semaphore_mem>>) {add = true}
    %mul3A_127 = arith.constant 10000 : i32
    %mul3A_128 = arith.muli %add3A, %mul3A_127 : i32
    %add3A_129 = arith.constant 9760 : i32
    %add3A_130 = arith.addi %mul3A_128, %add3A_129 : i32
    %dma_wait3A_131 = tpu.memref_slice %arg4[%add3A_130] : memref<320000xi32, #tpu.memory_space<hbm>> -> memref<80xi32, #tpu.memory_space<hbm>>
    %dma_wait3A_132 = tpu.memref_slice %arg4[%add3A_130] : memref<320000xi32, #tpu.memory_space<hbm>> -> memref<80xi32, #tpu.memory_space<hbm>>
    tpu.wait_dma2 semaphore(%arg31 : memref<!tpu.dma_semaphore, #tpu.memory_space<semaphore_mem>>) src(%dma_wait3A_132 : memref<80xi32, #tpu.memory_space<hbm>>) dst(%arg13 : memref<80xi32, #tpu.memory_space<vmem>>)
    %dma_wait3A_133 = arith.constant 0 : i32
    %dma_wait3A_134 = arith.constant 0 : i32
    %dma_wait3A_135 = tpu.memref_slice %arg2[%dma_wait3A_133, %dma_wait3A_134] : memref<10000x128xf32, #tpu.memory_space<hbm>> -> memref<10000x128xf32, #tpu.memory_space<hbm>>
    tpu.wait_indirect_dma semaphore(%arg23 : memref<!tpu.dma_semaphore, #tpu.memory_space<semaphore_mem>>) src(%dma_wait3A_135 : memref<10000x128xf32, #tpu.memory_space<hbm>>) dst(%arg17 : memref<80x128xf32, #tpu.memory_space<vmem>>)
    %dma_start3A_136 = arith.constant 0 : i32
    %dma_start3A_137 = arith.constant 0 : i32
    %dma_start3A_138 = tpu.memref_slice %arg20[%dma_start3A_136, %dma_start3A_137] : memref<10240x128xf32, #tpu.memory_space<vmem_shared>> -> memref<10240x128xf32, #tpu.memory_space<vmem_shared>>
    tpu.enqueue_indirect_dma source(%arg17 : memref<80x128xf32, #tpu.memory_space<vmem>>) target(%dma_start3A_138 : memref<10240x128xf32, #tpu.memory_space<vmem_shared>>) offsets(%arg13 : memref<80xi32, #tpu.memory_space<vmem>>) semaphore(%arg27 : memref<!tpu.dma_semaphore, #tpu.memory_space<semaphore_mem>>) {add = true}
    %mul3A_139 = arith.constant 10000 : i32
    %mul3A_140 = arith.muli %add3A, %mul3A_139 : i32
    %add3A_141 = arith.constant 9840 : i32
    %add3A_142 = arith.addi %mul3A_140, %add3A_141 : i32
    %dma_wait3A_143 = tpu.memref_slice %arg4[%add3A_142] : memref<320000xi32, #tpu.memory_space<hbm>> -> memref<80xi32, #tpu.memory_space<hbm>>
    %dma_wait3A_144 = tpu.memref_slice %arg4[%add3A_142] : memref<320000xi32, #tpu.memory_space<hbm>> -> memref<80xi32, #tpu.memory_space<hbm>>
    tpu.wait_dma2 semaphore(%arg32 : memref<!tpu.dma_semaphore, #tpu.memory_space<semaphore_mem>>) src(%dma_wait3A_144 : memref<80xi32, #tpu.memory_space<hbm>>) dst(%arg14 : memref<80xi32, #tpu.memory_space<vmem>>)
    %dma_wait3A_145 = arith.constant 0 : i32
    %dma_wait3A_146 = arith.constant 0 : i32
    %dma_wait3A_147 = tpu.memref_slice %arg2[%dma_wait3A_145, %dma_wait3A_146] : memref<10000x128xf32, #tpu.memory_space<hbm>> -> memref<10000x128xf32, #tpu.memory_space<hbm>>
    tpu.wait_indirect_dma semaphore(%arg24 : memref<!tpu.dma_semaphore, #tpu.memory_space<semaphore_mem>>) src(%dma_wait3A_147 : memref<10000x128xf32, #tpu.memory_space<hbm>>) dst(%arg18 : memref<80x128xf32, #tpu.memory_space<vmem>>)
    %dma_start3A_148 = arith.constant 0 : i32
    %dma_start3A_149 = arith.constant 0 : i32
    %dma_start3A_150 = tpu.memref_slice %arg20[%dma_start3A_148, %dma_start3A_149] : memref<10240x128xf32, #tpu.memory_space<vmem_shared>> -> memref<10240x128xf32, #tpu.memory_space<vmem_shared>>
    tpu.enqueue_indirect_dma source(%arg18 : memref<80x128xf32, #tpu.memory_space<vmem>>) target(%dma_start3A_150 : memref<10240x128xf32, #tpu.memory_space<vmem_shared>>) offsets(%arg14 : memref<80xi32, #tpu.memory_space<vmem>>) semaphore(%arg28 : memref<!tpu.dma_semaphore, #tpu.memory_space<semaphore_mem>>) {add = true}
    %dma_wait3A_151 = arith.constant 0 : i32
    %dma_wait3A_152 = arith.constant 0 : i32
    %dma_wait3A_153 = tpu.memref_slice %arg20[%dma_wait3A_151, %dma_wait3A_152] : memref<10240x128xf32, #tpu.memory_space<vmem_shared>> -> memref<10240x128xf32, #tpu.memory_space<vmem_shared>>
    tpu.wait_indirect_dma semaphore(%arg25 : memref<!tpu.dma_semaphore, #tpu.memory_space<semaphore_mem>>) src(%arg15 : memref<80x128xf32, #tpu.memory_space<vmem>>) dst(%dma_wait3A_153 : memref<10240x128xf32, #tpu.memory_space<vmem_shared>>)
    %mul3A_154 = arith.constant 10000 : i32
    %mul3A_155 = arith.muli %add3A, %mul3A_154 : i32
    %add3A_156 = arith.constant 9920 : i32
    %add3A_157 = arith.addi %mul3A_155, %add3A_156 : i32
    %dma_start3A_158 = tpu.memref_slice %arg4[%add3A_157] : memref<320000xi32, #tpu.memory_space<hbm>> -> memref<80xi32, #tpu.memory_space<hbm>>
    %dma_start3A_159 = tpu.memref_slice %arg4[%add3A_157] : memref<320000xi32, #tpu.memory_space<hbm>> -> memref<80xi32, #tpu.memory_space<hbm>>
    tpu.enqueue_dma source(%dma_start3A_159 : memref<80xi32, #tpu.memory_space<hbm>>) target(%arg11 : memref<80xi32, #tpu.memory_space<vmem>>) target_semaphore(%arg29 : memref<!tpu.dma_semaphore, #tpu.memory_space<semaphore_mem>>)
    %mul3A_160 = arith.constant 10000 : i32
    %mul3A_161 = arith.muli %add3A, %mul3A_160 : i32
    %add3A_162 = arith.constant 9920 : i32
    %add3A_163 = arith.addi %mul3A_161, %add3A_162 : i32
    %dma_wait3A_164 = tpu.memref_slice %arg3[%add3A_163] : memref<320000xi32, #tpu.memory_space<hbm>> -> memref<80xi32, #tpu.memory_space<hbm>>
    %dma_wait3A_165 = tpu.memref_slice %arg3[%add3A_163] : memref<320000xi32, #tpu.memory_space<hbm>> -> memref<80xi32, #tpu.memory_space<hbm>>
    tpu.wait_dma2 semaphore(%arg33 : memref<!tpu.dma_semaphore, #tpu.memory_space<semaphore_mem>>) src(%dma_wait3A_165 : memref<80xi32, #tpu.memory_space<hbm>>) dst(%arg7 : memref<80xi32, #tpu.memory_space<vmem>>)
    %dma_start3A_166 = arith.constant 0 : i32
    %dma_start3A_167 = arith.constant 0 : i32
    %dma_start3A_168 = tpu.memref_slice %arg2[%dma_start3A_166, %dma_start3A_167] : memref<10000x128xf32, #tpu.memory_space<hbm>> -> memref<10000x128xf32, #tpu.memory_space<hbm>>
    tpu.enqueue_indirect_dma source(%dma_start3A_168 : memref<10000x128xf32, #tpu.memory_space<hbm>>) target(%arg15 : memref<80x128xf32, #tpu.memory_space<vmem>>) offsets(%arg7 : memref<80xi32, #tpu.memory_space<vmem>>) semaphore(%arg21 : memref<!tpu.dma_semaphore, #tpu.memory_space<semaphore_mem>>)
    %mul3A_169 = arith.constant 10000 : i32
    %mul3A_170 = arith.muli %add3A, %mul3A_169 : i32
    %add3A_171 = arith.constant 9920 : i32
    %add3A_172 = arith.addi %mul3A_170, %add3A_171 : i32
    %dma_wait3A_173 = tpu.memref_slice %arg4[%add3A_172] : memref<320000xi32, #tpu.memory_space<hbm>> -> memref<80xi32, #tpu.memory_space<hbm>>
    %dma_wait3A_174 = tpu.memref_slice %arg4[%add3A_172] : memref<320000xi32, #tpu.memory_space<hbm>> -> memref<80xi32, #tpu.memory_space<hbm>>
    tpu.wait_dma2 semaphore(%arg29 : memref<!tpu.dma_semaphore, #tpu.memory_space<semaphore_mem>>) src(%dma_wait3A_174 : memref<80xi32, #tpu.memory_space<hbm>>) dst(%arg11 : memref<80xi32, #tpu.memory_space<vmem>>)
    %dma_wait3A_175 = arith.constant 0 : i32
    %dma_wait3A_176 = arith.constant 0 : i32
    %dma_wait3A_177 = tpu.memref_slice %arg2[%dma_wait3A_175, %dma_wait3A_176] : memref<10000x128xf32, #tpu.memory_space<hbm>> -> memref<10000x128xf32, #tpu.memory_space<hbm>>
    tpu.wait_indirect_dma semaphore(%arg21 : memref<!tpu.dma_semaphore, #tpu.memory_space<semaphore_mem>>) src(%dma_wait3A_177 : memref<10000x128xf32, #tpu.memory_space<hbm>>) dst(%arg15 : memref<80x128xf32, #tpu.memory_space<vmem>>)
    %dma_start3A_178 = arith.constant 0 : i32
    %dma_start3A_179 = arith.constant 0 : i32
    %dma_start3A_180 = tpu.memref_slice %arg20[%dma_start3A_178, %dma_start3A_179] : memref<10240x128xf32, #tpu.memory_space<vmem_shared>> -> memref<10240x128xf32, #tpu.memory_space<vmem_shared>>
    tpu.enqueue_indirect_dma source(%arg15 : memref<80x128xf32, #tpu.memory_space<vmem>>) target(%dma_start3A_180 : memref<10240x128xf32, #tpu.memory_space<vmem_shared>>) offsets(%arg11 : memref<80xi32, #tpu.memory_space<vmem>>) semaphore(%arg25 : memref<!tpu.dma_semaphore, #tpu.memory_space<semaphore_mem>>) {add = true}
    %dma_wait3A_181 = arith.constant 0 : i32
    %dma_wait3A_182 = arith.constant 0 : i32
    %dma_wait3A_183 = tpu.memref_slice %arg20[%dma_wait3A_181, %dma_wait3A_182] : memref<10240x128xf32, #tpu.memory_space<vmem_shared>> -> memref<10240x128xf32, #tpu.memory_space<vmem_shared>>
    tpu.wait_indirect_dma semaphore(%arg25 : memref<!tpu.dma_semaphore, #tpu.memory_space<semaphore_mem>>) src(%arg15 : memref<80x128xf32, #tpu.memory_space<vmem>>) dst(%dma_wait3A_183 : memref<10240x128xf32, #tpu.memory_space<vmem_shared>>)
    %dma_wait3A_184 = arith.constant 0 : i32
    %dma_wait3A_185 = arith.constant 0 : i32
    %dma_wait3A_186 = tpu.memref_slice %arg20[%dma_wait3A_184, %dma_wait3A_185] : memref<10240x128xf32, #tpu.memory_space<vmem_shared>> -> memref<10240x128xf32, #tpu.memory_space<vmem_shared>>
    tpu.wait_indirect_dma semaphore(%arg26 : memref<!tpu.dma_semaphore, #tpu.memory_space<semaphore_mem>>) src(%arg16 : memref<80x128xf32, #tpu.memory_space<vmem>>) dst(%dma_wait3A_186 : memref<10240x128xf32, #tpu.memory_space<vmem_shared>>)
    %dma_wait3A_187 = arith.constant 0 : i32
    %dma_wait3A_188 = arith.constant 0 : i32
    %dma_wait3A_189 = tpu.memref_slice %arg20[%dma_wait3A_187, %dma_wait3A_188] : memref<10240x128xf32, #tpu.memory_space<vmem_shared>> -> memref<10240x128xf32, #tpu.memory_space<vmem_shared>>
    tpu.wait_indirect_dma semaphore(%arg27 : memref<!tpu.dma_semaphore, #tpu.memory_space<semaphore_mem>>) src(%arg17 : memref<80x128xf32, #tpu.memory_space<vmem>>) dst(%dma_wait3A_189 : memref<10240x128xf32, #tpu.memory_space<vmem_shared>>)
    %dma_wait3A_190 = arith.constant 0 : i32
    %dma_wait3A_191 = arith.constant 0 : i32
    %dma_wait3A_192 = tpu.memref_slice %arg20[%dma_wait3A_190, %dma_wait3A_191] : memref<10240x128xf32, #tpu.memory_space<vmem_shared>> -> memref<10240x128xf32, #tpu.memory_space<vmem_shared>>
    tpu.wait_indirect_dma semaphore(%arg28 : memref<!tpu.dma_semaphore, #tpu.memory_space<semaphore_mem>>) src(%arg18 : memref<80x128xf32, #tpu.memory_space<vmem>>) dst(%dma_wait3A_192 : memref<10240x128xf32, #tpu.memory_space<vmem_shared>>)
    %barrier3A_193 = arith.constant 0 : index
    tpu.barrier barrier_id(%barrier3A_193)
    %mul3A_194 = arith.constant 640 : i32
    %mul3A_195 = arith.muli %arg1, %mul3A_194 : i32
    %eq3A = arith.constant 0 : i32
    %eq3A_196 = arith.cmpi eq, %arg0, %eq3A : i32
    %convert_element_type3A = arith.extui %eq3A_196 : i1 to i32
    %cond3A = arith.constant 0 : i32
    %cond3A_197 = arith.cmpi ne, %convert_element_type3A, %cond3A : i32
    scf.if %cond3A_197 {
      "tpu.region"() ({
        %run_scoped3A = tpu.sem_alloc : memref<!tpu.dma_semaphore, #tpu.memory_space<semaphore_mem>>
        %dma_start3A_203 = arith.constant 0 : i32
        %dma_start3A_204 = tpu.memref_slice %arg5[%mul3A_195, %dma_start3A_203] : memref<10240x128xf32, #tpu.memory_space<hbm>> -> memref<640x128xf32, #tpu.memory_space<hbm>>
        %dma_start3A_205 = arith.constant 0 : i32
        %dma_start3A_206 = tpu.memref_slice %arg20[%mul3A_195, %dma_start3A_205] : memref<10240x128xf32, #tpu.memory_space<vmem_shared>> -> memref<640x128xf32, #tpu.memory_space<vmem_shared>>
        tpu.enqueue_dma source(%dma_start3A_206 : memref<640x128xf32, #tpu.memory_space<vmem_shared>>) target(%dma_start3A_204 : memref<640x128xf32, #tpu.memory_space<hbm>>) target_semaphore(%run_scoped3A : memref<!tpu.dma_semaphore, #tpu.memory_space<semaphore_mem>>)
        %dma_wait3A_207 = arith.constant 0 : i32
        %dma_wait3A_208 = tpu.memref_slice %arg5[%mul3A_195, %dma_wait3A_207] : memref<10240x128xf32, #tpu.memory_space<hbm>> -> memref<640x128xf32, #tpu.memory_space<hbm>>
        %dma_wait3A_209 = arith.constant 0 : i32
        %dma_wait3A_210 = tpu.memref_slice %arg20[%mul3A_195, %dma_wait3A_209] : memref<10240x128xf32, #tpu.memory_space<vmem_shared>> -> memref<640x128xf32, #tpu.memory_space<vmem_shared>>
        tpu.wait_dma2 semaphore(%run_scoped3A : memref<!tpu.dma_semaphore, #tpu.memory_space<semaphore_mem>>) src(%dma_wait3A_210 : memref<640x128xf32, #tpu.memory_space<vmem_shared>>) dst(%dma_wait3A_208 : memref<640x128xf32, #tpu.memory_space<hbm>>)
        tpu.yield
      }) : () -> ()
    } else {
    }
    %eq3A_198 = arith.constant 1 : i32
    %eq3A_199 = arith.cmpi eq, %arg0, %eq3A_198 : i32
    %convert_element_type3A_200 = arith.extui %eq3A_199 : i1 to i32
    %cond3A_201 = arith.constant 0 : i32
    %cond3A_202 = arith.cmpi ne, %convert_element_type3A_200, %cond3A_201 : i32
    scf.if %cond3A_202 {
      "tpu.region"() ({
        %run_scoped3A = tpu.sem_alloc : memref<!tpu.dma_semaphore, #tpu.memory_space<semaphore_mem>>
        %dma_start3A_203 = arith.constant 0 : i32
        %dma_start3A_204 = tpu.memref_slice %arg6[%mul3A_195, %dma_start3A_203] : memref<10240x128xf32, #tpu.memory_space<hbm>> -> memref<640x128xf32, #tpu.memory_space<hbm>>
        %dma_start3A_205 = arith.constant 0 : i32
        %dma_start3A_206 = tpu.memref_slice %arg20[%mul3A_195, %dma_start3A_205] : memref<10240x128xf32, #tpu.memory_space<vmem_shared>> -> memref<640x128xf32, #tpu.memory_space<vmem_shared>>
        tpu.enqueue_dma source(%dma_start3A_206 : memref<640x128xf32, #tpu.memory_space<vmem_shared>>) target(%dma_start3A_204 : memref<640x128xf32, #tpu.memory_space<hbm>>) target_semaphore(%run_scoped3A : memref<!tpu.dma_semaphore, #tpu.memory_space<semaphore_mem>>)
        %dma_wait3A_207 = arith.constant 0 : i32
        %dma_wait3A_208 = tpu.memref_slice %arg6[%mul3A_195, %dma_wait3A_207] : memref<10240x128xf32, #tpu.memory_space<hbm>> -> memref<640x128xf32, #tpu.memory_space<hbm>>
        %dma_wait3A_209 = arith.constant 0 : i32
        %dma_wait3A_210 = tpu.memref_slice %arg20[%mul3A_195, %dma_wait3A_209] : memref<10240x128xf32, #tpu.memory_space<vmem_shared>> -> memref<640x128xf32, #tpu.memory_space<vmem_shared>>
        tpu.wait_dma2 semaphore(%run_scoped3A : memref<!tpu.dma_semaphore, #tpu.memory_space<semaphore_mem>>) src(%dma_wait3A_210 : memref<640x128xf32, #tpu.memory_space<vmem_shared>>) dst(%dma_wait3A_208 : memref<640x128xf32, #tpu.memory_space<hbm>>)
        tpu.yield
      }) : () -> ()
    } else {
    }
    return
  }
}

#map = affine_map<(d0, d1) -> (0, 0)>
#map1 = affine_map<(d0, d1) -> (0)>
module attributes {stable_mosaic.version = 14 : i64} {
  func.func @seg_kernel(%arg0: i32, %arg1: i32, %arg2: memref<10000x128xf32, #tpu.memory_space<hbm>>, %arg3: memref<320000xi32, #tpu.memory_space<hbm>>, %arg4: memref<320000xi32, #tpu.memory_space<hbm>>, %arg5: memref<10240x128xf32, #tpu.memory_space<hbm>>, %arg6: memref<10240x128xf32, #tpu.memory_space<hbm>>, %arg7: memref<80xi32, #tpu.memory_space<vmem>>, %arg8: memref<80xi32, #tpu.memory_space<vmem>>, %arg9: memref<80xi32, #tpu.memory_space<vmem>>, %arg10: memref<80xi32, #tpu.memory_space<vmem>>, %arg11: memref<80xi32, #tpu.memory_space<vmem>>, %arg12: memref<80xi32, #tpu.memory_space<vmem>>, %arg13: memref<80xi32, #tpu.memory_space<vmem>>, %arg14: memref<80xi32, #tpu.memory_space<vmem>>, %arg15: memref<80x128xf32, #tpu.memory_space<vmem>>, %arg16: memref<80x128xf32, #tpu.memory_space<vmem>>, %arg17: memref<80x128xf32, #tpu.memory_space<vmem>>, %arg18: memref<80x128xf32, #tpu.memory_space<vmem>>, %arg19: memref<8x128xf32, #tpu.memory_space<vmem>>, %arg20: memref<10240x128xf32, #tpu.memory_space<vmem_shared>>, %arg21: memref<!tpu.dma_semaphore, #tpu.memory_space<semaphore_mem>>, %arg22: memref<!tpu.dma_semaphore, #tpu.memory_space<semaphore_mem>>, %arg23: memref<!tpu.dma_semaphore, #tpu.memory_space<semaphore_mem>>, %arg24: memref<!tpu.dma_semaphore, #tpu.memory_space<semaphore_mem>>, %arg25: memref<!tpu.dma_semaphore, #tpu.memory_space<semaphore_mem>>, %arg26: memref<!tpu.dma_semaphore, #tpu.memory_space<semaphore_mem>>, %arg27: memref<!tpu.dma_semaphore, #tpu.memory_space<semaphore_mem>>, %arg28: memref<!tpu.dma_semaphore, #tpu.memory_space<semaphore_mem>>, %arg29: memref<!tpu.dma_semaphore, #tpu.memory_space<semaphore_mem>>, %arg30: memref<!tpu.dma_semaphore, #tpu.memory_space<semaphore_mem>>, %arg31: memref<!tpu.dma_semaphore, #tpu.memory_space<semaphore_mem>>, %arg32: memref<!tpu.dma_semaphore, #tpu.memory_space<semaphore_mem>>, %arg33: memref<!tpu.dma_semaphore, #tpu.memory_space<semaphore_mem>>, %arg34: memref<!tpu.dma_semaphore, #tpu.memory_space<semaphore_mem>>, %arg35: memref<!tpu.dma_semaphore, #tpu.memory_space<semaphore_mem>>, %arg36: memref<!tpu.dma_semaphore, #tpu.memory_space<semaphore_mem>>) attributes {dimension_semantics = [#tpu.dimension_semantics<core_parallel>, #tpu.dimension_semantics<subcore_parallel>], iteration_bounds = array<i64: 2, 16>, scalar_prefetch = 0 : i64, scratch_operands = 30 : i64, tpu.core_type = #tpu.core_type<sc_vector_subcore>, window_params = [{transform_indices = #map}, {transform_indices = #map1}, {transform_indices = #map1}, {transform_indices = #map}, {transform_indices = #map}]} {
    %mul3A = arith.constant 2 : i32
    %mul3A_0 = arith.muli %arg1, %mul3A : i32
    %add3A = arith.addi %mul3A_0, %arg0 : i32
    %mul3A_1 = arith.constant 10000 : i32
    %mul3A_2 = arith.muli %add3A, %mul3A_1 : i32
    %add3A_3 = arith.constant 0 : i32
    %add3A_4 = arith.addi %mul3A_2, %add3A_3 : i32
    %dma_start3A = tpu.memref_slice %arg3[%add3A_4] : memref<320000xi32, #tpu.memory_space<hbm>> -> memref<80xi32, #tpu.memory_space<hbm>>
    %dma_start3A_5 = tpu.memref_slice %arg3[%add3A_4] : memref<320000xi32, #tpu.memory_space<hbm>> -> memref<80xi32, #tpu.memory_space<hbm>>
    tpu.enqueue_dma source(%dma_start3A_5 : memref<80xi32, #tpu.memory_space<hbm>>) target(%arg7 : memref<80xi32, #tpu.memory_space<vmem>>) target_semaphore(%arg33 : memref<!tpu.dma_semaphore, #tpu.memory_space<semaphore_mem>>)
    %mul3A_6 = arith.constant 10000 : i32
    %mul3A_7 = arith.muli %add3A, %mul3A_6 : i32
    %add3A_8 = arith.constant 0 : i32
    %add3A_9 = arith.addi %mul3A_7, %add3A_8 : i32
    %dma_start3A_10 = tpu.memref_slice %arg4[%add3A_9] : memref<320000xi32, #tpu.memory_space<hbm>> -> memref<80xi32, #tpu.memory_space<hbm>>
    %dma_start3A_11 = tpu.memref_slice %arg4[%add3A_9] : memref<320000xi32, #tpu.memory_space<hbm>> -> memref<80xi32, #tpu.memory_space<hbm>>
    tpu.enqueue_dma source(%dma_start3A_11 : memref<80xi32, #tpu.memory_space<hbm>>) target(%arg11 : memref<80xi32, #tpu.memory_space<vmem>>) target_semaphore(%arg29 : memref<!tpu.dma_semaphore, #tpu.memory_space<semaphore_mem>>)
    %mul3A_12 = arith.constant 10000 : i32
    %mul3A_13 = arith.muli %add3A, %mul3A_12 : i32
    %add3A_14 = arith.constant 80 : i32
    %add3A_15 = arith.addi %mul3A_13, %add3A_14 : i32
    %dma_start3A_16 = tpu.memref_slice %arg3[%add3A_15] : memref<320000xi32, #tpu.memory_space<hbm>> -> memref<80xi32, #tpu.memory_space<hbm>>
    %dma_start3A_17 = tpu.memref_slice %arg3[%add3A_15] : memref<320000xi32, #tpu.memory_space<hbm>> -> memref<80xi32, #tpu.memory_space<hbm>>
    tpu.enqueue_dma source(%dma_start3A_17 : memref<80xi32, #tpu.memory_space<hbm>>) target(%arg8 : memref<80xi32, #tpu.memory_space<vmem>>) target_semaphore(%arg34 : memref<!tpu.dma_semaphore, #tpu.memory_space<semaphore_mem>>)
    %mul3A_18 = arith.constant 10000 : i32
    %mul3A_19 = arith.muli %add3A, %mul3A_18 : i32
    %add3A_20 = arith.constant 80 : i32
    %add3A_21 = arith.addi %mul3A_19, %add3A_20 : i32
    %dma_start3A_22 = tpu.memref_slice %arg4[%add3A_21] : memref<320000xi32, #tpu.memory_space<hbm>> -> memref<80xi32, #tpu.memory_space<hbm>>
    %dma_start3A_23 = tpu.memref_slice %arg4[%add3A_21] : memref<320000xi32, #tpu.memory_space<hbm>> -> memref<80xi32, #tpu.memory_space<hbm>>
    tpu.enqueue_dma source(%dma_start3A_23 : memref<80xi32, #tpu.memory_space<hbm>>) target(%arg12 : memref<80xi32, #tpu.memory_space<vmem>>) target_semaphore(%arg30 : memref<!tpu.dma_semaphore, #tpu.memory_space<semaphore_mem>>)
    %mul3A_24 = arith.constant 10000 : i32
    %mul3A_25 = arith.muli %add3A, %mul3A_24 : i32
    %add3A_26 = arith.constant 160 : i32
    %add3A_27 = arith.addi %mul3A_25, %add3A_26 : i32
    %dma_start3A_28 = tpu.memref_slice %arg3[%add3A_27] : memref<320000xi32, #tpu.memory_space<hbm>> -> memref<80xi32, #tpu.memory_space<hbm>>
    %dma_start3A_29 = tpu.memref_slice %arg3[%add3A_27] : memref<320000xi32, #tpu.memory_space<hbm>> -> memref<80xi32, #tpu.memory_space<hbm>>
    tpu.enqueue_dma source(%dma_start3A_29 : memref<80xi32, #tpu.memory_space<hbm>>) target(%arg9 : memref<80xi32, #tpu.memory_space<vmem>>) target_semaphore(%arg35 : memref<!tpu.dma_semaphore, #tpu.memory_space<semaphore_mem>>)
    %mul3A_30 = arith.constant 10000 : i32
    %mul3A_31 = arith.muli %add3A, %mul3A_30 : i32
    %add3A_32 = arith.constant 160 : i32
    %add3A_33 = arith.addi %mul3A_31, %add3A_32 : i32
    %dma_start3A_34 = tpu.memref_slice %arg4[%add3A_33] : memref<320000xi32, #tpu.memory_space<hbm>> -> memref<80xi32, #tpu.memory_space<hbm>>
    %dma_start3A_35 = tpu.memref_slice %arg4[%add3A_33] : memref<320000xi32, #tpu.memory_space<hbm>> -> memref<80xi32, #tpu.memory_space<hbm>>
    tpu.enqueue_dma source(%dma_start3A_35 : memref<80xi32, #tpu.memory_space<hbm>>) target(%arg13 : memref<80xi32, #tpu.memory_space<vmem>>) target_semaphore(%arg31 : memref<!tpu.dma_semaphore, #tpu.memory_space<semaphore_mem>>)
    %mul3A_36 = arith.constant 10000 : i32
    %mul3A_37 = arith.muli %add3A, %mul3A_36 : i32
    %add3A_38 = arith.constant 240 : i32
    %add3A_39 = arith.addi %mul3A_37, %add3A_38 : i32
    %dma_start3A_40 = tpu.memref_slice %arg3[%add3A_39] : memref<320000xi32, #tpu.memory_space<hbm>> -> memref<80xi32, #tpu.memory_space<hbm>>
    %dma_start3A_41 = tpu.memref_slice %arg3[%add3A_39] : memref<320000xi32, #tpu.memory_space<hbm>> -> memref<80xi32, #tpu.memory_space<hbm>>
    tpu.enqueue_dma source(%dma_start3A_41 : memref<80xi32, #tpu.memory_space<hbm>>) target(%arg10 : memref<80xi32, #tpu.memory_space<vmem>>) target_semaphore(%arg36 : memref<!tpu.dma_semaphore, #tpu.memory_space<semaphore_mem>>)
    %mul3A_42 = arith.constant 10000 : i32
    %mul3A_43 = arith.muli %add3A, %mul3A_42 : i32
    %add3A_44 = arith.constant 240 : i32
    %add3A_45 = arith.addi %mul3A_43, %add3A_44 : i32
    %dma_start3A_46 = tpu.memref_slice %arg4[%add3A_45] : memref<320000xi32, #tpu.memory_space<hbm>> -> memref<80xi32, #tpu.memory_space<hbm>>
    %dma_start3A_47 = tpu.memref_slice %arg4[%add3A_45] : memref<320000xi32, #tpu.memory_space<hbm>> -> memref<80xi32, #tpu.memory_space<hbm>>
    tpu.enqueue_dma source(%dma_start3A_47 : memref<80xi32, #tpu.memory_space<hbm>>) target(%arg14 : memref<80xi32, #tpu.memory_space<vmem>>) target_semaphore(%arg32 : memref<!tpu.dma_semaphore, #tpu.memory_space<semaphore_mem>>)
    %mul3A_48 = arith.constant 10000 : i32
    %mul3A_49 = arith.muli %add3A, %mul3A_48 : i32
    %add3A_50 = arith.constant 0 : i32
    %add3A_51 = arith.addi %mul3A_49, %add3A_50 : i32
    %dma_wait3A = tpu.memref_slice %arg3[%add3A_51] : memref<320000xi32, #tpu.memory_space<hbm>> -> memref<80xi32, #tpu.memory_space<hbm>>
    %dma_wait3A_52 = tpu.memref_slice %arg3[%add3A_51] : memref<320000xi32, #tpu.memory_space<hbm>> -> memref<80xi32, #tpu.memory_space<hbm>>
    tpu.wait_dma2 semaphore(%arg33 : memref<!tpu.dma_semaphore, #tpu.memory_space<semaphore_mem>>) src(%dma_wait3A_52 : memref<80xi32, #tpu.memory_space<hbm>>) dst(%arg7 : memref<80xi32, #tpu.memory_space<vmem>>)
    %dma_start3A_53 = arith.constant 0 : i32
    %dma_start3A_54 = arith.constant 0 : i32
    %dma_start3A_55 = tpu.memref_slice %arg2[%dma_start3A_53, %dma_start3A_54] : memref<10000x128xf32, #tpu.memory_space<hbm>> -> memref<10000x128xf32, #tpu.memory_space<hbm>>
    tpu.enqueue_indirect_dma source(%dma_start3A_55 : memref<10000x128xf32, #tpu.memory_space<hbm>>) target(%arg15 : memref<80x128xf32, #tpu.memory_space<vmem>>) offsets(%arg7 : memref<80xi32, #tpu.memory_space<vmem>>) semaphore(%arg21 : memref<!tpu.dma_semaphore, #tpu.memory_space<semaphore_mem>>)
    %mul3A_56 = arith.constant 10000 : i32
    %mul3A_57 = arith.muli %add3A, %mul3A_56 : i32
    %add3A_58 = arith.constant 80 : i32
    %add3A_59 = arith.addi %mul3A_57, %add3A_58 : i32
    %dma_wait3A_60 = tpu.memref_slice %arg3[%add3A_59] : memref<320000xi32, #tpu.memory_space<hbm>> -> memref<80xi32, #tpu.memory_space<hbm>>
    %dma_wait3A_61 = tpu.memref_slice %arg3[%add3A_59] : memref<320000xi32, #tpu.memory_space<hbm>> -> memref<80xi32, #tpu.memory_space<hbm>>
    tpu.wait_dma2 semaphore(%arg34 : memref<!tpu.dma_semaphore, #tpu.memory_space<semaphore_mem>>) src(%dma_wait3A_61 : memref<80xi32, #tpu.memory_space<hbm>>) dst(%arg8 : memref<80xi32, #tpu.memory_space<vmem>>)
    %dma_start3A_62 = arith.constant 0 : i32
    %dma_start3A_63 = arith.constant 0 : i32
    %dma_start3A_64 = tpu.memref_slice %arg2[%dma_start3A_62, %dma_start3A_63] : memref<10000x128xf32, #tpu.memory_space<hbm>> -> memref<10000x128xf32, #tpu.memory_space<hbm>>
    tpu.enqueue_indirect_dma source(%dma_start3A_64 : memref<10000x128xf32, #tpu.memory_space<hbm>>) target(%arg16 : memref<80x128xf32, #tpu.memory_space<vmem>>) offsets(%arg8 : memref<80xi32, #tpu.memory_space<vmem>>) semaphore(%arg22 : memref<!tpu.dma_semaphore, #tpu.memory_space<semaphore_mem>>)
    %mul3A_65 = arith.constant 10000 : i32
    %mul3A_66 = arith.muli %add3A, %mul3A_65 : i32
    %add3A_67 = arith.constant 160 : i32
    %add3A_68 = arith.addi %mul3A_66, %add3A_67 : i32
    %dma_wait3A_69 = tpu.memref_slice %arg3[%add3A_68] : memref<320000xi32, #tpu.memory_space<hbm>> -> memref<80xi32, #tpu.memory_space<hbm>>
    %dma_wait3A_70 = tpu.memref_slice %arg3[%add3A_68] : memref<320000xi32, #tpu.memory_space<hbm>> -> memref<80xi32, #tpu.memory_space<hbm>>
    tpu.wait_dma2 semaphore(%arg35 : memref<!tpu.dma_semaphore, #tpu.memory_space<semaphore_mem>>) src(%dma_wait3A_70 : memref<80xi32, #tpu.memory_space<hbm>>) dst(%arg9 : memref<80xi32, #tpu.memory_space<vmem>>)
    %dma_start3A_71 = arith.constant 0 : i32
    %dma_start3A_72 = arith.constant 0 : i32
    %dma_start3A_73 = tpu.memref_slice %arg2[%dma_start3A_71, %dma_start3A_72] : memref<10000x128xf32, #tpu.memory_space<hbm>> -> memref<10000x128xf32, #tpu.memory_space<hbm>>
    tpu.enqueue_indirect_dma source(%dma_start3A_73 : memref<10000x128xf32, #tpu.memory_space<hbm>>) target(%arg17 : memref<80x128xf32, #tpu.memory_space<vmem>>) offsets(%arg9 : memref<80xi32, #tpu.memory_space<vmem>>) semaphore(%arg23 : memref<!tpu.dma_semaphore, #tpu.memory_space<semaphore_mem>>)
    %mul3A_74 = arith.constant 10000 : i32
    %mul3A_75 = arith.muli %add3A, %mul3A_74 : i32
    %add3A_76 = arith.constant 240 : i32
    %add3A_77 = arith.addi %mul3A_75, %add3A_76 : i32
    %dma_wait3A_78 = tpu.memref_slice %arg3[%add3A_77] : memref<320000xi32, #tpu.memory_space<hbm>> -> memref<80xi32, #tpu.memory_space<hbm>>
    %dma_wait3A_79 = tpu.memref_slice %arg3[%add3A_77] : memref<320000xi32, #tpu.memory_space<hbm>> -> memref<80xi32, #tpu.memory_space<hbm>>
    tpu.wait_dma2 semaphore(%arg36 : memref<!tpu.dma_semaphore, #tpu.memory_space<semaphore_mem>>) src(%dma_wait3A_79 : memref<80xi32, #tpu.memory_space<hbm>>) dst(%arg10 : memref<80xi32, #tpu.memory_space<vmem>>)
    %dma_start3A_80 = arith.constant 0 : i32
    %dma_start3A_81 = arith.constant 0 : i32
    %dma_start3A_82 = tpu.memref_slice %arg2[%dma_start3A_80, %dma_start3A_81] : memref<10000x128xf32, #tpu.memory_space<hbm>> -> memref<10000x128xf32, #tpu.memory_space<hbm>>
    tpu.enqueue_indirect_dma source(%dma_start3A_82 : memref<10000x128xf32, #tpu.memory_space<hbm>>) target(%arg18 : memref<80x128xf32, #tpu.memory_space<vmem>>) offsets(%arg10 : memref<80xi32, #tpu.memory_space<vmem>>) semaphore(%arg24 : memref<!tpu.dma_semaphore, #tpu.memory_space<semaphore_mem>>)
    %scan3A = arith.constant 0 : i32
    %scan3A_83 = arith.constant 8 : i32
    %scan3A_84 = arith.addi %scan3A, %scan3A_83 : i32
    %scan3A_85 = arith.constant 1 : i32
    scf.for %scan3A_203 = %scan3A to %scan3A_84 step %scan3A_85  : i32 {
      %mul3A_204 = arith.constant 1 : i32
      %mul3A_205 = arith.muli %scan3A_203, %mul3A_204 : i32
      %add3A_206 = arith.constant 0 : i32
      %add3A_207 = arith.addi %add3A_206, %mul3A_205 : i32
      %scan3A_208 = arith.constant 0 : i32
      %scan3A_209 = arith.constant 8 : i32
      %scan3A_210 = arith.addi %scan3A_208, %scan3A_209 : i32
      %scan3A_211 = arith.constant 1 : i32
      scf.for %scan3A_213 = %scan3A_208 to %scan3A_210 step %scan3A_211  : i32 {
        %mul3A_214 = arith.constant 16 : i32
        %mul3A_215 = arith.muli %scan3A_213, %mul3A_214 : i32
        %add3A_216 = arith.constant 0 : i32
        %add3A_217 = arith.addi %add3A_216, %mul3A_215 : i32
        %broadcast_in_dim3A = arith.constant 0.000000e+00 : f32
        %broadcast_in_dim3A_218 = vector.broadcast %broadcast_in_dim3A : f32 to vector<16xf32>
        %swap3A = arith.index_cast %add3A_207 : i32 to index
        %swap3A_219 = arith.index_cast %add3A_217 : i32 to index
        %swap3A_220 = tpu.vector_load %arg19[%swap3A, %swap3A_219] {strides = array<i32>} : memref<8x128xf32, #tpu.memory_space<vmem>>, vector<1x16xf32>,
        %swap3A_221 = vector.shape_cast %swap3A_220 : vector<1x16xf32> to vector<16xf32>
        %swap3A_222 = vector.shape_cast %broadcast_in_dim3A_218 : vector<16xf32> to vector<1x16xf32>
        tpu.vector_store %arg19[%swap3A, %swap3A_219], %swap3A_222 {strides = array<i32>} : memref<8x128xf32, #tpu.memory_space<vmem>>, vector<1x16xf32>,
      }
      %scan3A_212 = arith.constant 8 : i32
    }
    %scan3A_86 = arith.constant 8 : i32
    %scan3A_87 = arith.constant 0 : i32
    %scan3A_88 = arith.constant 80 : i32
    %scan3A_89 = arith.addi %scan3A_87, %scan3A_88 : i32
    %scan3A_90 = arith.constant 1 : i32
    scf.for %scan3A_203 = %scan3A_87 to %scan3A_89 step %scan3A_90  : i32 {
      %mul3A_204 = arith.constant 1 : i32
      %mul3A_205 = arith.muli %scan3A_203, %mul3A_204 : i32
      %add3A_206 = arith.constant 0 : i32
      %add3A_207 = arith.addi %add3A_206, %mul3A_205 : i32
      %mul3A_208 = arith.constant 640 : i32
      %mul3A_209 = arith.muli %arg1, %mul3A_208 : i32
      %mul3A_210 = arith.constant 8 : i32
      %mul3A_211 = arith.muli %add3A_207, %mul3A_210 : i32
      %add3A_212 = arith.addi %mul3A_209, %mul3A_211 : i32
      "tpu.region"() ({
        %run_scoped3A = tpu.sem_alloc : memref<!tpu.dma_semaphore, #tpu.memory_space<semaphore_mem>>
        %dma_start3A_213 = arith.constant 0 : i32
        %dma_start3A_214 = tpu.memref_slice %arg20[%add3A_212, %dma_start3A_213] : memref<10240x128xf32, #tpu.memory_space<vmem_shared>> -> memref<8x128xf32, #tpu.memory_space<vmem_shared>>
        %dma_start3A_215 = arith.constant 0 : i32
        %dma_start3A_216 = tpu.memref_slice %arg20[%add3A_212, %dma_start3A_215] : memref<10240x128xf32, #tpu.memory_space<vmem_shared>> -> memref<8x128xf32, #tpu.memory_space<vmem_shared>>
        tpu.enqueue_dma source(%arg19 : memref<8x128xf32, #tpu.memory_space<vmem>>) target(%dma_start3A_216 : memref<8x128xf32, #tpu.memory_space<vmem_shared>>) target_semaphore(%run_scoped3A : memref<!tpu.dma_semaphore, #tpu.memory_space<semaphore_mem>>)
        %dma_wait3A_217 = arith.constant 0 : i32
        %dma_wait3A_218 = tpu.memref_slice %arg20[%add3A_212, %dma_wait3A_217] : memref<10240x128xf32, #tpu.memory_space<vmem_shared>> -> memref<8x128xf32, #tpu.memory_space<vmem_shared>>
        %dma_wait3A_219 = arith.constant 0 : i32
        %dma_wait3A_220 = tpu.memref_slice %arg20[%add3A_212, %dma_wait3A_219] : memref<10240x128xf32, #tpu.memory_space<vmem_shared>> -> memref<8x128xf32, #tpu.memory_space<vmem_shared>>
        tpu.wait_dma2 semaphore(%run_scoped3A : memref<!tpu.dma_semaphore, #tpu.memory_space<semaphore_mem>>) src(%arg19 : memref<8x128xf32, #tpu.memory_space<vmem>>) dst(%dma_wait3A_220 : memref<8x128xf32, #tpu.memory_space<vmem_shared>>)
        tpu.yield
      }) : () -> ()
    }
    %scan3A_91 = arith.constant 80 : i32
    %barrier3A = arith.constant 0 : index
    tpu.barrier barrier_id(%barrier3A)
    %scan3A_92 = arith.constant 0 : i32
    %scan3A_93 = arith.constant 30 : i32
    %scan3A_94 = arith.addi %scan3A_92, %scan3A_93 : i32
    %scan3A_95 = arith.constant 1 : i32
    scf.for %scan3A_203 = %scan3A_92 to %scan3A_94 step %scan3A_95  : i32 {
      %mul3A_204 = arith.constant 1 : i32
      %mul3A_205 = arith.muli %scan3A_203, %mul3A_204 : i32
      %add3A_206 = arith.constant 0 : i32
      %add3A_207 = arith.addi %add3A_206, %mul3A_205 : i32
      %mul3A_208 = arith.constant 4 : i32
      %mul3A_209 = arith.muli %add3A_207, %mul3A_208 : i32
      %add3A_210 = arith.constant 0 : i32
      %add3A_211 = arith.addi %mul3A_209, %add3A_210 : i32
      %mul3A_212 = arith.constant 10000 : i32
      %mul3A_213 = arith.muli %add3A, %mul3A_212 : i32
      %mul3A_214 = arith.constant 80 : i32
      %mul3A_215 = arith.muli %add3A_211, %mul3A_214 : i32
      %add3A_216 = arith.addi %mul3A_213, %mul3A_215 : i32
      %dma_wait3A_217 = tpu.memref_slice %arg4[%add3A_216] : memref<320000xi32, #tpu.memory_space<hbm>> -> memref<80xi32, #tpu.memory_space<hbm>>
      %dma_wait3A_218 = tpu.memref_slice %arg4[%add3A_216] : memref<320000xi32, #tpu.memory_space<hbm>> -> memref<80xi32, #tpu.memory_space<hbm>>
      tpu.wait_dma2 semaphore(%arg29 : memref<!tpu.dma_semaphore, #tpu.memory_space<semaphore_mem>>) src(%dma_wait3A_218 : memref<80xi32, #tpu.memory_space<hbm>>) dst(%arg11 : memref<80xi32, #tpu.memory_space<vmem>>)
      %dma_wait3A_219 = arith.constant 0 : i32
      %dma_wait3A_220 = arith.constant 0 : i32
      %dma_wait3A_221 = tpu.memref_slice %arg2[%dma_wait3A_219, %dma_wait3A_220] : memref<10000x128xf32, #tpu.memory_space<hbm>> -> memref<10000x128xf32, #tpu.memory_space<hbm>>
      tpu.wait_indirect_dma semaphore(%arg21 : memref<!tpu.dma_semaphore, #tpu.memory_space<semaphore_mem>>) src(%dma_wait3A_221 : memref<10000x128xf32, #tpu.memory_space<hbm>>) dst(%arg15 : memref<80x128xf32, #tpu.memory_space<vmem>>)
      %dma_start3A_222 = arith.constant 0 : i32
      %dma_start3A_223 = arith.constant 0 : i32
      %dma_start3A_224 = tpu.memref_slice %arg20[%dma_start3A_222, %dma_start3A_223] : memref<10240x128xf32, #tpu.memory_space<vmem_shared>> -> memref<10240x128xf32, #tpu.memory_space<vmem_shared>>
      tpu.enqueue_indirect_dma source(%arg15 : memref<80x128xf32, #tpu.memory_space<vmem>>) target(%dma_start3A_224 : memref<10240x128xf32, #tpu.memory_space<vmem_shared>>) offsets(%arg11 : memref<80xi32, #tpu.memory_space<vmem>>) semaphore(%arg25 : memref<!tpu.dma_semaphore, #tpu.memory_space<semaphore_mem>>) {add = true}
      %add3A_225 = arith.constant 4 : i32
      %add3A_226 = arith.addi %mul3A_209, %add3A_225 : i32
      %add3A_227 = arith.constant 0 : i32
      %add3A_228 = arith.addi %add3A_226, %add3A_227 : i32
      %mul3A_229 = arith.constant 10000 : i32
      %mul3A_230 = arith.muli %add3A, %mul3A_229 : i32
      %mul3A_231 = arith.constant 80 : i32
      %mul3A_232 = arith.muli %add3A_228, %mul3A_231 : i32
      %add3A_233 = arith.addi %mul3A_230, %mul3A_232 : i32
      %dma_start3A_234 = tpu.memref_slice %arg3[%add3A_233] : memref<320000xi32, #tpu.memory_space<hbm>> -> memref<80xi32, #tpu.memory_space<hbm>>
      %dma_start3A_235 = tpu.memref_slice %arg3[%add3A_233] : memref<320000xi32, #tpu.memory_space<hbm>> -> memref<80xi32, #tpu.memory_space<hbm>>
      tpu.enqueue_dma source(%dma_start3A_235 : memref<80xi32, #tpu.memory_space<hbm>>) target(%arg7 : memref<80xi32, #tpu.memory_space<vmem>>) target_semaphore(%arg33 : memref<!tpu.dma_semaphore, #tpu.memory_space<semaphore_mem>>)
      %add3A_236 = arith.constant 1 : i32
      %add3A_237 = arith.addi %mul3A_209, %add3A_236 : i32
      %mul3A_238 = arith.constant 10000 : i32
      %mul3A_239 = arith.muli %add3A, %mul3A_238 : i32
      %mul3A_240 = arith.constant 80 : i32
      %mul3A_241 = arith.muli %add3A_237, %mul3A_240 : i32
      %add3A_242 = arith.addi %mul3A_239, %mul3A_241 : i32
      %dma_wait3A_243 = tpu.memref_slice %arg4[%add3A_242] : memref<320000xi32, #tpu.memory_space<hbm>> -> memref<80xi32, #tpu.memory_space<hbm>>
      %dma_wait3A_244 = tpu.memref_slice %arg4[%add3A_242] : memref<320000xi32, #tpu.memory_space<hbm>> -> memref<80xi32, #tpu.memory_space<hbm>>
      tpu.wait_dma2 semaphore(%arg30 : memref<!tpu.dma_semaphore, #tpu.memory_space<semaphore_mem>>) src(%dma_wait3A_244 : memref<80xi32, #tpu.memory_space<hbm>>) dst(%arg12 : memref<80xi32, #tpu.memory_space<vmem>>)
      %dma_wait3A_245 = arith.constant 0 : i32
      %dma_wait3A_246 = arith.constant 0 : i32
      %dma_wait3A_247 = tpu.memref_slice %arg2[%dma_wait3A_245, %dma_wait3A_246] : memref<10000x128xf32, #tpu.memory_space<hbm>> -> memref<10000x128xf32, #tpu.memory_space<hbm>>
      tpu.wait_indirect_dma semaphore(%arg22 : memref<!tpu.dma_semaphore, #tpu.memory_space<semaphore_mem>>) src(%dma_wait3A_247 : memref<10000x128xf32, #tpu.memory_space<hbm>>) dst(%arg16 : memref<80x128xf32, #tpu.memory_space<vmem>>)
      %dma_start3A_248 = arith.constant 0 : i32
      %dma_start3A_249 = arith.constant 0 : i32
      %dma_start3A_250 = tpu.memref_slice %arg20[%dma_start3A_248, %dma_start3A_249] : memref<10240x128xf32, #tpu.memory_space<vmem_shared>> -> memref<10240x128xf32, #tpu.memory_space<vmem_shared>>
      tpu.enqueue_indirect_dma source(%arg16 : memref<80x128xf32, #tpu.memory_space<vmem>>) target(%dma_start3A_250 : memref<10240x128xf32, #tpu.memory_space<vmem_shared>>) offsets(%arg12 : memref<80xi32, #tpu.memory_space<vmem>>) semaphore(%arg26 : memref<!tpu.dma_semaphore, #tpu.memory_space<semaphore_mem>>) {add = true}
      %add3A_251 = arith.constant 4 : i32
      %add3A_252 = arith.addi %mul3A_209, %add3A_251 : i32
      %add3A_253 = arith.constant 1 : i32
      %add3A_254 = arith.addi %add3A_252, %add3A_253 : i32
      %mul3A_255 = arith.constant 10000 : i32
      %mul3A_256 = arith.muli %add3A, %mul3A_255 : i32
      %mul3A_257 = arith.constant 80 : i32
      %mul3A_258 = arith.muli %add3A_254, %mul3A_257 : i32
      %add3A_259 = arith.addi %mul3A_256, %mul3A_258 : i32
      %dma_start3A_260 = tpu.memref_slice %arg3[%add3A_259] : memref<320000xi32, #tpu.memory_space<hbm>> -> memref<80xi32, #tpu.memory_space<hbm>>
      %dma_start3A_261 = tpu.memref_slice %arg3[%add3A_259] : memref<320000xi32, #tpu.memory_space<hbm>> -> memref<80xi32, #tpu.memory_space<hbm>>
      tpu.enqueue_dma source(%dma_start3A_261 : memref<80xi32, #tpu.memory_space<hbm>>) target(%arg8 : memref<80xi32, #tpu.memory_space<vmem>>) target_semaphore(%arg34 : memref<!tpu.dma_semaphore, #tpu.memory_space<semaphore_mem>>)
      %add3A_262 = arith.constant 2 : i32
      %add3A_263 = arith.addi %mul3A_209, %add3A_262 : i32
      %mul3A_264 = arith.constant 10000 : i32
      %mul3A_265 = arith.muli %add3A, %mul3A_264 : i32
      %mul3A_266 = arith.constant 80 : i32
      %mul3A_267 = arith.muli %add3A_263, %mul3A_266 : i32
      %add3A_268 = arith.addi %mul3A_265, %mul3A_267 : i32
      %dma_wait3A_269 = tpu.memref_slice %arg4[%add3A_268] : memref<320000xi32, #tpu.memory_space<hbm>> -> memref<80xi32, #tpu.memory_space<hbm>>
      %dma_wait3A_270 = tpu.memref_slice %arg4[%add3A_268] : memref<320000xi32, #tpu.memory_space<hbm>> -> memref<80xi32, #tpu.memory_space<hbm>>
      tpu.wait_dma2 semaphore(%arg31 : memref<!tpu.dma_semaphore, #tpu.memory_space<semaphore_mem>>) src(%dma_wait3A_270 : memref<80xi32, #tpu.memory_space<hbm>>) dst(%arg13 : memref<80xi32, #tpu.memory_space<vmem>>)
      %dma_wait3A_271 = arith.constant 0 : i32
      %dma_wait3A_272 = arith.constant 0 : i32
      %dma_wait3A_273 = tpu.memref_slice %arg2[%dma_wait3A_271, %dma_wait3A_272] : memref<10000x128xf32, #tpu.memory_space<hbm>> -> memref<10000x128xf32, #tpu.memory_space<hbm>>
      tpu.wait_indirect_dma semaphore(%arg23 : memref<!tpu.dma_semaphore, #tpu.memory_space<semaphore_mem>>) src(%dma_wait3A_273 : memref<10000x128xf32, #tpu.memory_space<hbm>>) dst(%arg17 : memref<80x128xf32, #tpu.memory_space<vmem>>)
      %dma_start3A_274 = arith.constant 0 : i32
      %dma_start3A_275 = arith.constant 0 : i32
      %dma_start3A_276 = tpu.memref_slice %arg20[%dma_start3A_274, %dma_start3A_275] : memref<10240x128xf32, #tpu.memory_space<vmem_shared>> -> memref<10240x128xf32, #tpu.memory_space<vmem_shared>>
      tpu.enqueue_indirect_dma source(%arg17 : memref<80x128xf32, #tpu.memory_space<vmem>>) target(%dma_start3A_276 : memref<10240x128xf32, #tpu.memory_space<vmem_shared>>) offsets(%arg13 : memref<80xi32, #tpu.memory_space<vmem>>) semaphore(%arg27 : memref<!tpu.dma_semaphore, #tpu.memory_space<semaphore_mem>>) {add = true}
      %add3A_277 = arith.constant 4 : i32
      %add3A_278 = arith.addi %mul3A_209, %add3A_277 : i32
      %add3A_279 = arith.constant 2 : i32
      %add3A_280 = arith.addi %add3A_278, %add3A_279 : i32
      %mul3A_281 = arith.constant 10000 : i32
      %mul3A_282 = arith.muli %add3A, %mul3A_281 : i32
      %mul3A_283 = arith.constant 80 : i32
      %mul3A_284 = arith.muli %add3A_280, %mul3A_283 : i32
      %add3A_285 = arith.addi %mul3A_282, %mul3A_284 : i32
      %dma_start3A_286 = tpu.memref_slice %arg3[%add3A_285] : memref<320000xi32, #tpu.memory_space<hbm>> -> memref<80xi32, #tpu.memory_space<hbm>>
      %dma_start3A_287 = tpu.memref_slice %arg3[%add3A_285] : memref<320000xi32, #tpu.memory_space<hbm>> -> memref<80xi32, #tpu.memory_space<hbm>>
      tpu.enqueue_dma source(%dma_start3A_287 : memref<80xi32, #tpu.memory_space<hbm>>) target(%arg9 : memref<80xi32, #tpu.memory_space<vmem>>) target_semaphore(%arg35 : memref<!tpu.dma_semaphore, #tpu.memory_space<semaphore_mem>>)
      %add3A_288 = arith.constant 3 : i32
      %add3A_289 = arith.addi %mul3A_209, %add3A_288 : i32
      %mul3A_290 = arith.constant 10000 : i32
      %mul3A_291 = arith.muli %add3A, %mul3A_290 : i32
      %mul3A_292 = arith.constant 80 : i32
      %mul3A_293 = arith.muli %add3A_289, %mul3A_292 : i32
      %add3A_294 = arith.addi %mul3A_291, %mul3A_293 : i32
      %dma_wait3A_295 = tpu.memref_slice %arg4[%add3A_294] : memref<320000xi32, #tpu.memory_space<hbm>> -> memref<80xi32, #tpu.memory_space<hbm>>
      %dma_wait3A_296 = tpu.memref_slice %arg4[%add3A_294] : memref<320000xi32, #tpu.memory_space<hbm>> -> memref<80xi32, #tpu.memory_space<hbm>>
      tpu.wait_dma2 semaphore(%arg32 : memref<!tpu.dma_semaphore, #tpu.memory_space<semaphore_mem>>) src(%dma_wait3A_296 : memref<80xi32, #tpu.memory_space<hbm>>) dst(%arg14 : memref<80xi32, #tpu.memory_space<vmem>>)
      %dma_wait3A_297 = arith.constant 0 : i32
      %dma_wait3A_298 = arith.constant 0 : i32
      %dma_wait3A_299 = tpu.memref_slice %arg2[%dma_wait3A_297, %dma_wait3A_298] : memref<10000x128xf32, #tpu.memory_space<hbm>> -> memref<10000x128xf32, #tpu.memory_space<hbm>>
      tpu.wait_indirect_dma semaphore(%arg24 : memref<!tpu.dma_semaphore, #tpu.memory_space<semaphore_mem>>) src(%dma_wait3A_299 : memref<10000x128xf32, #tpu.memory_space<hbm>>) dst(%arg18 : memref<80x128xf32, #tpu.memory_space<vmem>>)
      %dma_start3A_300 = arith.constant 0 : i32
      %dma_start3A_301 = arith.constant 0 : i32
      %dma_start3A_302 = tpu.memref_slice %arg20[%dma_start3A_300, %dma_start3A_301] : memref<10240x128xf32, #tpu.memory_space<vmem_shared>> -> memref<10240x128xf32, #tpu.memory_space<vmem_shared>>
      tpu.enqueue_indirect_dma source(%arg18 : memref<80x128xf32, #tpu.memory_space<vmem>>) target(%dma_start3A_302 : memref<10240x128xf32, #tpu.memory_space<vmem_shared>>) offsets(%arg14 : memref<80xi32, #tpu.memory_space<vmem>>) semaphore(%arg28 : memref<!tpu.dma_semaphore, #tpu.memory_space<semaphore_mem>>) {add = true}
      %add3A_303 = arith.constant 4 : i32
      %add3A_304 = arith.addi %mul3A_209, %add3A_303 : i32
      %add3A_305 = arith.constant 3 : i32
      %add3A_306 = arith.addi %add3A_304, %add3A_305 : i32
      %mul3A_307 = arith.constant 10000 : i32
      %mul3A_308 = arith.muli %add3A, %mul3A_307 : i32
      %mul3A_309 = arith.constant 80 : i32
      %mul3A_310 = arith.muli %add3A_306, %mul3A_309 : i32
      %add3A_311 = arith.addi %mul3A_308, %mul3A_310 : i32
      %dma_start3A_312 = tpu.memref_slice %arg3[%add3A_311] : memref<320000xi32, #tpu.memory_space<hbm>> -> memref<80xi32, #tpu.memory_space<hbm>>
      %dma_start3A_313 = tpu.memref_slice %arg3[%add3A_311] : memref<320000xi32, #tpu.memory_space<hbm>> -> memref<80xi32, #tpu.memory_space<hbm>>
      tpu.enqueue_dma source(%dma_start3A_313 : memref<80xi32, #tpu.memory_space<hbm>>) target(%arg10 : memref<80xi32, #tpu.memory_space<vmem>>) target_semaphore(%arg36 : memref<!tpu.dma_semaphore, #tpu.memory_space<semaphore_mem>>)
      %dma_wait3A_314 = arith.constant 0 : i32
      %dma_wait3A_315 = arith.constant 0 : i32
      %dma_wait3A_316 = tpu.memref_slice %arg20[%dma_wait3A_314, %dma_wait3A_315] : memref<10240x128xf32, #tpu.memory_space<vmem_shared>> -> memref<10240x128xf32, #tpu.memory_space<vmem_shared>>
      tpu.wait_indirect_dma semaphore(%arg25 : memref<!tpu.dma_semaphore, #tpu.memory_space<semaphore_mem>>) src(%arg15 : memref<80x128xf32, #tpu.memory_space<vmem>>) dst(%dma_wait3A_316 : memref<10240x128xf32, #tpu.memory_space<vmem_shared>>)
      %add3A_317 = arith.constant 4 : i32
      %add3A_318 = arith.addi %mul3A_209, %add3A_317 : i32
      %add3A_319 = arith.constant 0 : i32
      %add3A_320 = arith.addi %add3A_318, %add3A_319 : i32
      %mul3A_321 = arith.constant 10000 : i32
      %mul3A_322 = arith.muli %add3A, %mul3A_321 : i32
      %mul3A_323 = arith.constant 80 : i32
      %mul3A_324 = arith.muli %add3A_320, %mul3A_323 : i32
      %add3A_325 = arith.addi %mul3A_322, %mul3A_324 : i32
      %dma_start3A_326 = tpu.memref_slice %arg4[%add3A_325] : memref<320000xi32, #tpu.memory_space<hbm>> -> memref<80xi32, #tpu.memory_space<hbm>>
      %dma_start3A_327 = tpu.memref_slice %arg4[%add3A_325] : memref<320000xi32, #tpu.memory_space<hbm>> -> memref<80xi32, #tpu.memory_space<hbm>>
      tpu.enqueue_dma source(%dma_start3A_327 : memref<80xi32, #tpu.memory_space<hbm>>) target(%arg11 : memref<80xi32, #tpu.memory_space<vmem>>) target_semaphore(%arg29 : memref<!tpu.dma_semaphore, #tpu.memory_space<semaphore_mem>>)
      %add3A_328 = arith.constant 4 : i32
      %add3A_329 = arith.addi %mul3A_209, %add3A_328 : i32
      %add3A_330 = arith.constant 0 : i32
      %add3A_331 = arith.addi %add3A_329, %add3A_330 : i32
      %mul3A_332 = arith.constant 10000 : i32
      %mul3A_333 = arith.muli %add3A, %mul3A_332 : i32
      %mul3A_334 = arith.constant 80 : i32
      %mul3A_335 = arith.muli %add3A_331, %mul3A_334 : i32
      %add3A_336 = arith.addi %mul3A_333, %mul3A_335 : i32
      %dma_wait3A_337 = tpu.memref_slice %arg3[%add3A_336] : memref<320000xi32, #tpu.memory_space<hbm>> -> memref<80xi32, #tpu.memory_space<hbm>>
      %dma_wait3A_338 = tpu.memref_slice %arg3[%add3A_336] : memref<320000xi32, #tpu.memory_space<hbm>> -> memref<80xi32, #tpu.memory_space<hbm>>
      tpu.wait_dma2 semaphore(%arg33 : memref<!tpu.dma_semaphore, #tpu.memory_space<semaphore_mem>>) src(%dma_wait3A_338 : memref<80xi32, #tpu.memory_space<hbm>>) dst(%arg7 : memref<80xi32, #tpu.memory_space<vmem>>)
      %dma_start3A_339 = arith.constant 0 : i32
      %dma_start3A_340 = arith.constant 0 : i32
      %dma_start3A_341 = tpu.memref_slice %arg2[%dma_start3A_339, %dma_start3A_340] : memref<10000x128xf32, #tpu.memory_space<hbm>> -> memref<10000x128xf32, #tpu.memory_space<hbm>>
      tpu.enqueue_indirect_dma source(%dma_start3A_341 : memref<10000x128xf32, #tpu.memory_space<hbm>>) target(%arg15 : memref<80x128xf32, #tpu.memory_space<vmem>>) offsets(%arg7 : memref<80xi32, #tpu.memory_space<vmem>>) semaphore(%arg21 : memref<!tpu.dma_semaphore, #tpu.memory_space<semaphore_mem>>)
      %dma_wait3A_342 = arith.constant 0 : i32
      %dma_wait3A_343 = arith.constant 0 : i32
      %dma_wait3A_344 = tpu.memref_slice %arg20[%dma_wait3A_342, %dma_wait3A_343] : memref<10240x128xf32, #tpu.memory_space<vmem_shared>> -> memref<10240x128xf32, #tpu.memory_space<vmem_shared>>
      tpu.wait_indirect_dma semaphore(%arg26 : memref<!tpu.dma_semaphore, #tpu.memory_space<semaphore_mem>>) src(%arg16 : memref<80x128xf32, #tpu.memory_space<vmem>>) dst(%dma_wait3A_344 : memref<10240x128xf32, #tpu.memory_space<vmem_shared>>)
      %add3A_345 = arith.constant 4 : i32
      %add3A_346 = arith.addi %mul3A_209, %add3A_345 : i32
      %add3A_347 = arith.constant 1 : i32
      %add3A_348 = arith.addi %add3A_346, %add3A_347 : i32
      %mul3A_349 = arith.constant 10000 : i32
      %mul3A_350 = arith.muli %add3A, %mul3A_349 : i32
      %mul3A_351 = arith.constant 80 : i32
      %mul3A_352 = arith.muli %add3A_348, %mul3A_351 : i32
      %add3A_353 = arith.addi %mul3A_350, %mul3A_352 : i32
      %dma_start3A_354 = tpu.memref_slice %arg4[%add3A_353] : memref<320000xi32, #tpu.memory_space<hbm>> -> memref<80xi32, #tpu.memory_space<hbm>>
      %dma_start3A_355 = tpu.memref_slice %arg4[%add3A_353] : memref<320000xi32, #tpu.memory_space<hbm>> -> memref<80xi32, #tpu.memory_space<hbm>>
      tpu.enqueue_dma source(%dma_start3A_355 : memref<80xi32, #tpu.memory_space<hbm>>) target(%arg12 : memref<80xi32, #tpu.memory_space<vmem>>) target_semaphore(%arg30 : memref<!tpu.dma_semaphore, #tpu.memory_space<semaphore_mem>>)
      %add3A_356 = arith.constant 4 : i32
      %add3A_357 = arith.addi %mul3A_209, %add3A_356 : i32
      %add3A_358 = arith.constant 1 : i32
      %add3A_359 = arith.addi %add3A_357, %add3A_358 : i32
      %mul3A_360 = arith.constant 10000 : i32
      %mul3A_361 = arith.muli %add3A, %mul3A_360 : i32
      %mul3A_362 = arith.constant 80 : i32
      %mul3A_363 = arith.muli %add3A_359, %mul3A_362 : i32
      %add3A_364 = arith.addi %mul3A_361, %mul3A_363 : i32
      %dma_wait3A_365 = tpu.memref_slice %arg3[%add3A_364] : memref<320000xi32, #tpu.memory_space<hbm>> -> memref<80xi32, #tpu.memory_space<hbm>>
      %dma_wait3A_366 = tpu.memref_slice %arg3[%add3A_364] : memref<320000xi32, #tpu.memory_space<hbm>> -> memref<80xi32, #tpu.memory_space<hbm>>
      tpu.wait_dma2 semaphore(%arg34 : memref<!tpu.dma_semaphore, #tpu.memory_space<semaphore_mem>>) src(%dma_wait3A_366 : memref<80xi32, #tpu.memory_space<hbm>>) dst(%arg8 : memref<80xi32, #tpu.memory_space<vmem>>)
      %dma_start3A_367 = arith.constant 0 : i32
      %dma_start3A_368 = arith.constant 0 : i32
      %dma_start3A_369 = tpu.memref_slice %arg2[%dma_start3A_367, %dma_start3A_368] : memref<10000x128xf32, #tpu.memory_space<hbm>> -> memref<10000x128xf32, #tpu.memory_space<hbm>>
      tpu.enqueue_indirect_dma source(%dma_start3A_369 : memref<10000x128xf32, #tpu.memory_space<hbm>>) target(%arg16 : memref<80x128xf32, #tpu.memory_space<vmem>>) offsets(%arg8 : memref<80xi32, #tpu.memory_space<vmem>>) semaphore(%arg22 : memref<!tpu.dma_semaphore, #tpu.memory_space<semaphore_mem>>)
      %dma_wait3A_370 = arith.constant 0 : i32
      %dma_wait3A_371 = arith.constant 0 : i32
      %dma_wait3A_372 = tpu.memref_slice %arg20[%dma_wait3A_370, %dma_wait3A_371] : memref<10240x128xf32, #tpu.memory_space<vmem_shared>> -> memref<10240x128xf32, #tpu.memory_space<vmem_shared>>
      tpu.wait_indirect_dma semaphore(%arg27 : memref<!tpu.dma_semaphore, #tpu.memory_space<semaphore_mem>>) src(%arg17 : memref<80x128xf32, #tpu.memory_space<vmem>>) dst(%dma_wait3A_372 : memref<10240x128xf32, #tpu.memory_space<vmem_shared>>)
      %add3A_373 = arith.constant 4 : i32
      %add3A_374 = arith.addi %mul3A_209, %add3A_373 : i32
      %add3A_375 = arith.constant 2 : i32
      %add3A_376 = arith.addi %add3A_374, %add3A_375 : i32
      %mul3A_377 = arith.constant 10000 : i32
      %mul3A_378 = arith.muli %add3A, %mul3A_377 : i32
      %mul3A_379 = arith.constant 80 : i32
      %mul3A_380 = arith.muli %add3A_376, %mul3A_379 : i32
      %add3A_381 = arith.addi %mul3A_378, %mul3A_380 : i32
      %dma_start3A_382 = tpu.memref_slice %arg4[%add3A_381] : memref<320000xi32, #tpu.memory_space<hbm>> -> memref<80xi32, #tpu.memory_space<hbm>>
      %dma_start3A_383 = tpu.memref_slice %arg4[%add3A_381] : memref<320000xi32, #tpu.memory_space<hbm>> -> memref<80xi32, #tpu.memory_space<hbm>>
      tpu.enqueue_dma source(%dma_start3A_383 : memref<80xi32, #tpu.memory_space<hbm>>) target(%arg13 : memref<80xi32, #tpu.memory_space<vmem>>) target_semaphore(%arg31 : memref<!tpu.dma_semaphore, #tpu.memory_space<semaphore_mem>>)
      %add3A_384 = arith.constant 4 : i32
      %add3A_385 = arith.addi %mul3A_209, %add3A_384 : i32
      %add3A_386 = arith.constant 2 : i32
      %add3A_387 = arith.addi %add3A_385, %add3A_386 : i32
      %mul3A_388 = arith.constant 10000 : i32
      %mul3A_389 = arith.muli %add3A, %mul3A_388 : i32
      %mul3A_390 = arith.constant 80 : i32
      %mul3A_391 = arith.muli %add3A_387, %mul3A_390 : i32
      %add3A_392 = arith.addi %mul3A_389, %mul3A_391 : i32
      %dma_wait3A_393 = tpu.memref_slice %arg3[%add3A_392] : memref<320000xi32, #tpu.memory_space<hbm>> -> memref<80xi32, #tpu.memory_space<hbm>>
      %dma_wait3A_394 = tpu.memref_slice %arg3[%add3A_392] : memref<320000xi32, #tpu.memory_space<hbm>> -> memref<80xi32, #tpu.memory_space<hbm>>
      tpu.wait_dma2 semaphore(%arg35 : memref<!tpu.dma_semaphore, #tpu.memory_space<semaphore_mem>>) src(%dma_wait3A_394 : memref<80xi32, #tpu.memory_space<hbm>>) dst(%arg9 : memref<80xi32, #tpu.memory_space<vmem>>)
      %dma_start3A_395 = arith.constant 0 : i32
      %dma_start3A_396 = arith.constant 0 : i32
      %dma_start3A_397 = tpu.memref_slice %arg2[%dma_start3A_395, %dma_start3A_396] : memref<10000x128xf32, #tpu.memory_space<hbm>> -> memref<10000x128xf32, #tpu.memory_space<hbm>>
      tpu.enqueue_indirect_dma source(%dma_start3A_397 : memref<10000x128xf32, #tpu.memory_space<hbm>>) target(%arg17 : memref<80x128xf32, #tpu.memory_space<vmem>>) offsets(%arg9 : memref<80xi32, #tpu.memory_space<vmem>>) semaphore(%arg23 : memref<!tpu.dma_semaphore, #tpu.memory_space<semaphore_mem>>)
      %dma_wait3A_398 = arith.constant 0 : i32
      %dma_wait3A_399 = arith.constant 0 : i32
      %dma_wait3A_400 = tpu.memref_slice %arg20[%dma_wait3A_398, %dma_wait3A_399] : memref<10240x128xf32, #tpu.memory_space<vmem_shared>> -> memref<10240x128xf32, #tpu.memory_space<vmem_shared>>
      tpu.wait_indirect_dma semaphore(%arg28 : memref<!tpu.dma_semaphore, #tpu.memory_space<semaphore_mem>>) src(%arg18 : memref<80x128xf32, #tpu.memory_space<vmem>>) dst(%dma_wait3A_400 : memref<10240x128xf32, #tpu.memory_space<vmem_shared>>)
      %add3A_401 = arith.constant 4 : i32
      %add3A_402 = arith.addi %mul3A_209, %add3A_401 : i32
      %add3A_403 = arith.constant 3 : i32
      %add3A_404 = arith.addi %add3A_402, %add3A_403 : i32
      %mul3A_405 = arith.constant 10000 : i32
      %mul3A_406 = arith.muli %add3A, %mul3A_405 : i32
      %mul3A_407 = arith.constant 80 : i32
      %mul3A_408 = arith.muli %add3A_404, %mul3A_407 : i32
      %add3A_409 = arith.addi %mul3A_406, %mul3A_408 : i32
      %dma_start3A_410 = tpu.memref_slice %arg4[%add3A_409] : memref<320000xi32, #tpu.memory_space<hbm>> -> memref<80xi32, #tpu.memory_space<hbm>>
      %dma_start3A_411 = tpu.memref_slice %arg4[%add3A_409] : memref<320000xi32, #tpu.memory_space<hbm>> -> memref<80xi32, #tpu.memory_space<hbm>>
      tpu.enqueue_dma source(%dma_start3A_411 : memref<80xi32, #tpu.memory_space<hbm>>) target(%arg14 : memref<80xi32, #tpu.memory_space<vmem>>) target_semaphore(%arg32 : memref<!tpu.dma_semaphore, #tpu.memory_space<semaphore_mem>>)
      %add3A_412 = arith.constant 4 : i32
      %add3A_413 = arith.addi %mul3A_209, %add3A_412 : i32
      %add3A_414 = arith.constant 3 : i32
      %add3A_415 = arith.addi %add3A_413, %add3A_414 : i32
      %mul3A_416 = arith.constant 10000 : i32
      %mul3A_417 = arith.muli %add3A, %mul3A_416 : i32
      %mul3A_418 = arith.constant 80 : i32
      %mul3A_419 = arith.muli %add3A_415, %mul3A_418 : i32
      %add3A_420 = arith.addi %mul3A_417, %mul3A_419 : i32
      %dma_wait3A_421 = tpu.memref_slice %arg3[%add3A_420] : memref<320000xi32, #tpu.memory_space<hbm>> -> memref<80xi32, #tpu.memory_space<hbm>>
      %dma_wait3A_422 = tpu.memref_slice %arg3[%add3A_420] : memref<320000xi32, #tpu.memory_space<hbm>> -> memref<80xi32, #tpu.memory_space<hbm>>
      tpu.wait_dma2 semaphore(%arg36 : memref<!tpu.dma_semaphore, #tpu.memory_space<semaphore_mem>>) src(%dma_wait3A_422 : memref<80xi32, #tpu.memory_space<hbm>>) dst(%arg10 : memref<80xi32, #tpu.memory_space<vmem>>)
      %dma_start3A_423 = arith.constant 0 : i32
      %dma_start3A_424 = arith.constant 0 : i32
      %dma_start3A_425 = tpu.memref_slice %arg2[%dma_start3A_423, %dma_start3A_424] : memref<10000x128xf32, #tpu.memory_space<hbm>> -> memref<10000x128xf32, #tpu.memory_space<hbm>>
      tpu.enqueue_indirect_dma source(%dma_start3A_425 : memref<10000x128xf32, #tpu.memory_space<hbm>>) target(%arg18 : memref<80x128xf32, #tpu.memory_space<vmem>>) offsets(%arg10 : memref<80xi32, #tpu.memory_space<vmem>>) semaphore(%arg24 : memref<!tpu.dma_semaphore, #tpu.memory_space<semaphore_mem>>)
    }
    %scan3A_96 = arith.constant 30 : i32
    %mul3A_97 = arith.constant 10000 : i32
    %mul3A_98 = arith.muli %add3A, %mul3A_97 : i32
    %add3A_99 = arith.constant 9600 : i32
    %add3A_100 = arith.addi %mul3A_98, %add3A_99 : i32
    %dma_wait3A_101 = tpu.memref_slice %arg4[%add3A_100] : memref<320000xi32, #tpu.memory_space<hbm>> -> memref<80xi32, #tpu.memory_space<hbm>>
    %dma_wait3A_102 = tpu.memref_slice %arg4[%add3A_100] : memref<320000xi32, #tpu.memory_space<hbm>> -> memref<80xi32, #tpu.memory_space<hbm>>
    tpu.wait_dma2 semaphore(%arg29 : memref<!tpu.dma_semaphore, #tpu.memory_space<semaphore_mem>>) src(%dma_wait3A_102 : memref<80xi32, #tpu.memory_space<hbm>>) dst(%arg11 : memref<80xi32, #tpu.memory_space<vmem>>)
    %dma_wait3A_103 = arith.constant 0 : i32
    %dma_wait3A_104 = arith.constant 0 : i32
    %dma_wait3A_105 = tpu.memref_slice %arg2[%dma_wait3A_103, %dma_wait3A_104] : memref<10000x128xf32, #tpu.memory_space<hbm>> -> memref<10000x128xf32, #tpu.memory_space<hbm>>
    tpu.wait_indirect_dma semaphore(%arg21 : memref<!tpu.dma_semaphore, #tpu.memory_space<semaphore_mem>>) src(%dma_wait3A_105 : memref<10000x128xf32, #tpu.memory_space<hbm>>) dst(%arg15 : memref<80x128xf32, #tpu.memory_space<vmem>>)
    %dma_start3A_106 = arith.constant 0 : i32
    %dma_start3A_107 = arith.constant 0 : i32
    %dma_start3A_108 = tpu.memref_slice %arg20[%dma_start3A_106, %dma_start3A_107] : memref<10240x128xf32, #tpu.memory_space<vmem_shared>> -> memref<10240x128xf32, #tpu.memory_space<vmem_shared>>
    tpu.enqueue_indirect_dma source(%arg15 : memref<80x128xf32, #tpu.memory_space<vmem>>) target(%dma_start3A_108 : memref<10240x128xf32, #tpu.memory_space<vmem_shared>>) offsets(%arg11 : memref<80xi32, #tpu.memory_space<vmem>>) semaphore(%arg25 : memref<!tpu.dma_semaphore, #tpu.memory_space<semaphore_mem>>) {add = true}
    %mul3A_109 = arith.constant 10000 : i32
    %mul3A_110 = arith.muli %add3A, %mul3A_109 : i32
    %add3A_111 = arith.constant 9920 : i32
    %add3A_112 = arith.addi %mul3A_110, %add3A_111 : i32
    %dma_start3A_113 = tpu.memref_slice %arg3[%add3A_112] : memref<320000xi32, #tpu.memory_space<hbm>> -> memref<80xi32, #tpu.memory_space<hbm>>
    %dma_start3A_114 = tpu.memref_slice %arg3[%add3A_112] : memref<320000xi32, #tpu.memory_space<hbm>> -> memref<80xi32, #tpu.memory_space<hbm>>
    tpu.enqueue_dma source(%dma_start3A_114 : memref<80xi32, #tpu.memory_space<hbm>>) target(%arg7 : memref<80xi32, #tpu.memory_space<vmem>>) target_semaphore(%arg33 : memref<!tpu.dma_semaphore, #tpu.memory_space<semaphore_mem>>)
    %mul3A_115 = arith.constant 10000 : i32
    %mul3A_116 = arith.muli %add3A, %mul3A_115 : i32
    %add3A_117 = arith.constant 9680 : i32
    %add3A_118 = arith.addi %mul3A_116, %add3A_117 : i32
    %dma_wait3A_119 = tpu.memref_slice %arg4[%add3A_118] : memref<320000xi32, #tpu.memory_space<hbm>> -> memref<80xi32, #tpu.memory_space<hbm>>
    %dma_wait3A_120 = tpu.memref_slice %arg4[%add3A_118] : memref<320000xi32, #tpu.memory_space<hbm>> -> memref<80xi32, #tpu.memory_space<hbm>>
    tpu.wait_dma2 semaphore(%arg30 : memref<!tpu.dma_semaphore, #tpu.memory_space<semaphore_mem>>) src(%dma_wait3A_120 : memref<80xi32, #tpu.memory_space<hbm>>) dst(%arg12 : memref<80xi32, #tpu.memory_space<vmem>>)
    %dma_wait3A_121 = arith.constant 0 : i32
    %dma_wait3A_122 = arith.constant 0 : i32
    %dma_wait3A_123 = tpu.memref_slice %arg2[%dma_wait3A_121, %dma_wait3A_122] : memref<10000x128xf32, #tpu.memory_space<hbm>> -> memref<10000x128xf32, #tpu.memory_space<hbm>>
    tpu.wait_indirect_dma semaphore(%arg22 : memref<!tpu.dma_semaphore, #tpu.memory_space<semaphore_mem>>) src(%dma_wait3A_123 : memref<10000x128xf32, #tpu.memory_space<hbm>>) dst(%arg16 : memref<80x128xf32, #tpu.memory_space<vmem>>)
    %dma_start3A_124 = arith.constant 0 : i32
    %dma_start3A_125 = arith.constant 0 : i32
    %dma_start3A_126 = tpu.memref_slice %arg20[%dma_start3A_124, %dma_start3A_125] : memref<10240x128xf32, #tpu.memory_space<vmem_shared>> -> memref<10240x128xf32, #tpu.memory_space<vmem_shared>>
    tpu.enqueue_indirect_dma source(%arg16 : memref<80x128xf32, #tpu.memory_space<vmem>>) target(%dma_start3A_126 : memref<10240x128xf32, #tpu.memory_space<vmem_shared>>) offsets(%arg12 : memref<80xi32, #tpu.memory_space<vmem>>) semaphore(%arg26 : memref<!tpu.dma_semaphore, #tpu.memory_space<semaphore_mem>>) {add = true}
    %mul3A_127 = arith.constant 10000 : i32
    %mul3A_128 = arith.muli %add3A, %mul3A_127 : i32
    %add3A_129 = arith.constant 9760 : i32
    %add3A_130 = arith.addi %mul3A_128, %add3A_129 : i32
    %dma_wait3A_131 = tpu.memref_slice %arg4[%add3A_130] : memref<320000xi32, #tpu.memory_space<hbm>> -> memref<80xi32, #tpu.memory_space<hbm>>
    %dma_wait3A_132 = tpu.memref_slice %arg4[%add3A_130] : memref<320000xi32, #tpu.memory_space<hbm>> -> memref<80xi32, #tpu.memory_space<hbm>>
    tpu.wait_dma2 semaphore(%arg31 : memref<!tpu.dma_semaphore, #tpu.memory_space<semaphore_mem>>) src(%dma_wait3A_132 : memref<80xi32, #tpu.memory_space<hbm>>) dst(%arg13 : memref<80xi32, #tpu.memory_space<vmem>>)
    %dma_wait3A_133 = arith.constant 0 : i32
    %dma_wait3A_134 = arith.constant 0 : i32
    %dma_wait3A_135 = tpu.memref_slice %arg2[%dma_wait3A_133, %dma_wait3A_134] : memref<10000x128xf32, #tpu.memory_space<hbm>> -> memref<10000x128xf32, #tpu.memory_space<hbm>>
    tpu.wait_indirect_dma semaphore(%arg23 : memref<!tpu.dma_semaphore, #tpu.memory_space<semaphore_mem>>) src(%dma_wait3A_135 : memref<10000x128xf32, #tpu.memory_space<hbm>>) dst(%arg17 : memref<80x128xf32, #tpu.memory_space<vmem>>)
    %dma_start3A_136 = arith.constant 0 : i32
    %dma_start3A_137 = arith.constant 0 : i32
    %dma_start3A_138 = tpu.memref_slice %arg20[%dma_start3A_136, %dma_start3A_137] : memref<10240x128xf32, #tpu.memory_space<vmem_shared>> -> memref<10240x128xf32, #tpu.memory_space<vmem_shared>>
    tpu.enqueue_indirect_dma source(%arg17 : memref<80x128xf32, #tpu.memory_space<vmem>>) target(%dma_start3A_138 : memref<10240x128xf32, #tpu.memory_space<vmem_shared>>) offsets(%arg13 : memref<80xi32, #tpu.memory_space<vmem>>) semaphore(%arg27 : memref<!tpu.dma_semaphore, #tpu.memory_space<semaphore_mem>>) {add = true}
    %mul3A_139 = arith.constant 10000 : i32
    %mul3A_140 = arith.muli %add3A, %mul3A_139 : i32
    %add3A_141 = arith.constant 9840 : i32
    %add3A_142 = arith.addi %mul3A_140, %add3A_141 : i32
    %dma_wait3A_143 = tpu.memref_slice %arg4[%add3A_142] : memref<320000xi32, #tpu.memory_space<hbm>> -> memref<80xi32, #tpu.memory_space<hbm>>
    %dma_wait3A_144 = tpu.memref_slice %arg4[%add3A_142] : memref<320000xi32, #tpu.memory_space<hbm>> -> memref<80xi32, #tpu.memory_space<hbm>>
    tpu.wait_dma2 semaphore(%arg32 : memref<!tpu.dma_semaphore, #tpu.memory_space<semaphore_mem>>) src(%dma_wait3A_144 : memref<80xi32, #tpu.memory_space<hbm>>) dst(%arg14 : memref<80xi32, #tpu.memory_space<vmem>>)
    %dma_wait3A_145 = arith.constant 0 : i32
    %dma_wait3A_146 = arith.constant 0 : i32
    %dma_wait3A_147 = tpu.memref_slice %arg2[%dma_wait3A_145, %dma_wait3A_146] : memref<10000x128xf32, #tpu.memory_space<hbm>> -> memref<10000x128xf32, #tpu.memory_space<hbm>>
    tpu.wait_indirect_dma semaphore(%arg24 : memref<!tpu.dma_semaphore, #tpu.memory_space<semaphore_mem>>) src(%dma_wait3A_147 : memref<10000x128xf32, #tpu.memory_space<hbm>>) dst(%arg18 : memref<80x128xf32, #tpu.memory_space<vmem>>)
    %dma_start3A_148 = arith.constant 0 : i32
    %dma_start3A_149 = arith.constant 0 : i32
    %dma_start3A_150 = tpu.memref_slice %arg20[%dma_start3A_148, %dma_start3A_149] : memref<10240x128xf32, #tpu.memory_space<vmem_shared>> -> memref<10240x128xf32, #tpu.memory_space<vmem_shared>>
    tpu.enqueue_indirect_dma source(%arg18 : memref<80x128xf32, #tpu.memory_space<vmem>>) target(%dma_start3A_150 : memref<10240x128xf32, #tpu.memory_space<vmem_shared>>) offsets(%arg14 : memref<80xi32, #tpu.memory_space<vmem>>) semaphore(%arg28 : memref<!tpu.dma_semaphore, #tpu.memory_space<semaphore_mem>>) {add = true}
    %dma_wait3A_151 = arith.constant 0 : i32
    %dma_wait3A_152 = arith.constant 0 : i32
    %dma_wait3A_153 = tpu.memref_slice %arg20[%dma_wait3A_151, %dma_wait3A_152] : memref<10240x128xf32, #tpu.memory_space<vmem_shared>> -> memref<10240x128xf32, #tpu.memory_space<vmem_shared>>
    tpu.wait_indirect_dma semaphore(%arg25 : memref<!tpu.dma_semaphore, #tpu.memory_space<semaphore_mem>>) src(%arg15 : memref<80x128xf32, #tpu.memory_space<vmem>>) dst(%dma_wait3A_153 : memref<10240x128xf32, #tpu.memory_space<vmem_shared>>)
    %mul3A_154 = arith.constant 10000 : i32
    %mul3A_155 = arith.muli %add3A, %mul3A_154 : i32
    %add3A_156 = arith.constant 9920 : i32
    %add3A_157 = arith.addi %mul3A_155, %add3A_156 : i32
    %dma_start3A_158 = tpu.memref_slice %arg4[%add3A_157] : memref<320000xi32, #tpu.memory_space<hbm>> -> memref<80xi32, #tpu.memory_space<hbm>>
    %dma_start3A_159 = tpu.memref_slice %arg4[%add3A_157] : memref<320000xi32, #tpu.memory_space<hbm>> -> memref<80xi32, #tpu.memory_space<hbm>>
    tpu.enqueue_dma source(%dma_start3A_159 : memref<80xi32, #tpu.memory_space<hbm>>) target(%arg11 : memref<80xi32, #tpu.memory_space<vmem>>) target_semaphore(%arg29 : memref<!tpu.dma_semaphore, #tpu.memory_space<semaphore_mem>>)
    %mul3A_160 = arith.constant 10000 : i32
    %mul3A_161 = arith.muli %add3A, %mul3A_160 : i32
    %add3A_162 = arith.constant 9920 : i32
    %add3A_163 = arith.addi %mul3A_161, %add3A_162 : i32
    %dma_wait3A_164 = tpu.memref_slice %arg3[%add3A_163] : memref<320000xi32, #tpu.memory_space<hbm>> -> memref<80xi32, #tpu.memory_space<hbm>>
    %dma_wait3A_165 = tpu.memref_slice %arg3[%add3A_163] : memref<320000xi32, #tpu.memory_space<hbm>> -> memref<80xi32, #tpu.memory_space<hbm>>
    tpu.wait_dma2 semaphore(%arg33 : memref<!tpu.dma_semaphore, #tpu.memory_space<semaphore_mem>>) src(%dma_wait3A_165 : memref<80xi32, #tpu.memory_space<hbm>>) dst(%arg7 : memref<80xi32, #tpu.memory_space<vmem>>)
    %dma_start3A_166 = arith.constant 0 : i32
    %dma_start3A_167 = arith.constant 0 : i32
    %dma_start3A_168 = tpu.memref_slice %arg2[%dma_start3A_166, %dma_start3A_167] : memref<10000x128xf32, #tpu.memory_space<hbm>> -> memref<10000x128xf32, #tpu.memory_space<hbm>>
    tpu.enqueue_indirect_dma source(%dma_start3A_168 : memref<10000x128xf32, #tpu.memory_space<hbm>>) target(%arg15 : memref<80x128xf32, #tpu.memory_space<vmem>>) offsets(%arg7 : memref<80xi32, #tpu.memory_space<vmem>>) semaphore(%arg21 : memref<!tpu.dma_semaphore, #tpu.memory_space<semaphore_mem>>)
    %mul3A_169 = arith.constant 10000 : i32
    %mul3A_170 = arith.muli %add3A, %mul3A_169 : i32
    %add3A_171 = arith.constant 9920 : i32
    %add3A_172 = arith.addi %mul3A_170, %add3A_171 : i32
    %dma_wait3A_173 = tpu.memref_slice %arg4[%add3A_172] : memref<320000xi32, #tpu.memory_space<hbm>> -> memref<80xi32, #tpu.memory_space<hbm>>
    %dma_wait3A_174 = tpu.memref_slice %arg4[%add3A_172] : memref<320000xi32, #tpu.memory_space<hbm>> -> memref<80xi32, #tpu.memory_space<hbm>>
    tpu.wait_dma2 semaphore(%arg29 : memref<!tpu.dma_semaphore, #tpu.memory_space<semaphore_mem>>) src(%dma_wait3A_174 : memref<80xi32, #tpu.memory_space<hbm>>) dst(%arg11 : memref<80xi32, #tpu.memory_space<vmem>>)
    %dma_wait3A_175 = arith.constant 0 : i32
    %dma_wait3A_176 = arith.constant 0 : i32
    %dma_wait3A_177 = tpu.memref_slice %arg2[%dma_wait3A_175, %dma_wait3A_176] : memref<10000x128xf32, #tpu.memory_space<hbm>> -> memref<10000x128xf32, #tpu.memory_space<hbm>>
    tpu.wait_indirect_dma semaphore(%arg21 : memref<!tpu.dma_semaphore, #tpu.memory_space<semaphore_mem>>) src(%dma_wait3A_177 : memref<10000x128xf32, #tpu.memory_space<hbm>>) dst(%arg15 : memref<80x128xf32, #tpu.memory_space<vmem>>)
    %dma_start3A_178 = arith.constant 0 : i32
    %dma_start3A_179 = arith.constant 0 : i32
    %dma_start3A_180 = tpu.memref_slice %arg20[%dma_start3A_178, %dma_start3A_179] : memref<10240x128xf32, #tpu.memory_space<vmem_shared>> -> memref<10240x128xf32, #tpu.memory_space<vmem_shared>>
    tpu.enqueue_indirect_dma source(%arg15 : memref<80x128xf32, #tpu.memory_space<vmem>>) target(%dma_start3A_180 : memref<10240x128xf32, #tpu.memory_space<vmem_shared>>) offsets(%arg11 : memref<80xi32, #tpu.memory_space<vmem>>) semaphore(%arg25 : memref<!tpu.dma_semaphore, #tpu.memory_space<semaphore_mem>>) {add = true}
    %dma_wait3A_181 = arith.constant 0 : i32
    %dma_wait3A_182 = arith.constant 0 : i32
    %dma_wait3A_183 = tpu.memref_slice %arg20[%dma_wait3A_181, %dma_wait3A_182] : memref<10240x128xf32, #tpu.memory_space<vmem_shared>> -> memref<10240x128xf32, #tpu.memory_space<vmem_shared>>
    tpu.wait_indirect_dma semaphore(%arg25 : memref<!tpu.dma_semaphore, #tpu.memory_space<semaphore_mem>>) src(%arg15 : memref<80x128xf32, #tpu.memory_space<vmem>>) dst(%dma_wait3A_183 : memref<10240x128xf32, #tpu.memory_space<vmem_shared>>)
    %dma_wait3A_184 = arith.constant 0 : i32
    %dma_wait3A_185 = arith.constant 0 : i32
    %dma_wait3A_186 = tpu.memref_slice %arg20[%dma_wait3A_184, %dma_wait3A_185] : memref<10240x128xf32, #tpu.memory_space<vmem_shared>> -> memref<10240x128xf32, #tpu.memory_space<vmem_shared>>
    tpu.wait_indirect_dma semaphore(%arg26 : memref<!tpu.dma_semaphore, #tpu.memory_space<semaphore_mem>>) src(%arg16 : memref<80x128xf32, #tpu.memory_space<vmem>>) dst(%dma_wait3A_186 : memref<10240x128xf32, #tpu.memory_space<vmem_shared>>)
    %dma_wait3A_187 = arith.constant 0 : i32
    %dma_wait3A_188 = arith.constant 0 : i32
    %dma_wait3A_189 = tpu.memref_slice %arg20[%dma_wait3A_187, %dma_wait3A_188] : memref<10240x128xf32, #tpu.memory_space<vmem_shared>> -> memref<10240x128xf32, #tpu.memory_space<vmem_shared>>
    tpu.wait_indirect_dma semaphore(%arg27 : memref<!tpu.dma_semaphore, #tpu.memory_space<semaphore_mem>>) src(%arg17 : memref<80x128xf32, #tpu.memory_space<vmem>>) dst(%dma_wait3A_189 : memref<10240x128xf32, #tpu.memory_space<vmem_shared>>)
    %dma_wait3A_190 = arith.constant 0 : i32
    %dma_wait3A_191 = arith.constant 0 : i32
    %dma_wait3A_192 = tpu.memref_slice %arg20[%dma_wait3A_190, %dma_wait3A_191] : memref<10240x128xf32, #tpu.memory_space<vmem_shared>> -> memref<10240x128xf32, #tpu.memory_space<vmem_shared>>
    tpu.wait_indirect_dma semaphore(%arg28 : memref<!tpu.dma_semaphore, #tpu.memory_space<semaphore_mem>>) src(%arg18 : memref<80x128xf32, #tpu.memory_space<vmem>>) dst(%dma_wait3A_192 : memref<10240x128xf32, #tpu.memory_space<vmem_shared>>)
    %barrier3A_193 = arith.constant 0 : index
    tpu.barrier barrier_id(%barrier3A_193)
    %mul3A_194 = arith.constant 640 : i32
    %mul3A_195 = arith.muli %arg1, %mul3A_194 : i32
    %eq3A = arith.constant 0 : i32
    %eq3A_196 = arith.cmpi eq, %arg0, %eq3A : i32
    %convert_element_type3A = arith.extui %eq3A_196 : i1 to i32
    %cond3A = arith.constant 0 : i32
    %cond3A_197 = arith.cmpi ne, %convert_element_type3A, %cond3A : i32
    scf.if %cond3A_197 {
      "tpu.region"() ({
        %run_scoped3A = tpu.sem_alloc : memref<!tpu.dma_semaphore, #tpu.memory_space<semaphore_mem>>
        %dma_start3A_203 = arith.constant 0 : i32
        %dma_start3A_204 = tpu.memref_slice %arg5[%mul3A_195, %dma_start3A_203] : memref<10240x128xf32, #tpu.memory_space<hbm>> -> memref<640x128xf32, #tpu.memory_space<hbm>>
        %dma_start3A_205 = arith.constant 0 : i32
        %dma_start3A_206 = tpu.memref_slice %arg20[%mul3A_195, %dma_start3A_205] : memref<10240x128xf32, #tpu.memory_space<vmem_shared>> -> memref<640x128xf32, #tpu.memory_space<vmem_shared>>
        tpu.enqueue_dma source(%dma_start3A_206 : memref<640x128xf32, #tpu.memory_space<vmem_shared>>) target(%dma_start3A_204 : memref<640x128xf32, #tpu.memory_space<hbm>>) target_semaphore(%run_scoped3A : memref<!tpu.dma_semaphore, #tpu.memory_space<semaphore_mem>>)
        %dma_wait3A_207 = arith.constant 0 : i32
        %dma_wait3A_208 = tpu.memref_slice %arg5[%mul3A_195, %dma_wait3A_207] : memref<10240x128xf32, #tpu.memory_space<hbm>> -> memref<640x128xf32, #tpu.memory_space<hbm>>
        %dma_wait3A_209 = arith.constant 0 : i32
        %dma_wait3A_210 = tpu.memref_slice %arg20[%mul3A_195, %dma_wait3A_209] : memref<10240x128xf32, #tpu.memory_space<vmem_shared>> -> memref<640x128xf32, #tpu.memory_space<vmem_shared>>
        tpu.wait_dma2 semaphore(%run_scoped3A : memref<!tpu.dma_semaphore, #tpu.memory_space<semaphore_mem>>) src(%dma_wait3A_210 : memref<640x128xf32, #tpu.memory_space<vmem_shared>>) dst(%dma_wait3A_208 : memref<640x128xf32, #tpu.memory_space<hbm>>)
        tpu.yield
      }) : () -> ()
    } else {
    }
    %eq3A_198 = arith.constant 1 : i32
    %eq3A_199 = arith.cmpi eq, %arg0, %eq3A_198 : i32
    %convert_element_type3A_200 = arith.extui %eq3A_199 : i1 to i32
    %cond3A_201 = arith.constant 0 : i32
    %cond3A_202 = arith.cmpi ne, %convert_element_type3A_200, %cond3A_201 : i32
    scf.if %cond3A_202 {
      "tpu.region"() ({
        %run_scoped3A = tpu.sem_alloc : memref<!tpu.dma_semaphore, #tpu.memory_space<semaphore_mem>>
        %dma_start3A_203 = arith.constant 0 : i32
        %dma_start3A_204 = tpu.memref_slice %arg6[%mul3A_195, %dma_start3A_203] : memref<10240x128xf32, #tpu.memory_space<hbm>> -> memref<640x128xf32, #tpu.memory_space<hbm>>
        %dma_start3A_205 = arith.constant 0 : i32
        %dma_start3A_206 = tpu.memref_slice %arg20[%mul3A_195, %dma_start3A_205] : memref<10240x128xf32, #tpu.memory_space<vmem_shared>> -> memref<640x128xf32, #tpu.memory_space<vmem_shared>>
        tpu.enqueue_dma source(%dma_start3A_206 : memref<640x128xf32, #tpu.memory_space<vmem_shared>>) target(%dma_start3A_204 : memref<640x128xf32, #tpu.memory_space<hbm>>) target_semaphore(%run_scoped3A : memref<!tpu.dma_semaphore, #tpu.memory_space<semaphore_mem>>)
        %dma_wait3A_207 = arith.constant 0 : i32
        %dma_wait3A_208 = tpu.memref_slice %arg6[%mul3A_195, %dma_wait3A_207] : memref<10240x128xf32, #tpu.memory_space<hbm>> -> memref<640x128xf32, #tpu.memory_space<hbm>>
        %dma_wait3A_209 = arith.constant 0 : i32
        %dma_wait3A_210 = tpu.memref_slice %arg20[%mul3A_195, %dma_wait3A_209] : memref<10240x128xf32, #tpu.memory_space<vmem_shared>> -> memref<640x128xf32, #tpu.memory_space<vmem_shared>>
        tpu.wait_dma2 semaphore(%run_scoped3A : memref<!tpu.dma_semaphore, #tpu.memory_space<semaphore_mem>>) src(%dma_wait3A_210 : memref<640x128xf32, #tpu.memory_space<vmem_shared>>) dst(%dma_wait3A_208 : memref<640x128xf32, #tpu.memory_space<hbm>>)
        tpu.yield
      }) : () -> ()
    } else {
    }
    return
  }
}

module attributes {stable_mosaic.version = 14 : i64} {
  func.func @_mlp_body(%arg0: i32, %arg1: memref<10000x128xf32, #tpu.memory_space<vmem>>, %arg2: memref<10000x128xf32, #tpu.memory_space<vmem>>, %arg3: memref<10000x128xf32, #tpu.memory_space<vmem>>, %arg4: memref<128x128xf32, #tpu.memory_space<vmem>>, %arg5: memref<1x128xf32, #tpu.memory_space<vmem>>, %arg6: memref<128x128xf32, #tpu.memory_space<vmem>>, %arg7: memref<1x128xf32, #tpu.memory_space<vmem>>, %arg8: memref<10000x128xf32, #tpu.memory_space<vmem>>) attributes {dimension_semantics = [#tpu.dimension_semantics<arbitrary>], iteration_bounds = array<i64: 1>, scalar_prefetch = 0 : i64, scratch_operands = 0 : i64, tpu.core_type = #tpu.core_type<tc>, window_params = [{transform_indices = @transform_0, window_bounds = array<i64: 10000, 128>}, {transform_indices = @transform_1, window_bounds = array<i64: 10000, 128>}, {transform_indices = @transform_2, window_bounds = array<i64: 10000, 128>}, {pipeline_mode = #tpu.pipeline_mode<synchronous>, transform_indices = @transform_3, window_bounds = array<i64: 128, 128>}, {pipeline_mode = #tpu.pipeline_mode<synchronous>, transform_indices = @transform_4, window_bounds = array<i64: 1, 128>}, {pipeline_mode = #tpu.pipeline_mode<synchronous>, transform_indices = @transform_5, window_bounds = array<i64: 128, 128>}, {pipeline_mode = #tpu.pipeline_mode<synchronous>, transform_indices = @transform_6, window_bounds = array<i64: 1, 128>}, {transform_indices = @transform_7, window_bounds = array<i64: 10000, 128>}]} {
    %get3A = arith.constant 0 : index
    %get3A_0 = arith.constant 0 : index
    %get3A_1 = vector.load %arg1[%get3A, %get3A_0] : memref<10000x128xf32, #tpu.memory_space<vmem>>, vector<10000x128xf32>
    %get3A_2 = arith.constant 0 : index
    %get3A_3 = arith.constant 0 : index
    %get3A_4 = vector.load %arg2[%get3A_2, %get3A_3] : memref<10000x128xf32, #tpu.memory_space<vmem>>, vector<10000x128xf32>
    %add3A = arith.addf %get3A_1, %get3A_4 : vector<10000x128xf32>
    %get3A_5 = arith.constant 0 : index
    %get3A_6 = arith.constant 0 : index
    %get3A_7 = vector.load %arg3[%get3A_5, %get3A_6] : memref<10000x128xf32, #tpu.memory_space<vmem>>, vector<10000x128xf32>
    %add3A_8 = arith.addf %add3A, %get3A_7 : vector<10000x128xf32>
    %get3A_9 = arith.constant 0 : index
    %get3A_10 = arith.constant 0 : index
    %get3A_11 = vector.load %arg4[%get3A_9, %get3A_10] : memref<128x128xf32, #tpu.memory_space<vmem>>, vector<128x128xf32>
    %dot_general3A = arith.constant dense<0.000000e+00> : vector<10000x128xf32>
    %dot_general3A_12 = tpu.matmul %add3A_8, %get3A_11, %dot_general3A {dimension_numbers = #tpu.dot_dimension_numbers<[1], [0], [0], [1], [0, 0, 1, 1], [], []>, transpose_lhs_hint = false} : vector<10000x128xf32>, vector<128x128xf32>, vector<10000x128xf32> -> vector<10000x128xf32>
    %get3A_13 = arith.constant 0 : index
    %get3A_14 = arith.constant 0 : index
    %get3A_15 = vector.load %arg5[%get3A_13, %get3A_14] : memref<1x128xf32, #tpu.memory_space<vmem>>, vector<1x128xf32>
    %add3A_16 = vector.broadcast %get3A_15 : vector<1x128xf32> to vector<10000x128xf32>
    %add3A_17 = arith.addf %dot_general3A_12, %add3A_16 : vector<10000x128xf32>
    %max3A = arith.constant 0.000000e+00 : f32
    %max3A_18 = vector.broadcast %max3A : f32 to vector<10000x128xf32>
    %max3A_19 = arith.maximumf %add3A_17, %max3A_18 : vector<10000x128xf32>
    %get3A_20 = arith.constant 0 : index
    %get3A_21 = arith.constant 0 : index
    %get3A_22 = vector.load %arg6[%get3A_20, %get3A_21] : memref<128x128xf32, #tpu.memory_space<vmem>>, vector<128x128xf32>
    %dot_general3A_23 = arith.constant dense<0.000000e+00> : vector<10000x128xf32>
    %dot_general3A_24 = tpu.matmul %max3A_19, %get3A_22, %dot_general3A_23 {dimension_numbers = #tpu.dot_dimension_numbers<[1], [0], [0], [1], [0, 0, 1, 1], [], []>, transpose_lhs_hint = false} : vector<10000x128xf32>, vector<128x128xf32>, vector<10000x128xf32> -> vector<10000x128xf32>
    %get3A_25 = arith.constant 0 : index
    %get3A_26 = arith.constant 0 : index
    %get3A_27 = vector.load %arg7[%get3A_25, %get3A_26] : memref<1x128xf32, #tpu.memory_space<vmem>>, vector<1x128xf32>
    %add3A_28 = vector.broadcast %get3A_27 : vector<1x128xf32> to vector<10000x128xf32>
    %add3A_29 = arith.addf %dot_general3A_24, %add3A_28 : vector<10000x128xf32>
    %max3A_30 = arith.constant 0.000000e+00 : f32
    %max3A_31 = vector.broadcast %max3A_30 : f32 to vector<10000x128xf32>
    %max3A_32 = arith.maximumf %add3A_29, %max3A_31 : vector<10000x128xf32>
    %swap3A = arith.constant 0 : index
    %swap3A_33 = arith.constant 0 : index
    %swap3A_34 = vector.load %arg8[%swap3A, %swap3A_33] : memref<10000x128xf32, #tpu.memory_space<vmem>>, vector<10000x128xf32>
    tpu.vector_store %arg8[%swap3A, %swap3A_33], %max3A_32 {strides = array<i32>} : memref<10000x128xf32, #tpu.memory_space<vmem>>, vector<10000x128xf32>,
    return
  }
  func.func @transform_0(%arg0: i32) -> (i32, i32) {
    %c0_i32 = arith.constant 0 : i32
    %c0_i32_0 = arith.constant 0 : i32
    return %arg0, %c0_i32 : i32, i32
  }
  func.func @transform_1(%arg0: i32) -> (i32, i32) {
    %c0_i32 = arith.constant 0 : i32
    %c0_i32_0 = arith.constant 0 : i32
    return %arg0, %c0_i32 : i32, i32
  }
  func.func @transform_2(%arg0: i32) -> (i32, i32) {
    %c0_i32 = arith.constant 0 : i32
    %c0_i32_0 = arith.constant 0 : i32
    return %arg0, %c0_i32 : i32, i32
  }
  func.func @transform_3(%arg0: i32) -> (i32, i32) {
    %c0_i32 = arith.constant 0 : i32
    %c0_i32_0 = arith.constant 0 : i32
    %c0_i32_1 = arith.constant 0 : i32
    return %c0_i32, %c0_i32_0 : i32, i32
  }
  func.func @transform_4(%arg0: i32) -> (i32, i32) {
    %c0_i32 = arith.constant 0 : i32
    %c0_i32_0 = arith.constant 0 : i32
    %c0_i32_1 = arith.constant 0 : i32
    return %c0_i32, %c0_i32_0 : i32, i32
  }
  func.func @transform_5(%arg0: i32) -> (i32, i32) {
    %c0_i32 = arith.constant 0 : i32
    %c0_i32_0 = arith.constant 0 : i32
    %c0_i32_1 = arith.constant 0 : i32
    return %c0_i32, %c0_i32_0 : i32, i32
  }
  func.func @transform_6(%arg0: i32) -> (i32, i32) {
    %c0_i32 = arith.constant 0 : i32
    %c0_i32_0 = arith.constant 0 : i32
    %c0_i32_1 = arith.constant 0 : i32
    return %c0_i32, %c0_i32_0 : i32, i32
  }
  func.func @transform_7(%arg0: i32) -> (i32, i32) {
    %c0_i32 = arith.constant 0 : i32
    %c0_i32_0 = arith.constant 0 : i32
    return %arg0, %c0_i32 : i32, i32
  }
}

module attributes {stable_mosaic.version = 14 : i64} {
  func.func @_mlp_body(%arg0: i32, %arg1: memref<10000x128xf32, #tpu.memory_space<vmem>>, %arg2: memref<10000x128xf32, #tpu.memory_space<vmem>>, %arg3: memref<10000x128xf32, #tpu.memory_space<vmem>>, %arg4: memref<128x128xf32, #tpu.memory_space<vmem>>, %arg5: memref<1x128xf32, #tpu.memory_space<vmem>>, %arg6: memref<128x128xf32, #tpu.memory_space<vmem>>, %arg7: memref<1x128xf32, #tpu.memory_space<vmem>>, %arg8: memref<10000x128xf32, #tpu.memory_space<vmem>>) attributes {dimension_semantics = [#tpu.dimension_semantics<arbitrary>], iteration_bounds = array<i64: 1>, scalar_prefetch = 0 : i64, scratch_operands = 0 : i64, tpu.core_type = #tpu.core_type<tc>, window_params = [{transform_indices = @transform_0, window_bounds = array<i64: 10000, 128>}, {transform_indices = @transform_1, window_bounds = array<i64: 10000, 128>}, {transform_indices = @transform_2, window_bounds = array<i64: 10000, 128>}, {pipeline_mode = #tpu.pipeline_mode<synchronous>, transform_indices = @transform_3, window_bounds = array<i64: 128, 128>}, {pipeline_mode = #tpu.pipeline_mode<synchronous>, transform_indices = @transform_4, window_bounds = array<i64: 1, 128>}, {pipeline_mode = #tpu.pipeline_mode<synchronous>, transform_indices = @transform_5, window_bounds = array<i64: 128, 128>}, {pipeline_mode = #tpu.pipeline_mode<synchronous>, transform_indices = @transform_6, window_bounds = array<i64: 1, 128>}, {transform_indices = @transform_7, window_bounds = array<i64: 10000, 128>}]} {
    %get3A = arith.constant 0 : index
    %get3A_0 = arith.constant 0 : index
    %get3A_1 = vector.load %arg1[%get3A, %get3A_0] : memref<10000x128xf32, #tpu.memory_space<vmem>>, vector<10000x128xf32>
    %get3A_2 = arith.constant 0 : index
    %get3A_3 = arith.constant 0 : index
    %get3A_4 = vector.load %arg2[%get3A_2, %get3A_3] : memref<10000x128xf32, #tpu.memory_space<vmem>>, vector<10000x128xf32>
    %add3A = arith.addf %get3A_1, %get3A_4 : vector<10000x128xf32>
    %get3A_5 = arith.constant 0 : index
    %get3A_6 = arith.constant 0 : index
    %get3A_7 = vector.load %arg3[%get3A_5, %get3A_6] : memref<10000x128xf32, #tpu.memory_space<vmem>>, vector<10000x128xf32>
    %add3A_8 = arith.addf %add3A, %get3A_7 : vector<10000x128xf32>
    %get3A_9 = arith.constant 0 : index
    %get3A_10 = arith.constant 0 : index
    %get3A_11 = vector.load %arg4[%get3A_9, %get3A_10] : memref<128x128xf32, #tpu.memory_space<vmem>>, vector<128x128xf32>
    %dot_general3A = arith.constant dense<0.000000e+00> : vector<10000x128xf32>
    %dot_general3A_12 = tpu.matmul %add3A_8, %get3A_11, %dot_general3A {dimension_numbers = #tpu.dot_dimension_numbers<[1], [0], [0], [1], [0, 0, 1, 1], [], []>, transpose_lhs_hint = false} : vector<10000x128xf32>, vector<128x128xf32>, vector<10000x128xf32> -> vector<10000x128xf32>
    %get3A_13 = arith.constant 0 : index
    %get3A_14 = arith.constant 0 : index
    %get3A_15 = vector.load %arg5[%get3A_13, %get3A_14] : memref<1x128xf32, #tpu.memory_space<vmem>>, vector<1x128xf32>
    %add3A_16 = vector.broadcast %get3A_15 : vector<1x128xf32> to vector<10000x128xf32>
    %add3A_17 = arith.addf %dot_general3A_12, %add3A_16 : vector<10000x128xf32>
    %max3A = arith.constant 0.000000e+00 : f32
    %max3A_18 = vector.broadcast %max3A : f32 to vector<10000x128xf32>
    %max3A_19 = arith.maximumf %add3A_17, %max3A_18 : vector<10000x128xf32>
    %get3A_20 = arith.constant 0 : index
    %get3A_21 = arith.constant 0 : index
    %get3A_22 = vector.load %arg6[%get3A_20, %get3A_21] : memref<128x128xf32, #tpu.memory_space<vmem>>, vector<128x128xf32>
    %dot_general3A_23 = arith.constant dense<0.000000e+00> : vector<10000x128xf32>
    %dot_general3A_24 = tpu.matmul %max3A_19, %get3A_22, %dot_general3A_23 {dimension_numbers = #tpu.dot_dimension_numbers<[1], [0], [0], [1], [0, 0, 1, 1], [], []>, transpose_lhs_hint = false} : vector<10000x128xf32>, vector<128x128xf32>, vector<10000x128xf32> -> vector<10000x128xf32>
    %get3A_25 = arith.constant 0 : index
    %get3A_26 = arith.constant 0 : index
    %get3A_27 = vector.load %arg7[%get3A_25, %get3A_26] : memref<1x128xf32, #tpu.memory_space<vmem>>, vector<1x128xf32>
    %add3A_28 = vector.broadcast %get3A_27 : vector<1x128xf32> to vector<10000x128xf32>
    %add3A_29 = arith.addf %dot_general3A_24, %add3A_28 : vector<10000x128xf32>
    %swap3A = arith.constant 0 : index
    %swap3A_30 = arith.constant 0 : index
    %swap3A_31 = vector.load %arg8[%swap3A, %swap3A_30] : memref<10000x128xf32, #tpu.memory_space<vmem>>, vector<10000x128xf32>
    tpu.vector_store %arg8[%swap3A, %swap3A_30], %add3A_29 {strides = array<i32>} : memref<10000x128xf32, #tpu.memory_space<vmem>>, vector<10000x128xf32>,
    return
  }
  func.func @transform_0(%arg0: i32) -> (i32, i32) {
    %c0_i32 = arith.constant 0 : i32
    %c0_i32_0 = arith.constant 0 : i32
    return %arg0, %c0_i32 : i32, i32
  }
  func.func @transform_1(%arg0: i32) -> (i32, i32) {
    %c0_i32 = arith.constant 0 : i32
    %c0_i32_0 = arith.constant 0 : i32
    return %arg0, %c0_i32 : i32, i32
  }
  func.func @transform_2(%arg0: i32) -> (i32, i32) {
    %c0_i32 = arith.constant 0 : i32
    %c0_i32_0 = arith.constant 0 : i32
    return %arg0, %c0_i32 : i32, i32
  }
  func.func @transform_3(%arg0: i32) -> (i32, i32) {
    %c0_i32 = arith.constant 0 : i32
    %c0_i32_0 = arith.constant 0 : i32
    %c0_i32_1 = arith.constant 0 : i32
    return %c0_i32, %c0_i32_0 : i32, i32
  }
  func.func @transform_4(%arg0: i32) -> (i32, i32) {
    %c0_i32 = arith.constant 0 : i32
    %c0_i32_0 = arith.constant 0 : i32
    %c0_i32_1 = arith.constant 0 : i32
    return %c0_i32, %c0_i32_0 : i32, i32
  }
  func.func @transform_5(%arg0: i32) -> (i32, i32) {
    %c0_i32 = arith.constant 0 : i32
    %c0_i32_0 = arith.constant 0 : i32
    %c0_i32_1 = arith.constant 0 : i32
    return %c0_i32, %c0_i32_0 : i32, i32
  }
  func.func @transform_6(%arg0: i32) -> (i32, i32) {
    %c0_i32 = arith.constant 0 : i32
    %c0_i32_0 = arith.constant 0 : i32
    %c0_i32_1 = arith.constant 0 : i32
    return %c0_i32, %c0_i32_0 : i32, i32
  }
  func.func @transform_7(%arg0: i32) -> (i32, i32) {
    %c0_i32 = arith.constant 0 : i32
    %c0_i32_0 = arith.constant 0 : i32
    return %arg0, %c0_i32 : i32, i32
  }
}

</mosaic_0001>

<sc_bundles>
// kernel: kernel.6.cloned.1.call-start
scs
__scs_entry_jumppad:
0x0: {  	(pc) =	sbr.rel $0x88, $3  }
0x1: {  	(tag) =	ssettag $0x0;
	lr =	simm.s32 $0x1  }
0x2: {  	[smem:$0x3F97] =	sst lr;
	_ =	strace $0xD0000000  }
0x3: {  	_ = 	snop  }
0x4: {  	_ = 	snop  }
0x5: {  	_ = 	snop  }
0x6: {  	_ = 	snop  }
0x7: {  	_ = 	snop  }
__scs_overlays_trampoline_lowered:
0x8: {  	[smem:$0x3FA6] =	sst s0  }
0x9: {  	[smem:$0x3FA7] =	sst s1  }
0xa: {  	[smem:$0x3FA8] =	sst s2  }
0xb: {  	[smem:$0x3FA9] =	sst s3  }
0xc: {  	[smem:$0x3FAA] =	sst s4  }
0xd: {  	[smem:$0x3FAB] =	sst s5  }
0xe: {  	[smem:$0x3FAC] =	sst s6  }
0xf: {  	[smem:$0x3FAD] =	sst s7  }
0x10: {  	[smem:$0x3FAE] =	sst s8  }
0x11: {  	[smem:$0x3FAF] =	sst s9;
	s0 =	simm.s32 @!p0 $0x0  }
0x12: {  	s1 =	sld [smem:$0x3F95];
	s0 =	simm.s32 @p0 $0x1  }
0x13: {  	[smem:$0x3FB0] =	sst s0;
	s0 =	simm.s32 @!p1 $0x0  }
0x14: {  	s2 =	sld [smem:$0x3F94];
	s0 =	simm.s32 @p1 $0x1  }
0x15: {  	[smem:$0x3FB1] =	sst s0;
	s0 =	simm.s32 @!p2 $0x0  }
0x16: {  	s3 =	sld [smem:$0x3FDB];
	s0 =	simm.s32 @p2 $0x1  }
0x17: {  	s4 =	simm.s32 $0x1BF5;
	[smem:$0x3FB3] =	sst s0  }
0x18: {  	s0 =	sld [smem:$0x3F96];
	_ =	swait.ge [sflag:s4], $0x0  }
0x19: {  	s7 =	sld [smem:$0x3F97]  }
0x1a: {  	s8 =	sadd.s32 $0xFFFFE003, lr  }
0x1b: {  	s9 =	sadd.s32 $0xFFFFFEF7, lr;
	s5 =	simm.s32 $0xFFFFFFFF;
	p2 =	slt.u32 s8, $0xFFFFF086  }
0x1c: {  	p1 =	slt.u32 s9, $0xF7A;
	s5 =	simm.s32 @!p2 $0x0  }
0x1d: {  	s5 =	simm.s32 @p1 $0x1;
	p0 =	seq.s32 s7, s2  }
0x1e: {  	s7 =	smul.u32 @!p0 $0xF7A, s2;
	p2 =	seq.s32 @!p0 s5, $0x0  }
0x1f: {  	s9 =	smul.u32 $0xF7A, s1;
	s8 =	simm.s32 @!p0 $0x1BF5;
	p2 =	por !p2, p0  }
0x20: {  	[sflag:s8] =	ssyncset.s32 @!p0 $0xFFFFF086;
	s6 =	sadd.s32 @!p0 s3, s7;
	s7 =	simm.s32 @!p0 $0x108  }
0x21: {  	s3 =	sadd.s32 s3, s9;
	s6 =	sadd.s32 @!p0 $0x88, s6;
	s7 =	simm.s32 @p2 $0x1082  }
0x22: {  	[simem:s7], [sflag:s8] =	dma.local @!p0 [hbm:s6], $0xF7A  }
0x23: {  	s9 =	sor.u32 $0xD0000000, s2;
	s6 =	simm.s32 $0x108;
	_ =	swait.ge @!p0 [sflag:s8], $0x0  }
0x24: {  	s3 =	sadd.s32 $0x88, s3;
	s6 =	simm.s32 @!p1 $0x1082;
	[sflag:s4] =	ssyncset.s32 $0xFFFFF086  }
0x25: {  	[simem:s6], [sflag:s4] =	dma.local [hbm:s3], $0xF7A  }
0x26: {  	[smem:$0x3F97] =	sst s1;
	(tag) =	ssettag s2;
	_ =	strace s9  }
0x27: {  	s1 =	sld [smem:$0x3FA7]  }
0x28: {  	s2 =	sld [smem:$0x3FA8]  }
0x29: {  	s4 =	sld [smem:$0x3FAA]  }
0x2a: {  	p0 =	seq.s32 s5, $0x0;
	s5 =	sld [smem:$0x3FAB]  }
0x2b: {  	s6 =	sld [smem:$0x3FAC]  }
0x2c: {  	s7 =	sld [smem:$0x3FAD]  }
0x2d: {  	s3 =	simm.s32 $0x108;
	s8 =	sld [smem:$0x3FAE]  }
0x2e: {  	s3 =	simm.s32 @!p0 $0x1082;
	s9 =	sld [smem:$0x3FAF]  }
0x2f: {  	lr =	sadd.s32 s0, s3;
	s0 =	sld [smem:$0x3FA6]  }
0x30: {  	s3 =	sld [smem:$0x3FA9]  }
0x31: {  	[smem:$0x3FB2] =	sst s10  }
0x32: {  	s10 =	sld [smem:$0x3FB0];
	_ =	sdelay $0x3  }
0x33: {  	p0 =	seq.s32 s10, $0x1;
	s10 =	sld [smem:$0x3FB2];
	_ =	sdelay $0x3  }
0x34: {  	[smem:$0x3FB2] =	sst s10  }
0x35: {  	s10 =	sld [smem:$0x3FB1];
	_ =	sdelay $0x3  }
0x36: {  	p1 =	seq.s32 s10, $0x1;
	s10 =	sld [smem:$0x3FB2];
	_ =	sdelay $0x3  }
0x37: {  	[smem:$0x3FB2] =	sst s10  }
0x38: {  	s10 =	sld [smem:$0x3FB3]  }
0x39: {  	_ = 	snop;
	(pc) =	sbr.ind lr, $3  }
0x3a: {  	_ = 	snop  }
0x3b: {  	_ = 	snop  }
0x3c: {  	p2 =	seq.s32 s10, $0x1;
	s10 =	sld [smem:$0x3FB2]  }
0x3d: {  	_ =	shalt  }
0x3e: {  	_ =	shalt  }
0x3f: {  	_ =	shalt  }
0x40: {  	_ =	shalt  }
0x41: {  	_ =	shalt  }
0x42: {  	_ =	shalt  }
0x43: {  	_ =	shalt  }
0x44: {  	_ =	shalt  }
0x45: {  	_ =	shalt  }
0x46: {  	_ =	shalt  }
0x47: {  	_ =	shalt  }
0x48: {  	_ =	shalt  }
0x49: {  	_ =	shalt  }
0x4a: {  	_ =	shalt  }
0x4b: {  	_ =	shalt  }
0x4c: {  	_ =	shalt  }
0x4d: {  	_ =	shalt  }
0x4e: {  	_ =	shalt  }
0x4f: {  	_ =	shalt  }
0x50: {  	_ =	shalt  }
0x51: {  	_ =	shalt  }
0x52: {  	_ =	shalt  }
0x53: {  	_ =	shalt  }
0x54: {  	_ =	shalt  }
0x55: {  	_ =	shalt  }
0x56: {  	_ =	shalt  }
0x57: {  	_ =	shalt  }
0x58: {  	_ =	shalt  }
0x59: {  	_ =	shalt  }
0x5a: {  	_ =	shalt  }
0x5b: {  	_ =	shalt  }
0x5c: {  	_ =	shalt  }
0x5d: {  	_ =	shalt  }
0x5e: {  	_ =	shalt  }
0x5f: {  	_ =	shalt  }
0x60: {  	_ =	shalt  }
0x61: {  	_ =	shalt  }
0x62: {  	_ =	shalt  }
0x63: {  	_ =	shalt  }
0x64: {  	_ =	shalt  }
0x65: {  	_ =	shalt  }
0x66: {  	_ =	shalt  }
0x67: {  	_ =	shalt  }
0x68: {  	_ =	shalt  }
0x69: {  	_ =	shalt  }
0x6a: {  	_ =	shalt  }
0x6b: {  	_ =	shalt  }
0x6c: {  	_ =	shalt  }
0x6d: {  	_ =	shalt  }
0x6e: {  	_ =	shalt  }
0x6f: {  	_ =	shalt  }
0x70: {  	_ =	shalt  }
0x71: {  	_ =	shalt  }
0x72: {  	_ =	shalt  }
0x73: {  	_ =	shalt  }
0x74: {  	_ =	shalt  }
0x75: {  	_ =	shalt  }
0x76: {  	_ =	shalt  }
0x77: {  	_ =	shalt  }
0x78: {  	_ =	shalt  }
0x79: {  	_ =	shalt  }
0x7a: {  	_ =	shalt  }
0x7b: {  	_ =	shalt  }
0x7c: {  	_ =	shalt  }
0x7d: {  	_ =	shalt  }
0x7e: {  	_ =	shalt  }
0x7f: {  	_ =	shalt  }
0x80: {  	_ =	shalt  }
0x81: {  	_ =	shalt  }
0x82: {  	_ =	shalt  }
0x83: {  	_ =	shalt  }
0x84: {  	_ =	shalt  }
0x85: {  	_ =	shalt  }
0x86: {  	_ =	shalt  }
0x87: {  	_ =	shalt  }
.Lfunc_end0:
.L_simem_size_0:
called_computation_lowered:
.L_overlay_start_0:
0x88: {  	s2 =	sld [smem:$0x3FD9]  }
0x89: {  	s3 =	sld [smem:$0x3FFE];
	_ =	sdelay $0x1  }
0x8a: {  	s1 =	srdreg.scid  }
0x8b: {  	s0 =	sand.u32 $0x1, s1  }
0x8c: {  	s17 =	sshll.u32 s0, $0xA;
	s2 =	sadd.s32 s3, s2  }
0x8d: {  	s2 =	sadd.s32 s2, s17  }
0x8e: {  	[smem:$0x3FBE] =	sst s2  }
0x8f: {  	_ = 	snop  }
0x90: {  	s2 =	sld [smem:$0x3FC9];
	(tm) =	ssettm $0x1  }
0x91: {  	s18 =	sld [smem:$0x3FFB];
	_ =	sdelay $0x3  }
0x92: {  	_ =	strace s18  }
0x93: {  	s3 =	sld [smem:$0x3FFC];
	_ =	sdelay $0x3  }
0x94: {  	_ =	strace s3  }
0x95: {  	s3 =	sld [smem:$0x3FFD];
	_ =	sdelay $0x3  }
0x96: {  	_ =	strace s3  }
0x97: {  	_ =	strace $0x8FFFFFFF  }
0x98: {  	s19 =	sld [smem:$0x3FDB];
	_ =	sdelay $0x1  }
0x99: {  	s4 =	simm.s32 $_scs_section_size  }
0x9a: {  	s5 =	simm.s32 $_size__tile_overlayer_lowered;
	s6 =	simm.s32 $_tile_overlayer_lowered  }
0x9b: {  	s22 =	simm.s32 $0x1BFF;
	s21 =	sshll.u32 s6, $0x1;
	s3 =	sadd.s32 s4, s19  }
0x9c: {  	s7 =	simm.s32 $0x0;
	s20 =	sshll.u32 s5, $0x1;
	s5 =	sadd.s32 s21, s3  }
0x9d: {  	[timem:s7], [sflag:s22] =	dma.local [hbm:s5], s20  }
0x9e: {  	_ =	swait.ge [sflag:s22], s20  }
0x9f: {  	s4 =	ssub.s32 $0x0, s20;
	[sflag:s22] =	ssyncset.done $0x0  }
0xa0: {  	[sflag:s22] =	ssyncadd.s32 s4;
	_ =	sdelay $0x1  }
0xa1: {  	s23 =	simm.s32 $0x1B8B  }
0xa2: {  	_ =	swait.ge [sflag:s23], $0x1  }
0xa3: {  	[sflag:s23] =	ssyncset.done $0x0  }
0xa4: {  	s25 =	simm.s32 $0x1B8E;
	s24 =	sld [smem:$0x3FFE];
	[sflag:s23] =	ssyncadd.s32 $0xFFFFFFFF  }
0xa5: {  	s26 =	simm.s32 $execute0_lowered;
	[smem:$0x3FD2] =	sst s25  }
0xa6: {  	s5 =	sshll.u32 s26, $0x1;
	_ =	strace $0x80000046;
	[dreg:$0x1] =	wrdreg $0xFFFFFFFF  }
0xa7: {  	s28 =	simm.s32 $_size_execute0_lowered;
	s3 =	sadd.s32 s3, s5;
	[dreg:$0x0] =	wrdreg $0x0  }
0xa8: {  	s5 =	sshll.u32 s28, $0x1;
	[dreg:$0x2] =	wrdreg s3  }
0xa9: {  	[dreg:$0x3] =	wrdreg s5  }
0xaa: {  	[dreg:$0x4] =	wrdreg $0xC0  }
0xab: {  	_ =	task [dreg:s7], $0x5FFFF  }
0xac: {  	[dreg:$0x1] =	wrdreg $0xFFFFFFFF  }
0xad: {  	[dreg:$0x0] =	wrdreg $0x60  }
0xae: {  	[dreg:$0x2] =	wrdreg s2  }
0xaf: {  	[dreg:$0x3] =	wrdreg s24  }
0xb0: {  	[dreg:$0x4] =	wrdreg $0xA8000  }
0xb1: {  	[dreg:$0x5] =	wrdreg $0x9  }
0xb2: {  	_ =	task.clear_ibuf [dreg:s7], $0x6FFFF;
	_ =	strace $0x90000046  }
0xb3: {  	s29 =	simm.s32 $0x9;
	_ =	strace $0x80000048  }
0xb4: {  	_ =	swait.ge [sflag:s29], $0x1  }
0xb5: {  	[sflag:s29] =	ssyncadd.s32 $0xFFFFFFFF  }
0xb6: {  	_ =	strace $0x90000048  }
0xb7: {  	_ =	sfence  }
0xb8: {  	s30 =	sld [smem:$0x0];
	_ =	sdelay $0x2  }
0xb9: {  	s31 =	sshll.u32 s1, $0xD;
	s1 =	sshrl.u32 s1, $0x2  }
0xba: {  	s3 =	sand.u32 $0x4000, s31;
	s1 =	sadd.s32 s1, s30  }
0xbb: {  	s0 =	sor.u32 s3, s0;
	s1 =	sshll.u32 s1, $0x11  }
0xbc: {  	s0 =	sor.u32 s1, s0  }
0xbd: {  	s0 =	sadd.s32 $0x8F2B, s0  }
0xbe: {  	[sflag:s0] =	ssyncadd.remote.s32 $0x1  }
0xbf: {  	_ =	sfence.sel $0xFFFF  }
0xc0: {  	[dreg:$0x0] =	wrdreg $0xFFFFFFFF;
	(pc) =	sbr.abs _section_cstart, $3  }
0xc1: {  	[dreg:$0x1] =	wrdreg $0xFFFFFFFF  }
0xc2: {  	_ =	task.clear_ibuf [dreg:s7], $0x2FFFF;
	_ =	strace $0x9FFFFFFF  }
0xc3: {  	(tm) =	ssettm $0x7FFFFFFF  }
tec
execute0_lowered:
.L_overlay_start_1:
0x0: {  	(tag) =	ssettag $0x1  }
0x1: {  	s1 =	rddreg [dreg:$0x0]  }
0x2: {  	s0 =	rddreg [dreg:$0x1];
	s2 =	srdreg.scid  }
0x3: {  	s11 =	stileid.u32;
	s12 =	rddreg [dreg:$0x2];
	s4 =	simm.s32 $0x0  }
0x4: {  	s31 =	simm.s32 $0x200;
	s29 =	simm.s32 $0x180;
	s30 =	simm.s32 $0x50  }
0x5: {  	s2 =	sand.u32 $0x1, s2;
	s5 =	sshll.u32 s11, $0x1;
	s24 =	smul.u32 $0x50000, s11  }
0x6: {  	[smem:$0x7FF] =	sst s4;
	s26 =	sadd.s32 $0xCA00, s0;
	s9 =	smul.u32 $0x4E20, s11  }
0x7: {  	s28 =	sadd.s32 $0x2C00, s0;
	s14 =	smul.u32 $0x2800, s11;
	s11 =	simm.s32 $0x380  }
0x8: {  	s5 =	sor.u32 s2, s5;
	_ =	strace $0x80000047;
	s3 =	smul.u32 $0x2710, s2  }
0x9: {  	s6 =	ssub.s32 $0x2, s2;
	p0 =	seq.s32 s2, $0x1;
	s5 =	smul.u32 $0x2710, s5  }
0xa: {  	s2 =	simm.s32 $0x0;
	s7 =	sshrl.u32 s6, $0x1;
	s13 =	sadd.s32 s3, s9  }
0xb: {  	s6 =	ssub.s32 s6, s7;
	s5 =	sshrl.u32 s5, $0x3;
	s15 =	sadd.s32 $0x230, s13  }
0xc: {  	s6 =	smax.u32 s6, $0x1;
	s9 =	sadd.s32 $0x1E0, s13;
	s19 =	sadd.s32 s26, s5  }
0xd: {  	s20 =	sadd.s32 $0xA, s5;
	s8 =	sadd.s32 s28, s5;
	s22 =	sadd.s32 $0x14, s5  }
0xe: {  	s25 =	sadd.s32 $0x1E, s5;
	s5 =	sadd.s32 $0x4D8, s5;
	[dreg:$0x15] =	wrdreg s6  }
0xf: {  	s6 =	simm.s32 $0x3E800;
	s17 =	sshrl.u32 s9, $0x3;
	[dreg:$0xa] =	wrdreg s19  }
0x10: {  	s9 =	simm.s32 $0x400;
	[dreg:$0xb] =	wrdreg s8;
	s21 =	sadd.s32 s26, s20  }
0x11: {  	s7 =	sadd.s32 s28, s20;
	s23 =	sadd.s32 s26, s22;
	[dreg:$0xc] =	wrdreg s21  }
0x12: {  	s8 =	sadd.s32 s28, s22;
	s10 =	sadd.s32 s26, s25;
	[dreg:$0xd] =	wrdreg s7  }
0x13: {  	s6 =	simm.s32 @!p0 $0x16800;
	s18 =	sadd.s32 s17, s28;
	[dreg:$0xe] =	wrdreg s23  }
0x14: {  	s19 =	sadd.s32 $0x190, s13;
	s20 =	sadd.s32 s17, s26;
	[dreg:$0xf] =	wrdreg s8  }
0x15: {  	s17 =	simm.s32 $0x5400;
	[dreg:$0x10] =	wrdreg s10;
	s7 =	sshrl.u32 s24, $0x2  }
0x16: {  	s8 =	sadd.s32 s28, s25;
	[dreg:$0x6] =	wrdreg s18;
	s21 =	sshrl.u32 s19, $0x3  }
0x17: {  	s0 =	sadd.s32 s6, s0;
	[dreg:$0x7] =	wrdreg s20;
	s25 =	sadd.s32 $0x140, s13  }
0x18: {  	s10 =	simm.s32 $0xD;
	s18 =	simm.s32 $0xE;
	s13 =	simm.s32 $0x2C00  }
0x19: {  	s20 =	simm.s32 $0x7C00;
	s19 =	simm.s32 $0x11;
	[dreg:$0x11] =	wrdreg s8  }
0x1a: {  	s24 =	sadd.s32 s7, s12;
	s8 =	sadd.s32 s26, s5;
	[dreg:$0x17] =	wrdreg s25  }
0x1b: {  	s5 =	sadd.s32 s28, s5;
	s7 =	sshrl.u32 s15, $0x3;
	[dreg:$0x13] =	wrdreg s8  }
0x1c: {  	s22 =	sadd.s32 s21, s28;
	s0 =	sadd.s32 s0, s14;
	[dreg:$0x14] =	wrdreg s5  }
0x1d: {  	s23 =	sadd.s32 s21, s26;
	s25 =	simm.s32 $0x80;
	[dreg:$0x16] =	wrdreg s0  }
0x1e: {  	s14 =	simm.s32 $0xF;
	s21 =	simm.s32 $0x3;
	[dreg:$0x8] =	wrdreg s22  }
0x1f: {  	s15 =	simm.s32 $0x80;
	s16 =	sadd.s32 s7, s28;
	[dreg:$0x9] =	wrdreg s23  }
0x20: {  	s7 =	sadd.s32 s7, s26;
	s0 =	simm.s32 $0x280;
	[dreg:$0x12] =	wrdreg s24  }
0x21: {  	s8 =	simm.s32 $0x100;
	s23 =	simm.s32 $0xA400;
	[dreg:$0x4] =	wrdreg s16  }
0x22: {  	v0 =	vimm.f32 $0.0e+00;
	[dreg:$0x5] =	wrdreg s7;
	s7 =	simm.s32 $0x300;
	s16 =	simm.s32 $0x10  }
.LBB2_1:
0x23: {  	[dreg:$0x18] =	wrdreg s2  }
0x24: {  	s22 =	rddreg [dreg:$0xa]  }
0x25: {  	[tilespmem:s4], [sflag:$0xD] =	stream.linear.gather [hbm4b:s22+s4], $0x50, $0x38;
	[tilespmem:$0x1E800] =	vst v63  }
0x26: {  	s2 =	rddreg [dreg:$0xb]  }
0x27: {  	[tilespmem:s31], [sflag:$0x9] =	stream.linear.gather [hbm4b:s2+s4], $0x50, $0x38;
	[tilespmem:$0x1E800] =	vst v63  }
0x28: {  	s3 =	rddreg [dreg:$0xc]  }
0x29: {  	[tilespmem:s25], [sflag:$0xE] =	stream.linear.gather [hbm4b:s3+s4], $0x50, $0x38;
	[tilespmem:$0x1E800] =	vst v63  }
0x2a: {  	s5 =	rddreg [dreg:$0xd]  }
0x2b: {  	[tilespmem:s0], [sflag:$0xA] =	stream.linear.gather [hbm4b:s5+s4], $0x50, $0x38;
	[tilespmem:$0x1E800] =	vst v63  }
0x2c: {  	s6 =	rddreg [dreg:$0xe]  }
0x2d: {  	[tilespmem:s8], [sflag:$0xF] =	stream.linear.gather [hbm4b:s6+s4], $0x50, $0x38;
	[tilespmem:$0x1E800] =	vst v63  }
0x2e: {  	s2 =	rddreg [dreg:$0xf]  }
0x2f: {  	[tilespmem:s7], [sflag:$0xB] =	stream.linear.gather [hbm4b:s2+s4], $0x50, $0x38;
	[tilespmem:$0x1E800] =	vst v63  }
0x30: {  	s3 =	rddreg [dreg:$0x10]  }
0x31: {  	[tilespmem:s29], [sflag:$0x10] =	stream.linear.gather [hbm4b:s3+s4], $0x50, $0x38;
	[tilespmem:$0x1E800] =	vst v63  }
0x32: {  	s5 =	rddreg [dreg:$0x11]  }
0x33: {  	[tilespmem:s11], [sflag:$0xC] =	stream.linear.gather [hbm4b:s5+s4], $0x50, $0x38;
	[tilespmem:$0x1E800] =	vst v63  }
0x34: {  	_ =	swait.ge [sflag:s10], $0x50  }
0x35: {  	[sflag:s10] =	ssyncset.done $0x0  }
0x36: {  	[sflag:s10] =	ssyncadd.s32 $0xFFFFFFB0  }
0x37: {  	[tilespmem:s9], [sflag:$0x1] =	stream.indirect.gather [hbm4b:s1+s30], $0x80, s4, s30, $0xb8;
	[tilespmem:$0x1E800] =	vst v63  }
0x38: {  	_ =	swait.ge [sflag:s18], $0x50  }
0x39: {  	[sflag:s18] =	ssyncset.done $0x0  }
0x3a: {  	[sflag:s18] =	ssyncadd.s32 $0xFFFFFFB0  }
0x3b: {  	[tilespmem:s13], [sflag:$0x2] =	stream.indirect.gather [hbm4b:s1+s30], $0x80, s25, s30, $0xb8;
	[tilespmem:$0x1E800] =	vst v63  }
0x3c: {  	_ =	swait.ge [sflag:s14], $0x50  }
0x3d: {  	[sflag:s14] =	ssyncset.done $0x0  }
0x3e: {  	[sflag:s14] =	ssyncadd.s32 $0xFFFFFFB0  }
0x3f: {  	[tilespmem:s17], [sflag:$0x3] =	stream.indirect.gather [hbm4b:s1+s30], $0x80, s8, s30, $0xb8;
	[tilespmem:$0x1E800] =	vst v63  }
0x40: {  	_ =	swait.ge [sflag:s16], $0x50  }
0x41: {  	[sflag:s16] =	ssyncset.done $0x0  }
0x42: {  	[sflag:s16] =	ssyncadd.s32 $0xFFFFFFB0  }
0x43: {  	[tilespmem:s20], [sflag:$0x4] =	stream.indirect.gather [hbm4b:s1+s30], $0x80, s29, s30, $0xb8;
	[tilespmem:$0x1E800] =	vst v63  }
0x44: {  	[tilespmem:$0xA400] =	vst v0  }
0x45: {  	[tilespmem:$0xA410] =	vst v0  }
0x46: {  	[tilespmem:$0xA420] =	vst v0  }
0x47: {  	[tilespmem:$0xA430] =	vst v0  }
0x48: {  	[tilespmem:$0xA440] =	vst v0  }
0x49: {  	[tilespmem:$0xA450] =	vst v0  }
0x4a: {  	[tilespmem:$0xA460] =	vst v0  }
0x4b: {  	[tilespmem:$0xA470] =	vst v0  }
0x4c: {  	[tilespmem:$0xA480] =	vst v0  }
0x4d: {  	[tilespmem:$0xA490] =	vst v0  }
0x4e: {  	[tilespmem:$0xA4A0] =	vst v0  }
0x4f: {  	[tilespmem:$0xA4B0] =	vst v0  }
0x50: {  	[tilespmem:$0xA4C0] =	vst v0  }
0x51: {  	[tilespmem:$0xA4D0] =	vst v0  }
0x52: {  	[tilespmem:$0xA4E0] =	vst v0  }
0x53: {  	[tilespmem:$0xA4F0] =	vst v0  }
0x54: {  	[tilespmem:$0xA500] =	vst v0  }
0x55: {  	[tilespmem:$0xA510] =	vst v0  }
0x56: {  	[tilespmem:$0xA520] =	vst v0  }
0x57: {  	[tilespmem:$0xA530] =	vst v0  }
0x58: {  	[tilespmem:$0xA540] =	vst v0  }
0x59: {  	[tilespmem:$0xA550] =	vst v0  }
0x5a: {  	[tilespmem:$0xA560] =	vst v0  }
0x5b: {  	[tilespmem:$0xA570] =	vst v0  }
0x5c: {  	[tilespmem:$0xA580] =	vst v0  }
0x5d: {  	[tilespmem:$0xA590] =	vst v0  }
0x5e: {  	[tilespmem:$0xA5A0] =	vst v0  }
0x5f: {  	[tilespmem:$0xA5B0] =	vst v0  }
0x60: {  	[tilespmem:$0xA5C0] =	vst v0  }
0x61: {  	[tilespmem:$0xA5D0] =	vst v0  }
0x62: {  	[tilespmem:$0xA5E0] =	vst v0  }
0x63: {  	[tilespmem:$0xA5F0] =	vst v0  }
0x64: {  	[tilespmem:$0xA600] =	vst v0  }
0x65: {  	[tilespmem:$0xA610] =	vst v0  }
0x66: {  	[tilespmem:$0xA620] =	vst v0  }
0x67: {  	[tilespmem:$0xA630] =	vst v0  }
0x68: {  	[tilespmem:$0xA640] =	vst v0  }
0x69: {  	[tilespmem:$0xA650] =	vst v0  }
0x6a: {  	[tilespmem:$0xA660] =	vst v0  }
0x6b: {  	[tilespmem:$0xA670] =	vst v0  }
0x6c: {  	[tilespmem:$0xA680] =	vst v0  }
0x6d: {  	[tilespmem:$0xA690] =	vst v0  }
0x6e: {  	[tilespmem:$0xA6A0] =	vst v0  }
0x6f: {  	[tilespmem:$0xA6B0] =	vst v0  }
0x70: {  	[tilespmem:$0xA6C0] =	vst v0  }
0x71: {  	[tilespmem:$0xA6D0] =	vst v0  }
0x72: {  	[tilespmem:$0xA6E0] =	vst v0  }
0x73: {  	[tilespmem:$0xA6F0] =	vst v0  }
0x74: {  	[tilespmem:$0xA700] =	vst v0  }
0x75: {  	[tilespmem:$0xA710] =	vst v0  }
0x76: {  	[tilespmem:$0xA720] =	vst v0  }
0x77: {  	[tilespmem:$0xA730] =	vst v0  }
0x78: {  	[tilespmem:$0xA740] =	vst v0  }
0x79: {  	[tilespmem:$0xA750] =	vst v0  }
0x7a: {  	[tilespmem:$0xA760] =	vst v0  }
0x7b: {  	[tilespmem:$0xA770] =	vst v0  }
0x7c: {  	[tilespmem:$0xA780] =	vst v0  }
0x7d: {  	[tilespmem:$0xA790] =	vst v0  }
0x7e: {  	[tilespmem:$0xA7A0] =	vst v0  }
0x7f: {  	[tilespmem:$0xA7B0] =	vst v0  }
0x80: {  	[tilespmem:$0xA7C0] =	vst v0  }
0x81: {  	[tilespmem:$0xA7D0] =	vst v0  }
0x82: {  	[tilespmem:$0xA7E0] =	vst v0  }
0x83: {  	s22 =	simm.s32 $0x1000;
	s6 =	sadd.s32 $0x0, s24;
	[tilespmem:$0xA7F0] =	vst v0  }
0x84: {  	[spmem:s6] =	stream.linear.scatter [tilespmem:s23], [sflag:$0x11], $0x400, $0x38;
	[tilespmem:$0x1E800] =	vst v63  }
0x85: {  	s2 =	simm.s32 $0xA400;
	s3 =	smov.u32 s1;
	_ =	swait.ge [sflag:s19], $0x400  }
.LBB2_2:
0x86: {  	s23 =	sshra.s32 s22, $0x2;
	[sflag:s19] =	ssyncset.done $0x0;
	p0 =	sne.s32 s22, $0x4F000  }
.Ltmp0:
0x87: {  	s23 =	sadd.s32 s23, s24;
	[sflag:s19] =	ssyncadd.s32 $0xFFFFFC00;
	(pc) =	sbr.rel @p0 .LBB2_2-.Ltmp0, $3  }
0x88: {  	[spmem:s23] =	stream.linear.scatter [tilespmem:s2], [sflag:$0x11], $0x400, $0x38;
	[tilespmem:$0x1E800] =	vst v63  }
0x89: {  	s22 =	sadd.s32 $0x1000, s22;
	_ =	sdelay $0x1  }
0x8a: {  	_ =	swait.ge [sflag:s19], $0x400  }
0x8b: {  	[sflag:s19] =	ssyncset.done $0x0  }
0x8c: {  	[sflag:s19] =	ssyncadd.s32 $0xFFFFFC00  }
0x8d: {  	s1 =	simm.s32 $0x9;
	[bflag:$0x0] =	sbarrier.arrive $0xFFFF  }
0x8e: {  	_ =	swait.ge [sflag:s1], $0x50  }
0x8f: {  	[sflag:s1] =	ssyncset.done $0x0  }
0x90: {  	s2 =	simm.s32 $0x1;
	[sflag:s1] =	ssyncadd.s32 $0xFFFFFFB0  }
0x91: {  	_ =	swait.ge [sflag:s2], $0x2800  }
0x92: {  	[sflag:s2] =	ssyncset.done $0x0;
	s24 =	rddreg [dreg:$0x17]  }
0x93: {  	[sflag:s2] =	ssyncadd.s32 $0xFFFFD800;
	s22 =	sshrl.u32 s24, $0x3  }
0x94: {  	[spmem:s12] =	stream.indirect.scatter.add.f32 [tilespmem:s9], [sflag:$0x5], $0x80, s31, s30, $0xb8;
	[tilespmem:$0x1E800] =	vst v63  }
0x95: {  	s5 =	simm.s32 $0xA;
	s23 =	sadd.s32 s26, s22  }
0x96: {  	[tilespmem:s4], [sflag:$0xD] =	stream.linear.gather [hbm4b:s23+s4], $0x50, $0x38;
	[tilespmem:$0x1E800] =	vst v63  }
0x97: {  	_ =	swait.ge [sflag:s5], $0x50  }
0x98: {  	[sflag:s5] =	ssyncset.done $0x0  }
0x99: {  	s6 =	simm.s32 $0x2;
	[sflag:s5] =	ssyncadd.s32 $0xFFFFFFB0  }
0x9a: {  	_ =	swait.ge [sflag:s6], $0x2800  }
0x9b: {  	[sflag:s6] =	ssyncset.done $0x0  }
0x9c: {  	s19 =	rddreg [dreg:$0x9];
	[sflag:s6] =	ssyncadd.s32 $0xFFFFD800  }
0x9d: {  	[spmem:s12] =	stream.indirect.scatter.add.f32 [tilespmem:s13], [sflag:$0x6], $0x80, s0, s30, $0xb8;
	[tilespmem:$0x1E800] =	vst v63  }
0x9e: {  	s2 =	simm.s32 $0xB;
	s23 =	sadd.s32 $0x0, s19  }
0x9f: {  	[tilespmem:s25], [sflag:$0xE] =	stream.linear.gather [hbm4b:s23+s4], $0x50, $0x38;
	[tilespmem:$0x1E800] =	vst v63  }
0xa0: {  	_ =	swait.ge [sflag:s2], $0x50  }
0xa1: {  	[sflag:s2] =	ssyncset.done $0x0  }
0xa2: {  	[sflag:s2] =	ssyncadd.s32 $0xFFFFFFB0  }
0xa3: {  	_ =	swait.ge [sflag:s21], $0x2800  }
0xa4: {  	[sflag:s21] =	ssyncset.done $0x0  }
0xa5: {  	s5 =	rddreg [dreg:$0x7];
	[sflag:s21] =	ssyncadd.s32 $0xFFFFD800  }
0xa6: {  	[spmem:s12] =	stream.indirect.scatter.add.f32 [tilespmem:s17], [sflag:$0x7], $0x80, s7, s30, $0xb8;
	[tilespmem:$0x1E800] =	vst v63  }
0xa7: {  	s1 =	simm.s32 $0xC;
	s23 =	sadd.s32 $0x0, s5  }
0xa8: {  	[tilespmem:s8], [sflag:$0xF] =	stream.linear.gather [hbm4b:s23+s4], $0x50, $0x38;
	[tilespmem:$0x1E800] =	vst v63  }
0xa9: {  	_ =	swait.ge [sflag:s1], $0x50  }
0xaa: {  	[sflag:s1] =	ssyncset.done $0x0  }
0xab: {  	s7 =	simm.s32 $0x4;
	[sflag:s1] =	ssyncadd.s32 $0xFFFFFFB0  }
0xac: {  	_ =	swait.ge [sflag:s7], $0x2800  }
0xad: {  	[sflag:s7] =	ssyncset.done $0x0  }
0xae: {  	s6 =	rddreg [dreg:$0x5];
	[sflag:s7] =	ssyncadd.s32 $0xFFFFD800  }
0xaf: {  	[spmem:s12] =	stream.indirect.scatter.add.f32 [tilespmem:s20], [sflag:$0x8], $0x80, s11, s30, $0xb8;
	[tilespmem:$0x1E800] =	vst v63  }
0xb0: {  	s19 =	simm.s32 $0x5;
	s23 =	sadd.s32 $0x0, s6  }
0xb1: {  	[tilespmem:s29], [sflag:$0x10] =	stream.linear.gather [hbm4b:s23+s4], $0x50, $0x38;
	[tilespmem:$0x1E800] =	vst v63  }
0xb2: {  	_ =	swait.ge [sflag:s19], $0x2800  }
0xb3: {  	[sflag:s19] =	ssyncset.done $0x0  }
0xb4: {  	s22 =	sadd.s32 s28, s22;
	[sflag:s19] =	ssyncadd.s32 $0xFFFFD800  }
0xb5: {  	[tilespmem:s31], [sflag:$0x9] =	stream.linear.gather [hbm4b:s22+s4], $0x50, $0x38;
	[tilespmem:$0x1E800] =	vst v63  }
0xb6: {  	_ =	swait.ge [sflag:s10], $0x50  }
0xb7: {  	[sflag:s10] =	ssyncset.done $0x0  }
0xb8: {  	s5 =	simm.s32 $0x6;
	[sflag:s10] =	ssyncadd.s32 $0xFFFFFFB0  }
0xb9: {  	[tilespmem:s9], [sflag:$0x1] =	stream.indirect.gather [hbm4b:s3+s30], $0x80, s4, s30, $0xb8;
	[tilespmem:$0x1E800] =	vst v63  }
0xba: {  	_ =	swait.ge [sflag:s5], $0x2800  }
0xbb: {  	s20 =	rddreg [dreg:$0x8];
	[sflag:s5] =	ssyncset.done $0x0  }
0xbc: {  	[sflag:s5] =	ssyncadd.s32 $0xFFFFD800;
	s22 =	sadd.s32 $0x0, s20  }
0xbd: {  	[tilespmem:s0], [sflag:$0xA] =	stream.linear.gather [hbm4b:s22+s4], $0x50, $0x38;
	[tilespmem:$0x1E800] =	vst v63  }
0xbe: {  	_ =	swait.ge [sflag:s18], $0x50  }
0xbf: {  	[sflag:s18] =	ssyncset.done $0x0  }
0xc0: {  	[sflag:s18] =	ssyncadd.s32 $0xFFFFFFB0;
	s18 =	simm.s32 $0x7  }
0xc1: {  	[tilespmem:s13], [sflag:$0x2] =	stream.indirect.gather [hbm4b:s3+s30], $0x80, s25, s30, $0xb8;
	[tilespmem:$0x1E800] =	vst v63  }
0xc2: {  	_ =	swait.ge [sflag:s18], $0x2800  }
0xc3: {  	s23 =	rddreg [dreg:$0x6];
	[sflag:s18] =	ssyncset.done $0x0  }
0xc4: {  	s2 =	simm.s32 $0x300;
	[sflag:s18] =	ssyncadd.s32 $0xFFFFD800;
	s22 =	sadd.s32 $0x0, s23  }
0xc5: {  	[tilespmem:s2], [sflag:$0xB] =	stream.linear.gather [hbm4b:s22+s4], $0x50, $0x38;
	[tilespmem:$0x1E800] =	vst v63  }
0xc6: {  	_ =	swait.ge [sflag:s14], $0x50  }
0xc7: {  	[sflag:s14] =	ssyncset.done $0x0  }
0xc8: {  	s11 =	simm.s32 $0x8;
	[sflag:s14] =	ssyncadd.s32 $0xFFFFFFB0  }
0xc9: {  	[tilespmem:s17], [sflag:$0x3] =	stream.indirect.gather [hbm4b:s3+s30], $0x80, s8, s30, $0xb8;
	[tilespmem:$0x1E800] =	vst v63  }
0xca: {  	_ =	swait.ge [sflag:s11], $0x2800  }
0xcb: {  	s29 =	rddreg [dreg:$0x4];
	[sflag:s11] =	ssyncset.done $0x0  }
0xcc: {  	s25 =	simm.s32 $0x380;
	[sflag:s11] =	ssyncadd.s32 $0xFFFFD800;
	s22 =	sadd.s32 $0x0, s29  }
0xcd: {  	[tilespmem:s25], [sflag:$0xC] =	stream.linear.gather [hbm4b:s22+s4], $0x50, $0x38;
	[tilespmem:$0x1E800] =	vst v63  }
0xce: {  	s9 =	simm.s32 $0xD;
	s13 =	simm.s32 $0xE;
	_ =	swait.ge [sflag:s16], $0x50  }
0xcf: {  	s23 =	sadd.s32 $0x140, s24;
	s17 =	simm.s32 $0x10;
	[sflag:s16] =	ssyncset.done $0x0  }
0xd0: {  	s22 =	simm.s32 $0x28;
	[sflag:s16] =	ssyncadd.s32 $0xFFFFFFB0;
	s16 =	simm.s32 $0xF  }
.LBB2_4:
0xd1: {  	s8 =	simm.s32 $0x7C00;
	s5 =	simm.s32 $0x180;
	s20 =	simm.s32 $0x9  }
0xd2: {  	[tilespmem:s8], [sflag:$0x4] =	stream.indirect.gather [hbm4b:s3+s30], $0x80, s5, s30, $0xb8;
	[tilespmem:$0x1E800] =	vst v63  }
0xd3: {  	_ =	swait.ge [sflag:s20], $0x50  }
0xd4: {  	[sflag:s20] =	ssyncset.done $0x0  }
0xd5: {  	s25 =	simm.s32 $0x1;
	[sflag:s20] =	ssyncadd.s32 $0xFFFFFFB0  }
0xd6: {  	_ =	swait.ge [sflag:s25], $0x2800  }
0xd7: {  	[sflag:s25] =	ssyncset.done $0x0  }
0xd8: {  	s20 =	simm.s32 $0x400;
	[sflag:s25] =	ssyncadd.s32 $0xFFFFD800;
	s25 =	sshrl.u32 s23, $0x3  }
0xd9: {  	[spmem:s12] =	stream.indirect.scatter.add.f32 [tilespmem:s20], [sflag:$0x5], $0x80, s31, s30, $0xb8;
	[tilespmem:$0x1E800] =	vst v63  }
0xda: {  	s0 =	simm.s32 $0xA;
	s6 =	sadd.s32 s26, s25  }
0xdb: {  	[tilespmem:s4], [sflag:$0xD] =	stream.linear.gather [hbm4b:s6+s4], $0x50, $0x38;
	[tilespmem:$0x1E800] =	vst v63  }
0xdc: {  	_ =	swait.ge [sflag:s0], $0x50  }
0xdd: {  	[sflag:s0] =	ssyncset.done $0x0  }
0xde: {  	s10 =	simm.s32 $0x2;
	[sflag:s0] =	ssyncadd.s32 $0xFFFFFFB0  }
0xdf: {  	_ =	swait.ge [sflag:s10], $0x2800  }
0xe0: {  	s24 =	smov.u32 s22;
	s19 =	simm.s32 $0x280;
	[sflag:s10] =	ssyncset.done $0x0  }
0xe1: {  	s14 =	rddreg [dreg:$0x9];
	[sflag:s10] =	ssyncadd.s32 $0xFFFFD800;
	s10 =	simm.s32 $0x2C00  }
0xe2: {  	[spmem:s12] =	stream.indirect.scatter.add.f32 [tilespmem:s10], [sflag:$0x6], $0x80, s19, s30, $0xb8;
	[tilespmem:$0x1E800] =	vst v63  }
0xe3: {  	s31 =	smov.u32 s28;
	s28 =	smov.u32 s26;
	s26 =	sadd.s32 s24, s14  }
0xe4: {  	[tilespmem:s15], [sflag:$0xE] =	stream.linear.gather [hbm4b:s26+s4], $0x50, $0x38;
	[tilespmem:$0x1E800] =	vst v63  }
0xe5: {  	s26 =	simm.s32 $0xB  }
0xe6: {  	_ =	swait.ge [sflag:s26], $0x50  }
0xe7: {  	[sflag:s26] =	ssyncset.done $0x0  }
0xe8: {  	[sflag:s26] =	ssyncadd.s32 $0xFFFFFFB0  }
0xe9: {  	_ =	swait.ge [sflag:s21], $0x2800  }
0xea: {  	s2 =	simm.s32 $0x5400;
	[sflag:s21] =	ssyncset.done $0x0  }
0xeb: {  	s0 =	simm.s32 $0x300;
	s29 =	rddreg [dreg:$0x7];
	[sflag:s21] =	ssyncadd.s32 $0xFFFFD800  }
0xec: {  	[spmem:s12] =	stream.indirect.scatter.add.f32 [tilespmem:s2], [sflag:$0x7], $0x80, s0, s30, $0xb8;
	[tilespmem:$0x1E800] =	vst v63  }
0xed: {  	s26 =	sadd.s32 s24, s29;
	s29 =	simm.s32 $0x100  }
0xee: {  	[tilespmem:s29], [sflag:$0xF] =	stream.linear.gather [hbm4b:s26+s4], $0x50, $0x38;
	[tilespmem:$0x1E800] =	vst v63  }
0xef: {  	_ =	swait.ge [sflag:s1], $0x50  }
0xf0: {  	[sflag:s1] =	ssyncset.done $0x0  }
0xf1: {  	[sflag:s1] =	ssyncadd.s32 $0xFFFFFFB0  }
0xf2: {  	_ =	swait.ge [sflag:s7], $0x2800  }
0xf3: {  	[sflag:s7] =	ssyncset.done $0x0  }
0xf4: {  	s14 =	simm.s32 $0x380;
	s6 =	rddreg [dreg:$0x5];
	[sflag:s7] =	ssyncadd.s32 $0xFFFFD800  }
0xf5: {  	[spmem:s12] =	stream.indirect.scatter.add.f32 [tilespmem:s8], [sflag:$0x8], $0x80, s14, s30, $0xb8;
	[tilespmem:$0x1E800] =	vst v63  }
0xf6: {  	s26 =	sadd.s32 s24, s6  }
0xf7: {  	[tilespmem:s5], [sflag:$0x10] =	stream.linear.gather [hbm4b:s26+s4], $0x50, $0x38;
	[tilespmem:$0x1E800] =	vst v63  }
0xf8: {  	s5 =	simm.s32 $0x5  }
0xf9: {  	_ =	swait.ge [sflag:s5], $0x2800  }
0xfa: {  	s26 =	smov.u32 s28;
	s28 =	smov.u32 s31;
	[sflag:s5] =	ssyncset.done $0x0  }
0xfb: {  	s31 =	simm.s32 $0x200;
	s25 =	sadd.s32 s28, s25;
	[sflag:s5] =	ssyncadd.s32 $0xFFFFD800  }
0xfc: {  	[tilespmem:s31], [sflag:$0x9] =	stream.linear.gather [hbm4b:s25+s4], $0x50, $0x38;
	[tilespmem:$0x1E800] =	vst v63  }
0xfd: {  	_ =	swait.ge [sflag:s9], $0x50  }
0xfe: {  	[sflag:s9] =	ssyncset.done $0x0  }
0xff: {  	s25 =	simm.s32 $0x6;
	[sflag:s9] =	ssyncadd.s32 $0xFFFFFFB0  }
0x100: {  	[tilespmem:s20], [sflag:$0x1] =	stream.indirect.gather [hbm4b:s3+s30], $0x80, s4, s30, $0xb8;
	[tilespmem:$0x1E800] =	vst v63  }
0x101: {  	_ =	swait.ge [sflag:s25], $0x2800  }
0x102: {  	s8 =	rddreg [dreg:$0x8];
	[sflag:s25] =	ssyncset.done $0x0  }
0x103: {  	[sflag:s25] =	ssyncadd.s32 $0xFFFFD800;
	s25 =	sadd.s32 s24, s8  }
0x104: {  	[tilespmem:s19], [sflag:$0xA] =	stream.linear.gather [hbm4b:s25+s4], $0x50, $0x38;
	[tilespmem:$0x1E800] =	vst v63  }
0x105: {  	_ =	swait.ge [sflag:s13], $0x50  }
0x106: {  	[sflag:s13] =	ssyncset.done $0x0  }
0x107: {  	[sflag:s13] =	ssyncadd.s32 $0xFFFFFFB0  }
0x108: {  	[tilespmem:s10], [sflag:$0x2] =	stream.indirect.gather [hbm4b:s3+s30], $0x80, s15, s30, $0xb8;
	[tilespmem:$0x1E800] =	vst v63  }
0x109: {  	_ =	swait.ge [sflag:s18], $0x2800  }
0x10a: {  	s20 =	rddreg [dreg:$0x6];
	[sflag:s18] =	ssyncset.done $0x0  }
0x10b: {  	[sflag:s18] =	ssyncadd.s32 $0xFFFFD800;
	s25 =	sadd.s32 s24, s20  }
0x10c: {  	[tilespmem:s0], [sflag:$0xB] =	stream.linear.gather [hbm4b:s25+s4], $0x50, $0x38;
	[tilespmem:$0x1E800] =	vst v63  }
0x10d: {  	_ =	swait.ge [sflag:s16], $0x50  }
0x10e: {  	[sflag:s16] =	ssyncset.done $0x0  }
0x10f: {  	[sflag:s16] =	ssyncadd.s32 $0xFFFFFFB0  }
0x110: {  	[tilespmem:s2], [sflag:$0x3] =	stream.indirect.gather [hbm4b:s3+s30], $0x80, s29, s30, $0xb8;
	[tilespmem:$0x1E800] =	vst v63  }
0x111: {  	p0 =	sne.s32 s22, $0x488;
	s22 =	sadd.s32 $0x28, s22;
	_ =	swait.ge [sflag:s11], $0x2800  }
0x112: {  	s23 =	sadd.s32 $0x140, s23;
	s29 =	rddreg [dreg:$0x4];
	[sflag:s11] =	ssyncset.done $0x0  }
.Ltmp1:
0x113: {  	[sflag:s11] =	ssyncadd.s32 $0xFFFFD800;
	s24 =	sadd.s32 s24, s29;
	(pc) =	sbr.rel @p0 .LBB2_4-.Ltmp1, $4  }
0x114: {  	[tilespmem:s14], [sflag:$0xC] =	stream.linear.gather [hbm4b:s24+s4], $0x50, $0x38;
	[tilespmem:$0x1E800] =	vst v63  }
0x115: {  	s6 =	simm.s32 $0x180;
	s5 =	simm.s32 $0x280;
	_ =	swait.ge [sflag:s17], $0x50  }
0x116: {  	s8 =	simm.s32 $0x5400;
	s19 =	simm.s32 $0x2C00;
	[sflag:s17] =	ssyncset.done $0x0  }
0x117: {  	s10 =	simm.s32 $0x300;
	s20 =	simm.s32 $0x380;
	[sflag:s17] =	ssyncadd.s32 $0xFFFFFFB0  }
0x118: {  	s13 =	simm.s32 $0x7C00;
	s14 =	simm.s32 $0x9  }
0x119: {  	[tilespmem:s13], [sflag:$0x4] =	stream.indirect.gather [hbm4b:s3+s30], $0x80, s6, s30, $0xb8;
	[tilespmem:$0x1E800] =	vst v63  }
0x11a: {  	_ =	swait.ge [sflag:s14], $0x50  }
0x11b: {  	[sflag:s14] =	ssyncset.done $0x0  }
0x11c: {  	s0 =	simm.s32 $0x1;
	[sflag:s14] =	ssyncadd.s32 $0xFFFFFFB0  }
0x11d: {  	_ =	swait.ge [sflag:s0], $0x2800  }
0x11e: {  	[sflag:s0] =	ssyncset.done $0x0  }
0x11f: {  	s2 =	simm.s32 $0x400;
	[sflag:s0] =	ssyncadd.s32 $0xFFFFD800  }
0x120: {  	[spmem:s12] =	stream.indirect.scatter.add.f32 [tilespmem:s2], [sflag:$0x5], $0x80, s31, s30, $0xb8;
	[tilespmem:$0x1E800] =	vst v63  }
0x121: {  	s16 =	simm.s32 $0xA;
	s22 =	rddreg [dreg:$0x13]  }
0x122: {  	[tilespmem:s4], [sflag:$0xD] =	stream.linear.gather [hbm4b:s22+s4], $0x50, $0x38;
	[tilespmem:$0x1E800] =	vst v63  }
0x123: {  	_ =	swait.ge [sflag:s16], $0x50  }
0x124: {  	[sflag:s16] =	ssyncset.done $0x0  }
0x125: {  	s25 =	simm.s32 $0x2;
	[sflag:s16] =	ssyncadd.s32 $0xFFFFFFB0  }
0x126: {  	_ =	swait.ge [sflag:s25], $0x2800  }
0x127: {  	[sflag:s25] =	ssyncset.done $0x0  }
0x128: {  	s6 =	simm.s32 $0xB;
	[sflag:s25] =	ssyncadd.s32 $0xFFFFD800  }
0x129: {  	[spmem:s12] =	stream.indirect.scatter.add.f32 [tilespmem:s19], [sflag:$0x6], $0x80, s5, s30, $0xb8;
	[tilespmem:$0x1E800] =	vst v63  }
0x12a: {  	_ =	swait.ge [sflag:s6], $0x50  }
0x12b: {  	[sflag:s6] =	ssyncset.done $0x0  }
0x12c: {  	[sflag:s6] =	ssyncadd.s32 $0xFFFFFFB0  }
0x12d: {  	_ =	swait.ge [sflag:s21], $0x2800  }
0x12e: {  	[sflag:s21] =	ssyncset.done $0x0  }
0x12f: {  	[sflag:s21] =	ssyncadd.s32 $0xFFFFD800  }
0x130: {  	[spmem:s12] =	stream.indirect.scatter.add.f32 [tilespmem:s8], [sflag:$0x7], $0x80, s10, s30, $0xb8;
	[tilespmem:$0x1E800] =	vst v63  }
0x131: {  	_ =	swait.ge [sflag:s1], $0x50  }
0x132: {  	[sflag:s1] =	ssyncset.done $0x0  }
0x133: {  	[sflag:s1] =	ssyncadd.s32 $0xFFFFFFB0  }
0x134: {  	_ =	swait.ge [sflag:s7], $0x2800  }
0x135: {  	[sflag:s7] =	ssyncset.done $0x0  }
0x136: {  	s16 =	simm.s32 $0x5;
	[sflag:s7] =	ssyncadd.s32 $0xFFFFD800  }
0x137: {  	[spmem:s12] =	stream.indirect.scatter.add.f32 [tilespmem:s13], [sflag:$0x8], $0x80, s20, s30, $0xb8;
	[tilespmem:$0x1E800] =	vst v63  }
0x138: {  	_ =	swait.ge [sflag:s16], $0x2800  }
0x139: {  	[sflag:s16] =	ssyncset.done $0x0  }
0x13a: {  	s17 =	rddreg [dreg:$0x14];
	[sflag:s16] =	ssyncadd.s32 $0xFFFFD800  }
0x13b: {  	[tilespmem:s31], [sflag:$0x9] =	stream.linear.gather [hbm4b:s17+s4], $0x50, $0x38;
	[tilespmem:$0x1E800] =	vst v63  }
0x13c: {  	_ =	swait.ge [sflag:s9], $0x50  }
0x13d: {  	[sflag:s9] =	ssyncset.done $0x0  }
0x13e: {  	[sflag:s9] =	ssyncadd.s32 $0xFFFFFFB0  }
0x13f: {  	[tilespmem:s2], [sflag:$0x1] =	stream.indirect.gather [hbm4b:s3+s30], $0x80, s4, s30, $0xb8;
	[tilespmem:$0x1E800] =	vst v63  }
0x140: {  	_ =	swait.ge [sflag:s14], $0x50  }
0x141: {  	[sflag:s14] =	ssyncset.done $0x0  }
0x142: {  	[sflag:s14] =	ssyncadd.s32 $0xFFFFFFB0  }
0x143: {  	_ =	swait.ge [sflag:s0], $0x2800  }
0x144: {  	[sflag:s0] =	ssyncset.done $0x0  }
0x145: {  	[sflag:s0] =	ssyncadd.s32 $0xFFFFD800  }
0x146: {  	[spmem:s12] =	stream.indirect.scatter.add.f32 [tilespmem:s2], [sflag:$0x5], $0x80, s31, s30, $0xb8;
	[tilespmem:$0x1E800] =	vst v63  }
0x147: {  	_ =	swait.ge [sflag:s16], $0x2800  }
0x148: {  	[sflag:s16] =	ssyncset.done $0x0  }
0x149: {  	s19 =	simm.s32 $0x6;
	[sflag:s16] =	ssyncadd.s32 $0xFFFFD800  }
0x14a: {  	_ =	swait.ge [sflag:s19], $0x2800  }
0x14b: {  	[sflag:s19] =	ssyncset.done $0x0  }
0x14c: {  	[sflag:s19] =	ssyncadd.s32 $0xFFFFD800  }
0x14d: {  	_ =	swait.ge [sflag:s18], $0x2800  }
0x14e: {  	[sflag:s18] =	ssyncset.done $0x0  }
0x14f: {  	[sflag:s18] =	ssyncadd.s32 $0xFFFFD800  }
0x150: {  	_ =	swait.ge [sflag:s11], $0x2800  }
0x151: {  	[sflag:s11] =	ssyncset.done $0x0  }
0x152: {  	s20 =	stileid.u32;
	[sflag:s11] =	ssyncadd.s32 $0xFFFFD800  }
0x153: {  	s22 =	sshll.u32 s20, $0x6;
	[bflag:$0x0] =	sbarrier.arrive $0xFFFF  }
0x154: {  	s22 =	sor.u32 $0x1C11, s22;
	s24 =	rddreg [dreg:$0x12]  }
0x155: {  	s19 =	simm.s32 $0x11;
	s25 =	rddreg [dreg:$0x16];
	s23 =	sshrl.u32 s24, $0x3  }
0x156: {  	[hbm:s25], [sflag:s22] =	dma.local [spmem:s23], $0x2800  }
0x157: {  	_ =	swait.ge [sflag:s19], $0x2800  }
0x158: {  	s29 =	simm.s32 $0x180;
	s23 =	rddreg [dreg:$0x18]  }
0x159: {  	s8 =	simm.s32 $0x100;
	s25 =	rddreg [dreg:$0x15];
	s2 =	sadd.s32 $0x1, s23  }
0x15a: {  	s10 =	simm.s32 $0xD;
	s1 =	smov.u32 s3;
	p0 =	sne.s32 s2, s25  }
.Ltmp2:
0x15b: {  	s7 =	simm.s32 $0x300;
	s13 =	simm.s32 $0x2C00;
	(pc) =	sbr.rel @p0 .LBB2_1-.Ltmp2, $4  }
0x15c: {  	s20 =	simm.s32 $0x7C00;
	s17 =	simm.s32 $0x5400;
	s9 =	simm.s32 $0x400  }
0x15d: {  	s14 =	simm.s32 $0xF;
	s0 =	simm.s32 $0x280;
	s16 =	simm.s32 $0x10  }
0x15e: {  	s18 =	simm.s32 $0xE;
	s11 =	simm.s32 $0x380;
	[sflag:s19] =	ssyncset.done $0x0  }
0x15f: {  	[sflag:s19] =	ssyncadd.s32 $0xFFFFD800;
	s23 =	simm.s32 $0xA400;
	s25 =	simm.s32 $0x80  }
0x160: {  	_ =	sfence.sel $0x180000  }
0x161: {  	[bflag:$0x0] =	sbarrier.arrive $0xFFFF  }
0x162: {  	_ =	strace $0x90000047  }
0x163: {  	s0 =	stileid.u32;
	[bflag:$0x2] =	sbarrier.arrive $0xFFFF  }
0x164: {  	p0 =	sne.s32 s0, $0x0;
	s0 =	rddreg [dreg:$0x3]  }
0x165: {  	s0 =	sadd.s32 @!p0 $0x100000, s0  }
0x166: {  	[sflag:s0] =	ssyncadd.tile.s32 @!p0 $0x1;
	_ =	shalt  }
.Lfunc_end2:
_tile_overlayer_lowered:
.L_overlay_start_2:
0x167: {  	(tag) =	ssettag $0x2  }
0x168: {  	s0 =	rddreg [dreg:$0x0];
	s2 =	stileid.u32  }
0x169: {  	s1 =	rddreg [dreg:$0x1];
	p0 =	sne.s32 s2, $0x0  }
0x16a: {  	s3 =	rddreg [dreg:$0x2];
	[bflag:$0x3] =	sbarrier.arrive $0xFFFF;
	s2 =	simm.s32 @!p0 $0x1C11  }
0x16b: {  	[timem:s3], [sflag:s2] =	dma.local @!p0 [hbm:s0], s1  }
0x16c: {  	s0 =	simm.s32 @!p0 $0x11  }
0x16d: {  	_ =	swait.ge @!p0 [sflag:s0], s1  }
0x16e: {  	s1 =	ssub.s32 @!p0 $0x0, s1;
	[sflag:s0] =	ssyncset.done @!p0 $0x0  }
0x16f: {  	[sflag:s0] =	ssyncadd.s32 @!p0 s1  }
0x170: {  	[bflag:$0x3] =	sbarrier.arrive $0xFFFF  }
0x171: {  	_ =	shalt  }

// kernel: kernel.9.cloned.1.call-start
scs
__scs_entry_jumppad:
0x0: {  	(pc) =	sbr.rel $0x88, $3  }
0x1: {  	(tag) =	ssettag $0x0;
	lr =	simm.s32 $0x1  }
0x2: {  	[smem:$0x3F97] =	sst lr;
	_ =	strace $0xD0000000  }
0x3: {  	_ = 	snop  }
0x4: {  	_ = 	snop  }
0x5: {  	_ = 	snop  }
0x6: {  	_ = 	snop  }
0x7: {  	_ = 	snop  }
__scs_overlays_trampoline_lowered:
0x8: {  	[smem:$0x3FA6] =	sst s0  }
0x9: {  	[smem:$0x3FA7] =	sst s1  }
0xa: {  	[smem:$0x3FA8] =	sst s2  }
0xb: {  	[smem:$0x3FA9] =	sst s3  }
0xc: {  	[smem:$0x3FAA] =	sst s4  }
0xd: {  	[smem:$0x3FAB] =	sst s5  }
0xe: {  	[smem:$0x3FAC] =	sst s6  }
0xf: {  	[smem:$0x3FAD] =	sst s7  }
0x10: {  	[smem:$0x3FAE] =	sst s8  }
0x11: {  	[smem:$0x3FAF] =	sst s9;
	s0 =	simm.s32 @!p0 $0x0  }
0x12: {  	s1 =	sld [smem:$0x3F95];
	s0 =	simm.s32 @p0 $0x1  }
0x13: {  	[smem:$0x3FB0] =	sst s0;
	s0 =	simm.s32 @!p1 $0x0  }
0x14: {  	s2 =	sld [smem:$0x3F94];
	s0 =	simm.s32 @p1 $0x1  }
0x15: {  	[smem:$0x3FB1] =	sst s0;
	s0 =	simm.s32 @!p2 $0x0  }
0x16: {  	s3 =	sld [smem:$0x3FDB];
	s0 =	simm.s32 @p2 $0x1  }
0x17: {  	s4 =	simm.s32 $0x1BF5;
	[smem:$0x3FB3] =	sst s0  }
0x18: {  	s0 =	sld [smem:$0x3F96];
	_ =	swait.ge [sflag:s4], $0x0  }
0x19: {  	s7 =	sld [smem:$0x3F97]  }
0x1a: {  	s8 =	sadd.s32 $0xFFFFE003, lr  }
0x1b: {  	s9 =	sadd.s32 $0xFFFFFEF7, lr;
	s5 =	simm.s32 $0xFFFFFFFF;
	p2 =	slt.u32 s8, $0xFFFFF086  }
0x1c: {  	p1 =	slt.u32 s9, $0xF7A;
	s5 =	simm.s32 @!p2 $0x0  }
0x1d: {  	s5 =	simm.s32 @p1 $0x1;
	p0 =	seq.s32 s7, s2  }
0x1e: {  	s7 =	smul.u32 @!p0 $0xF7A, s2;
	p2 =	seq.s32 @!p0 s5, $0x0  }
0x1f: {  	s9 =	smul.u32 $0xF7A, s1;
	s8 =	simm.s32 @!p0 $0x1BF5;
	p2 =	por !p2, p0  }
0x20: {  	[sflag:s8] =	ssyncset.s32 @!p0 $0xFFFFF086;
	s6 =	sadd.s32 @!p0 s3, s7;
	s7 =	simm.s32 @!p0 $0x108  }
0x21: {  	s3 =	sadd.s32 s3, s9;
	s6 =	sadd.s32 @!p0 $0x88, s6;
	s7 =	simm.s32 @p2 $0x1082  }
0x22: {  	[simem:s7], [sflag:s8] =	dma.local @!p0 [hbm:s6], $0xF7A  }
0x23: {  	s9 =	sor.u32 $0xD0000000, s2;
	s6 =	simm.s32 $0x108;
	_ =	swait.ge @!p0 [sflag:s8], $0x0  }
0x24: {  	s3 =	sadd.s32 $0x88, s3;
	s6 =	simm.s32 @!p1 $0x1082;
	[sflag:s4] =	ssyncset.s32 $0xFFFFF086  }
0x25: {  	[simem:s6], [sflag:s4] =	dma.local [hbm:s3], $0xF7A  }
0x26: {  	[smem:$0x3F97] =	sst s1;
	(tag) =	ssettag s2;
	_ =	strace s9  }
0x27: {  	s1 =	sld [smem:$0x3FA7]  }
0x28: {  	s2 =	sld [smem:$0x3FA8]  }
0x29: {  	s4 =	sld [smem:$0x3FAA]  }
0x2a: {  	p0 =	seq.s32 s5, $0x0;
	s5 =	sld [smem:$0x3FAB]  }
0x2b: {  	s6 =	sld [smem:$0x3FAC]  }
0x2c: {  	s7 =	sld [smem:$0x3FAD]  }
0x2d: {  	s3 =	simm.s32 $0x108;
	s8 =	sld [smem:$0x3FAE]  }
0x2e: {  	s3 =	simm.s32 @!p0 $0x1082;
	s9 =	sld [smem:$0x3FAF]  }
0x2f: {  	lr =	sadd.s32 s0, s3;
	s0 =	sld [smem:$0x3FA6]  }
0x30: {  	s3 =	sld [smem:$0x3FA9]  }
0x31: {  	[smem:$0x3FB2] =	sst s10  }
0x32: {  	s10 =	sld [smem:$0x3FB0];
	_ =	sdelay $0x3  }
0x33: {  	p0 =	seq.s32 s10, $0x1;
	s10 =	sld [smem:$0x3FB2];
	_ =	sdelay $0x3  }
0x34: {  	[smem:$0x3FB2] =	sst s10  }
0x35: {  	s10 =	sld [smem:$0x3FB1];
	_ =	sdelay $0x3  }
0x36: {  	p1 =	seq.s32 s10, $0x1;
	s10 =	sld [smem:$0x3FB2];
	_ =	sdelay $0x3  }
0x37: {  	[smem:$0x3FB2] =	sst s10  }
0x38: {  	s10 =	sld [smem:$0x3FB3]  }
0x39: {  	_ = 	snop;
	(pc) =	sbr.ind lr, $3  }
0x3a: {  	_ = 	snop  }
0x3b: {  	_ = 	snop  }
0x3c: {  	p2 =	seq.s32 s10, $0x1;
	s10 =	sld [smem:$0x3FB2]  }
0x3d: {  	_ =	shalt  }
0x3e: {  	_ =	shalt  }
0x3f: {  	_ =	shalt  }
0x40: {  	_ =	shalt  }
0x41: {  	_ =	shalt  }
0x42: {  	_ =	shalt  }
0x43: {  	_ =	shalt  }
0x44: {  	_ =	shalt  }
0x45: {  	_ =	shalt  }
0x46: {  	_ =	shalt  }
0x47: {  	_ =	shalt  }
0x48: {  	_ =	shalt  }
0x49: {  	_ =	shalt  }
0x4a: {  	_ =	shalt  }
0x4b: {  	_ =	shalt  }
0x4c: {  	_ =	shalt  }
0x4d: {  	_ =	shalt  }
0x4e: {  	_ =	shalt  }
0x4f: {  	_ =	shalt  }
0x50: {  	_ =	shalt  }
0x51: {  	_ =	shalt  }
0x52: {  	_ =	shalt  }
0x53: {  	_ =	shalt  }
0x54: {  	_ =	shalt  }
0x55: {  	_ =	shalt  }
0x56: {  	_ =	shalt  }
0x57: {  	_ =	shalt  }
0x58: {  	_ =	shalt  }
0x59: {  	_ =	shalt  }
0x5a: {  	_ =	shalt  }
0x5b: {  	_ =	shalt  }
0x5c: {  	_ =	shalt  }
0x5d: {  	_ =	shalt  }
0x5e: {  	_ =	shalt  }
0x5f: {  	_ =	shalt  }
0x60: {  	_ =	shalt  }
0x61: {  	_ =	shalt  }
0x62: {  	_ =	shalt  }
0x63: {  	_ =	shalt  }
0x64: {  	_ =	shalt  }
0x65: {  	_ =	shalt  }
0x66: {  	_ =	shalt  }
0x67: {  	_ =	shalt  }
0x68: {  	_ =	shalt  }
0x69: {  	_ =	shalt  }
0x6a: {  	_ =	shalt  }
0x6b: {  	_ =	shalt  }
0x6c: {  	_ =	shalt  }
0x6d: {  	_ =	shalt  }
0x6e: {  	_ =	shalt  }
0x6f: {  	_ =	shalt  }
0x70: {  	_ =	shalt  }
0x71: {  	_ =	shalt  }
0x72: {  	_ =	shalt  }
0x73: {  	_ =	shalt  }
0x74: {  	_ =	shalt  }
0x75: {  	_ =	shalt  }
0x76: {  	_ =	shalt  }
0x77: {  	_ =	shalt  }
0x78: {  	_ =	shalt  }
0x79: {  	_ =	shalt  }
0x7a: {  	_ =	shalt  }
0x7b: {  	_ =	shalt  }
0x7c: {  	_ =	shalt  }
0x7d: {  	_ =	shalt  }
0x7e: {  	_ =	shalt  }
0x7f: {  	_ =	shalt  }
0x80: {  	_ =	shalt  }
0x81: {  	_ =	shalt  }
0x82: {  	_ =	shalt  }
0x83: {  	_ =	shalt  }
0x84: {  	_ =	shalt  }
0x85: {  	_ =	shalt  }
0x86: {  	_ =	shalt  }
0x87: {  	_ =	shalt  }
.Lfunc_end0:
.L_simem_size_0:
called_computation.1_lowered:
.L_overlay_start_0:
0x88: {  	s2 =	sld [smem:$0x3FD9]  }
0x89: {  	s3 =	sld [smem:$0x3FFE];
	_ =	sdelay $0x1  }
0x8a: {  	s1 =	srdreg.scid  }
0x8b: {  	s0 =	sand.u32 $0x1, s1  }
0x8c: {  	s17 =	sshll.u32 s0, $0xA;
	s2 =	sadd.s32 s3, s2  }
0x8d: {  	s2 =	sadd.s32 s2, s17  }
0x8e: {  	[smem:$0x3FBE] =	sst s2  }
0x8f: {  	_ = 	snop  }
0x90: {  	s2 =	sld [smem:$0x3FD0];
	(tm) =	ssettm $0x1  }
0x91: {  	s18 =	sld [smem:$0x3FFB];
	_ =	sdelay $0x3  }
0x92: {  	_ =	strace s18  }
0x93: {  	s3 =	sld [smem:$0x3FFC];
	_ =	sdelay $0x3  }
0x94: {  	_ =	strace s3  }
0x95: {  	s3 =	sld [smem:$0x3FFD];
	_ =	sdelay $0x3  }
0x96: {  	_ =	strace s3  }
0x97: {  	_ =	strace $0x8FFFFFFF  }
0x98: {  	s19 =	sld [smem:$0x3FDB];
	_ =	sdelay $0x1  }
0x99: {  	s4 =	simm.s32 $_scs_section_size  }
0x9a: {  	s5 =	simm.s32 $_size__tile_overlayer_lowered;
	s6 =	simm.s32 $_tile_overlayer_lowered  }
0x9b: {  	s22 =	simm.s32 $0x1BFF;
	s21 =	sshll.u32 s6, $0x1;
	s3 =	sadd.s32 s4, s19  }
0x9c: {  	s7 =	simm.s32 $0x0;
	s20 =	sshll.u32 s5, $0x1;
	s5 =	sadd.s32 s21, s3  }
0x9d: {  	[timem:s7], [sflag:s22] =	dma.local [hbm:s5], s20  }
0x9e: {  	_ =	swait.ge [sflag:s22], s20  }
0x9f: {  	s4 =	ssub.s32 $0x0, s20;
	[sflag:s22] =	ssyncset.done $0x0  }
0xa0: {  	[sflag:s22] =	ssyncadd.s32 s4;
	_ =	sdelay $0x1  }
0xa1: {  	s23 =	simm.s32 $0x1B8B  }
0xa2: {  	_ =	swait.ge [sflag:s23], $0x1  }
0xa3: {  	[sflag:s23] =	ssyncset.done $0x0  }
0xa4: {  	s25 =	simm.s32 $0x1B8E;
	s24 =	sld [smem:$0x3FFE];
	[sflag:s23] =	ssyncadd.s32 $0xFFFFFFFF  }
0xa5: {  	s26 =	simm.s32 $execute0_lowered;
	[smem:$0x3FD2] =	sst s25  }
0xa6: {  	s5 =	sshll.u32 s26, $0x1;
	_ =	strace $0x80000049;
	[dreg:$0x1] =	wrdreg $0xFFFFFFFF  }
0xa7: {  	s28 =	simm.s32 $_size_execute0_lowered;
	s3 =	sadd.s32 s3, s5;
	[dreg:$0x0] =	wrdreg $0x0  }
0xa8: {  	s5 =	sshll.u32 s28, $0x1;
	[dreg:$0x2] =	wrdreg s3  }
0xa9: {  	[dreg:$0x3] =	wrdreg s5  }
0xaa: {  	[dreg:$0x4] =	wrdreg $0xC0  }
0xab: {  	_ =	task [dreg:s7], $0x5FFFF  }
0xac: {  	[dreg:$0x1] =	wrdreg $0xFFFFFFFF  }
0xad: {  	[dreg:$0x0] =	wrdreg $0x60  }
0xae: {  	[dreg:$0x2] =	wrdreg s2  }
0xaf: {  	[dreg:$0x3] =	wrdreg s24  }
0xb0: {  	[dreg:$0x4] =	wrdreg $0xA8000  }
0xb1: {  	[dreg:$0x5] =	wrdreg $0x9  }
0xb2: {  	_ =	task.clear_ibuf [dreg:s7], $0x6FFFF;
	_ =	strace $0x90000049  }
0xb3: {  	s29 =	simm.s32 $0x9;
	_ =	strace $0x8000004B  }
0xb4: {  	_ =	swait.ge [sflag:s29], $0x1  }
0xb5: {  	[sflag:s29] =	ssyncadd.s32 $0xFFFFFFFF  }
0xb6: {  	_ =	strace $0x9000004B  }
0xb7: {  	_ =	sfence  }
0xb8: {  	s30 =	sld [smem:$0x0];
	_ =	sdelay $0x2  }
0xb9: {  	s31 =	sshll.u32 s1, $0xD;
	s1 =	sshrl.u32 s1, $0x2  }
0xba: {  	s3 =	sand.u32 $0x4000, s31;
	s1 =	sadd.s32 s1, s30  }
0xbb: {  	s0 =	sor.u32 s3, s0;
	s1 =	sshll.u32 s1, $0x11  }
0xbc: {  	s0 =	sor.u32 s1, s0  }
0xbd: {  	s0 =	sadd.s32 $0x8F2B, s0  }
0xbe: {  	[sflag:s0] =	ssyncadd.remote.s32 $0x1  }
0xbf: {  	_ =	sfence.sel $0xFFFF  }
0xc0: {  	[dreg:$0x0] =	wrdreg $0xFFFFFFFF;
	(pc) =	sbr.abs _section_cstart, $3  }
0xc1: {  	[dreg:$0x1] =	wrdreg $0xFFFFFFFF  }
0xc2: {  	_ =	task.clear_ibuf [dreg:s7], $0x2FFFF;
	_ =	strace $0x9FFFFFFF  }
0xc3: {  	(tm) =	ssettm $0x7FFFFFFF  }
tec
execute0_lowered:
.L_overlay_start_1:
0x0: {  	(tag) =	ssettag $0x1  }
0x1: {  	s1 =	rddreg [dreg:$0x0]  }
0x2: {  	s0 =	rddreg [dreg:$0x1];
	s2 =	srdreg.scid  }
0x3: {  	s11 =	stileid.u32;
	s12 =	rddreg [dreg:$0x2];
	s4 =	simm.s32 $0x0  }
0x4: {  	s31 =	simm.s32 $0x200;
	s29 =	simm.s32 $0x180;
	s30 =	simm.s32 $0x50  }
0x5: {  	s2 =	sand.u32 $0x1, s2;
	s5 =	sshll.u32 s11, $0x1;
	s24 =	smul.u32 $0x50000, s11  }
0x6: {  	[smem:$0x7FF] =	sst s4;
	s26 =	sadd.s32 $0xCA00, s0;
	s9 =	smul.u32 $0x4E20, s11  }
0x7: {  	s28 =	sadd.s32 $0x2C00, s0;
	s14 =	smul.u32 $0x2800, s11;
	s11 =	simm.s32 $0x380  }
0x8: {  	s5 =	sor.u32 s2, s5;
	_ =	strace $0x8000004A;
	s3 =	smul.u32 $0x2710, s2  }
0x9: {  	s6 =	ssub.s32 $0x2, s2;
	p0 =	seq.s32 s2, $0x1;
	s5 =	smul.u32 $0x2710, s5  }
0xa: {  	s2 =	simm.s32 $0x0;
	s7 =	sshrl.u32 s6, $0x1;
	s13 =	sadd.s32 s3, s9  }
0xb: {  	s6 =	ssub.s32 s6, s7;
	s5 =	sshrl.u32 s5, $0x3;
	s15 =	sadd.s32 $0x230, s13  }
0xc: {  	s6 =	smax.u32 s6, $0x1;
	s9 =	sadd.s32 $0x1E0, s13;
	s19 =	sadd.s32 s26, s5  }
0xd: {  	s20 =	sadd.s32 $0xA, s5;
	s8 =	sadd.s32 s28, s5;
	s22 =	sadd.s32 $0x14, s5  }
0xe: {  	s25 =	sadd.s32 $0x1E, s5;
	s5 =	sadd.s32 $0x4D8, s5;
	[dreg:$0x15] =	wrdreg s6  }
0xf: {  	s6 =	simm.s32 $0x3E800;
	s17 =	sshrl.u32 s9, $0x3;
	[dreg:$0xa] =	wrdreg s19  }
0x10: {  	s9 =	simm.s32 $0x400;
	[dreg:$0xb] =	wrdreg s8;
	s21 =	sadd.s32 s26, s20  }
0x11: {  	s7 =	sadd.s32 s28, s20;
	s23 =	sadd.s32 s26, s22;
	[dreg:$0xc] =	wrdreg s21  }
0x12: {  	s8 =	sadd.s32 s28, s22;
	s10 =	sadd.s32 s26, s25;
	[dreg:$0xd] =	wrdreg s7  }
0x13: {  	s6 =	simm.s32 @!p0 $0x16800;
	s18 =	sadd.s32 s17, s28;
	[dreg:$0xe] =	wrdreg s23  }
0x14: {  	s19 =	sadd.s32 $0x190, s13;
	s20 =	sadd.s32 s17, s26;
	[dreg:$0xf] =	wrdreg s8  }
0x15: {  	s17 =	simm.s32 $0x5400;
	[dreg:$0x10] =	wrdreg s10;
	s7 =	sshrl.u32 s24, $0x2  }
0x16: {  	s8 =	sadd.s32 s28, s25;
	[dreg:$0x6] =	wrdreg s18;
	s21 =	sshrl.u32 s19, $0x3  }
0x17: {  	s0 =	sadd.s32 s6, s0;
	[dreg:$0x7] =	wrdreg s20;
	s25 =	sadd.s32 $0x140, s13  }
0x18: {  	s10 =	simm.s32 $0xD;
	s18 =	simm.s32 $0xE;
	s13 =	simm.s32 $0x2C00  }
0x19: {  	s20 =	simm.s32 $0x7C00;
	s19 =	simm.s32 $0x11;
	[dreg:$0x11] =	wrdreg s8  }
0x1a: {  	s24 =	sadd.s32 s7, s12;
	s8 =	sadd.s32 s26, s5;
	[dreg:$0x17] =	wrdreg s25  }
0x1b: {  	s5 =	sadd.s32 s28, s5;
	s7 =	sshrl.u32 s15, $0x3;
	[dreg:$0x13] =	wrdreg s8  }
0x1c: {  	s22 =	sadd.s32 s21, s28;
	s0 =	sadd.s32 s0, s14;
	[dreg:$0x14] =	wrdreg s5  }
0x1d: {  	s23 =	sadd.s32 s21, s26;
	s25 =	simm.s32 $0x80;
	[dreg:$0x16] =	wrdreg s0  }
0x1e: {  	s14 =	simm.s32 $0xF;
	s21 =	simm.s32 $0x3;
	[dreg:$0x8] =	wrdreg s22  }
0x1f: {  	s15 =	simm.s32 $0x80;
	s16 =	sadd.s32 s7, s28;
	[dreg:$0x9] =	wrdreg s23  }
0x20: {  	s7 =	sadd.s32 s7, s26;
	s0 =	simm.s32 $0x280;
	[dreg:$0x12] =	wrdreg s24  }
0x21: {  	s8 =	simm.s32 $0x100;
	s23 =	simm.s32 $0xA400;
	[dreg:$0x4] =	wrdreg s16  }
0x22: {  	v0 =	vimm.f32 $0.0e+00;
	[dreg:$0x5] =	wrdreg s7;
	s7 =	simm.s32 $0x300;
	s16 =	simm.s32 $0x10  }
.LBB2_1:
0x23: {  	[dreg:$0x18] =	wrdreg s2  }
0x24: {  	s22 =	rddreg [dreg:$0xa]  }
0x25: {  	[tilespmem:s4], [sflag:$0xD] =	stream.linear.gather [hbm4b:s22+s4], $0x50, $0x38;
	[tilespmem:$0x1E800] =	vst v63  }
0x26: {  	s2 =	rddreg [dreg:$0xb]  }
0x27: {  	[tilespmem:s31], [sflag:$0x9] =	stream.linear.gather [hbm4b:s2+s4], $0x50, $0x38;
	[tilespmem:$0x1E800] =	vst v63  }
0x28: {  	s3 =	rddreg [dreg:$0xc]  }
0x29: {  	[tilespmem:s25], [sflag:$0xE] =	stream.linear.gather [hbm4b:s3+s4], $0x50, $0x38;
	[tilespmem:$0x1E800] =	vst v63  }
0x2a: {  	s5 =	rddreg [dreg:$0xd]  }
0x2b: {  	[tilespmem:s0], [sflag:$0xA] =	stream.linear.gather [hbm4b:s5+s4], $0x50, $0x38;
	[tilespmem:$0x1E800] =	vst v63  }
0x2c: {  	s6 =	rddreg [dreg:$0xe]  }
0x2d: {  	[tilespmem:s8], [sflag:$0xF] =	stream.linear.gather [hbm4b:s6+s4], $0x50, $0x38;
	[tilespmem:$0x1E800] =	vst v63  }
0x2e: {  	s2 =	rddreg [dreg:$0xf]  }
0x2f: {  	[tilespmem:s7], [sflag:$0xB] =	stream.linear.gather [hbm4b:s2+s4], $0x50, $0x38;
	[tilespmem:$0x1E800] =	vst v63  }
0x30: {  	s3 =	rddreg [dreg:$0x10]  }
0x31: {  	[tilespmem:s29], [sflag:$0x10] =	stream.linear.gather [hbm4b:s3+s4], $0x50, $0x38;
	[tilespmem:$0x1E800] =	vst v63  }
0x32: {  	s5 =	rddreg [dreg:$0x11]  }
0x33: {  	[tilespmem:s11], [sflag:$0xC] =	stream.linear.gather [hbm4b:s5+s4], $0x50, $0x38;
	[tilespmem:$0x1E800] =	vst v63  }
0x34: {  	_ =	swait.ge [sflag:s10], $0x50  }
0x35: {  	[sflag:s10] =	ssyncset.done $0x0  }
0x36: {  	[sflag:s10] =	ssyncadd.s32 $0xFFFFFFB0  }
0x37: {  	[tilespmem:s9], [sflag:$0x1] =	stream.indirect.gather [hbm4b:s1+s30], $0x80, s4, s30, $0xb8;
	[tilespmem:$0x1E800] =	vst v63  }
0x38: {  	_ =	swait.ge [sflag:s18], $0x50  }
0x39: {  	[sflag:s18] =	ssyncset.done $0x0  }
0x3a: {  	[sflag:s18] =	ssyncadd.s32 $0xFFFFFFB0  }
0x3b: {  	[tilespmem:s13], [sflag:$0x2] =	stream.indirect.gather [hbm4b:s1+s30], $0x80, s25, s30, $0xb8;
	[tilespmem:$0x1E800] =	vst v63  }
0x3c: {  	_ =	swait.ge [sflag:s14], $0x50  }
0x3d: {  	[sflag:s14] =	ssyncset.done $0x0  }
0x3e: {  	[sflag:s14] =	ssyncadd.s32 $0xFFFFFFB0  }
0x3f: {  	[tilespmem:s17], [sflag:$0x3] =	stream.indirect.gather [hbm4b:s1+s30], $0x80, s8, s30, $0xb8;
	[tilespmem:$0x1E800] =	vst v63  }
0x40: {  	_ =	swait.ge [sflag:s16], $0x50  }
0x41: {  	[sflag:s16] =	ssyncset.done $0x0  }
0x42: {  	[sflag:s16] =	ssyncadd.s32 $0xFFFFFFB0  }
0x43: {  	[tilespmem:s20], [sflag:$0x4] =	stream.indirect.gather [hbm4b:s1+s30], $0x80, s29, s30, $0xb8;
	[tilespmem:$0x1E800] =	vst v63  }
0x44: {  	[tilespmem:$0xA400] =	vst v0  }
0x45: {  	[tilespmem:$0xA410] =	vst v0  }
0x46: {  	[tilespmem:$0xA420] =	vst v0  }
0x47: {  	[tilespmem:$0xA430] =	vst v0  }
0x48: {  	[tilespmem:$0xA440] =	vst v0  }
0x49: {  	[tilespmem:$0xA450] =	vst v0  }
0x4a: {  	[tilespmem:$0xA460] =	vst v0  }
0x4b: {  	[tilespmem:$0xA470] =	vst v0  }
0x4c: {  	[tilespmem:$0xA480] =	vst v0  }
0x4d: {  	[tilespmem:$0xA490] =	vst v0  }
0x4e: {  	[tilespmem:$0xA4A0] =	vst v0  }
0x4f: {  	[tilespmem:$0xA4B0] =	vst v0  }
0x50: {  	[tilespmem:$0xA4C0] =	vst v0  }
0x51: {  	[tilespmem:$0xA4D0] =	vst v0  }
0x52: {  	[tilespmem:$0xA4E0] =	vst v0  }
0x53: {  	[tilespmem:$0xA4F0] =	vst v0  }
0x54: {  	[tilespmem:$0xA500] =	vst v0  }
0x55: {  	[tilespmem:$0xA510] =	vst v0  }
0x56: {  	[tilespmem:$0xA520] =	vst v0  }
0x57: {  	[tilespmem:$0xA530] =	vst v0  }
0x58: {  	[tilespmem:$0xA540] =	vst v0  }
0x59: {  	[tilespmem:$0xA550] =	vst v0  }
0x5a: {  	[tilespmem:$0xA560] =	vst v0  }
0x5b: {  	[tilespmem:$0xA570] =	vst v0  }
0x5c: {  	[tilespmem:$0xA580] =	vst v0  }
0x5d: {  	[tilespmem:$0xA590] =	vst v0  }
0x5e: {  	[tilespmem:$0xA5A0] =	vst v0  }
0x5f: {  	[tilespmem:$0xA5B0] =	vst v0  }
0x60: {  	[tilespmem:$0xA5C0] =	vst v0  }
0x61: {  	[tilespmem:$0xA5D0] =	vst v0  }
0x62: {  	[tilespmem:$0xA5E0] =	vst v0  }
0x63: {  	[tilespmem:$0xA5F0] =	vst v0  }
0x64: {  	[tilespmem:$0xA600] =	vst v0  }
0x65: {  	[tilespmem:$0xA610] =	vst v0  }
0x66: {  	[tilespmem:$0xA620] =	vst v0  }
0x67: {  	[tilespmem:$0xA630] =	vst v0  }
0x68: {  	[tilespmem:$0xA640] =	vst v0  }
0x69: {  	[tilespmem:$0xA650] =	vst v0  }
0x6a: {  	[tilespmem:$0xA660] =	vst v0  }
0x6b: {  	[tilespmem:$0xA670] =	vst v0  }
0x6c: {  	[tilespmem:$0xA680] =	vst v0  }
0x6d: {  	[tilespmem:$0xA690] =	vst v0  }
0x6e: {  	[tilespmem:$0xA6A0] =	vst v0  }
0x6f: {  	[tilespmem:$0xA6B0] =	vst v0  }
0x70: {  	[tilespmem:$0xA6C0] =	vst v0  }
0x71: {  	[tilespmem:$0xA6D0] =	vst v0  }
0x72: {  	[tilespmem:$0xA6E0] =	vst v0  }
0x73: {  	[tilespmem:$0xA6F0] =	vst v0  }
0x74: {  	[tilespmem:$0xA700] =	vst v0  }
0x75: {  	[tilespmem:$0xA710] =	vst v0  }
0x76: {  	[tilespmem:$0xA720] =	vst v0  }
0x77: {  	[tilespmem:$0xA730] =	vst v0  }
0x78: {  	[tilespmem:$0xA740] =	vst v0  }
0x79: {  	[tilespmem:$0xA750] =	vst v0  }
0x7a: {  	[tilespmem:$0xA760] =	vst v0  }
0x7b: {  	[tilespmem:$0xA770] =	vst v0  }
0x7c: {  	[tilespmem:$0xA780] =	vst v0  }
0x7d: {  	[tilespmem:$0xA790] =	vst v0  }
0x7e: {  	[tilespmem:$0xA7A0] =	vst v0  }
0x7f: {  	[tilespmem:$0xA7B0] =	vst v0  }
0x80: {  	[tilespmem:$0xA7C0] =	vst v0  }
0x81: {  	[tilespmem:$0xA7D0] =	vst v0  }
0x82: {  	[tilespmem:$0xA7E0] =	vst v0  }
0x83: {  	s22 =	simm.s32 $0x1000;
	s6 =	sadd.s32 $0x0, s24;
	[tilespmem:$0xA7F0] =	vst v0  }
0x84: {  	[spmem:s6] =	stream.linear.scatter [tilespmem:s23], [sflag:$0x11], $0x400, $0x38;
	[tilespmem:$0x1E800] =	vst v63  }
0x85: {  	s2 =	simm.s32 $0xA400;
	s3 =	smov.u32 s1;
	_ =	swait.ge [sflag:s19], $0x400  }
.LBB2_2:
0x86: {  	s23 =	sshra.s32 s22, $0x2;
	[sflag:s19] =	ssyncset.done $0x0;
	p0 =	sne.s32 s22, $0x4F000  }
.Ltmp0:
0x87: {  	s23 =	sadd.s32 s23, s24;
	[sflag:s19] =	ssyncadd.s32 $0xFFFFFC00;
	(pc) =	sbr.rel @p0 .LBB2_2-.Ltmp0, $3  }
0x88: {  	[spmem:s23] =	stream.linear.scatter [tilespmem:s2], [sflag:$0x11], $0x400, $0x38;
	[tilespmem:$0x1E800] =	vst v63  }
0x89: {  	s22 =	sadd.s32 $0x1000, s22;
	_ =	sdelay $0x1  }
0x8a: {  	_ =	swait.ge [sflag:s19], $0x400  }
0x8b: {  	[sflag:s19] =	ssyncset.done $0x0  }
0x8c: {  	[sflag:s19] =	ssyncadd.s32 $0xFFFFFC00  }
0x8d: {  	s1 =	simm.s32 $0x9;
	[bflag:$0x0] =	sbarrier.arrive $0xFFFF  }
0x8e: {  	_ =	swait.ge [sflag:s1], $0x50  }
0x8f: {  	[sflag:s1] =	ssyncset.done $0x0  }
0x90: {  	s2 =	simm.s32 $0x1;
	[sflag:s1] =	ssyncadd.s32 $0xFFFFFFB0  }
0x91: {  	_ =	swait.ge [sflag:s2], $0x2800  }
0x92: {  	[sflag:s2] =	ssyncset.done $0x0;
	s24 =	rddreg [dreg:$0x17]  }
0x93: {  	[sflag:s2] =	ssyncadd.s32 $0xFFFFD800;
	s22 =	sshrl.u32 s24, $0x3  }
0x94: {  	[spmem:s12] =	stream.indirect.scatter.add.f32 [tilespmem:s9], [sflag:$0x5], $0x80, s31, s30, $0xb8;
	[tilespmem:$0x1E800] =	vst v63  }
0x95: {  	s5 =	simm.s32 $0xA;
	s23 =	sadd.s32 s26, s22  }
0x96: {  	[tilespmem:s4], [sflag:$0xD] =	stream.linear.gather [hbm4b:s23+s4], $0x50, $0x38;
	[tilespmem:$0x1E800] =	vst v63  }
0x97: {  	_ =	swait.ge [sflag:s5], $0x50  }
0x98: {  	[sflag:s5] =	ssyncset.done $0x0  }
0x99: {  	s6 =	simm.s32 $0x2;
	[sflag:s5] =	ssyncadd.s32 $0xFFFFFFB0  }
0x9a: {  	_ =	swait.ge [sflag:s6], $0x2800  }
0x9b: {  	[sflag:s6] =	ssyncset.done $0x0  }
0x9c: {  	s19 =	rddreg [dreg:$0x9];
	[sflag:s6] =	ssyncadd.s32 $0xFFFFD800  }
0x9d: {  	[spmem:s12] =	stream.indirect.scatter.add.f32 [tilespmem:s13], [sflag:$0x6], $0x80, s0, s30, $0xb8;
	[tilespmem:$0x1E800] =	vst v63  }
0x9e: {  	s2 =	simm.s32 $0xB;
	s23 =	sadd.s32 $0x0, s19  }
0x9f: {  	[tilespmem:s25], [sflag:$0xE] =	stream.linear.gather [hbm4b:s23+s4], $0x50, $0x38;
	[tilespmem:$0x1E800] =	vst v63  }
0xa0: {  	_ =	swait.ge [sflag:s2], $0x50  }
0xa1: {  	[sflag:s2] =	ssyncset.done $0x0  }
0xa2: {  	[sflag:s2] =	ssyncadd.s32 $0xFFFFFFB0  }
0xa3: {  	_ =	swait.ge [sflag:s21], $0x2800  }
0xa4: {  	[sflag:s21] =	ssyncset.done $0x0  }
0xa5: {  	s5 =	rddreg [dreg:$0x7];
	[sflag:s21] =	ssyncadd.s32 $0xFFFFD800  }
0xa6: {  	[spmem:s12] =	stream.indirect.scatter.add.f32 [tilespmem:s17], [sflag:$0x7], $0x80, s7, s30, $0xb8;
	[tilespmem:$0x1E800] =	vst v63  }
0xa7: {  	s1 =	simm.s32 $0xC;
	s23 =	sadd.s32 $0x0, s5  }
0xa8: {  	[tilespmem:s8], [sflag:$0xF] =	stream.linear.gather [hbm4b:s23+s4], $0x50, $0x38;
	[tilespmem:$0x1E800] =	vst v63  }
0xa9: {  	_ =	swait.ge [sflag:s1], $0x50  }
0xaa: {  	[sflag:s1] =	ssyncset.done $0x0  }
0xab: {  	s7 =	simm.s32 $0x4;
	[sflag:s1] =	ssyncadd.s32 $0xFFFFFFB0  }
0xac: {  	_ =	swait.ge [sflag:s7], $0x2800  }
0xad: {  	[sflag:s7] =	ssyncset.done $0x0  }
0xae: {  	s6 =	rddreg [dreg:$0x5];
	[sflag:s7] =	ssyncadd.s32 $0xFFFFD800  }
0xaf: {  	[spmem:s12] =	stream.indirect.scatter.add.f32 [tilespmem:s20], [sflag:$0x8], $0x80, s11, s30, $0xb8;
	[tilespmem:$0x1E800] =	vst v63  }
0xb0: {  	s19 =	simm.s32 $0x5;
	s23 =	sadd.s32 $0x0, s6  }
0xb1: {  	[tilespmem:s29], [sflag:$0x10] =	stream.linear.gather [hbm4b:s23+s4], $0x50, $0x38;
	[tilespmem:$0x1E800] =	vst v63  }
0xb2: {  	_ =	swait.ge [sflag:s19], $0x2800  }
0xb3: {  	[sflag:s19] =	ssyncset.done $0x0  }
0xb4: {  	s22 =	sadd.s32 s28, s22;
	[sflag:s19] =	ssyncadd.s32 $0xFFFFD800  }
0xb5: {  	[tilespmem:s31], [sflag:$0x9] =	stream.linear.gather [hbm4b:s22+s4], $0x50, $0x38;
	[tilespmem:$0x1E800] =	vst v63  }
0xb6: {  	_ =	swait.ge [sflag:s10], $0x50  }
0xb7: {  	[sflag:s10] =	ssyncset.done $0x0  }
0xb8: {  	s5 =	simm.s32 $0x6;
	[sflag:s10] =	ssyncadd.s32 $0xFFFFFFB0  }
0xb9: {  	[tilespmem:s9], [sflag:$0x1] =	stream.indirect.gather [hbm4b:s3+s30], $0x80, s4, s30, $0xb8;
	[tilespmem:$0x1E800] =	vst v63  }
0xba: {  	_ =	swait.ge [sflag:s5], $0x2800  }
0xbb: {  	s20 =	rddreg [dreg:$0x8];
	[sflag:s5] =	ssyncset.done $0x0  }
0xbc: {  	[sflag:s5] =	ssyncadd.s32 $0xFFFFD800;
	s22 =	sadd.s32 $0x0, s20  }
0xbd: {  	[tilespmem:s0], [sflag:$0xA] =	stream.linear.gather [hbm4b:s22+s4], $0x50, $0x38;
	[tilespmem:$0x1E800] =	vst v63  }
0xbe: {  	_ =	swait.ge [sflag:s18], $0x50  }
0xbf: {  	[sflag:s18] =	ssyncset.done $0x0  }
0xc0: {  	[sflag:s18] =	ssyncadd.s32 $0xFFFFFFB0;
	s18 =	simm.s32 $0x7  }
0xc1: {  	[tilespmem:s13], [sflag:$0x2] =	stream.indirect.gather [hbm4b:s3+s30], $0x80, s25, s30, $0xb8;
	[tilespmem:$0x1E800] =	vst v63  }
0xc2: {  	_ =	swait.ge [sflag:s18], $0x2800  }
0xc3: {  	s23 =	rddreg [dreg:$0x6];
	[sflag:s18] =	ssyncset.done $0x0  }
0xc4: {  	s2 =	simm.s32 $0x300;
	[sflag:s18] =	ssyncadd.s32 $0xFFFFD800;
	s22 =	sadd.s32 $0x0, s23  }
0xc5: {  	[tilespmem:s2], [sflag:$0xB] =	stream.linear.gather [hbm4b:s22+s4], $0x50, $0x38;
	[tilespmem:$0x1E800] =	vst v63  }
0xc6: {  	_ =	swait.ge [sflag:s14], $0x50  }
0xc7: {  	[sflag:s14] =	ssyncset.done $0x0  }
0xc8: {  	s11 =	simm.s32 $0x8;
	[sflag:s14] =	ssyncadd.s32 $0xFFFFFFB0  }
0xc9: {  	[tilespmem:s17], [sflag:$0x3] =	stream.indirect.gather [hbm4b:s3+s30], $0x80, s8, s30, $0xb8;
	[tilespmem:$0x1E800] =	vst v63  }
0xca: {  	_ =	swait.ge [sflag:s11], $0x2800  }
0xcb: {  	s29 =	rddreg [dreg:$0x4];
	[sflag:s11] =	ssyncset.done $0x0  }
0xcc: {  	s25 =	simm.s32 $0x380;
	[sflag:s11] =	ssyncadd.s32 $0xFFFFD800;
	s22 =	sadd.s32 $0x0, s29  }
0xcd: {  	[tilespmem:s25], [sflag:$0xC] =	stream.linear.gather [hbm4b:s22+s4], $0x50, $0x38;
	[tilespmem:$0x1E800] =	vst v63  }
0xce: {  	s9 =	simm.s32 $0xD;
	s13 =	simm.s32 $0xE;
	_ =	swait.ge [sflag:s16], $0x50  }
0xcf: {  	s23 =	sadd.s32 $0x140, s24;
	s17 =	simm.s32 $0x10;
	[sflag:s16] =	ssyncset.done $0x0  }
0xd0: {  	s22 =	simm.s32 $0x28;
	[sflag:s16] =	ssyncadd.s32 $0xFFFFFFB0;
	s16 =	simm.s32 $0xF  }
.LBB2_4:
0xd1: {  	s8 =	simm.s32 $0x7C00;
	s5 =	simm.s32 $0x180;
	s20 =	simm.s32 $0x9  }
0xd2: {  	[tilespmem:s8], [sflag:$0x4] =	stream.indirect.gather [hbm4b:s3+s30], $0x80, s5, s30, $0xb8;
	[tilespmem:$0x1E800] =	vst v63  }
0xd3: {  	_ =	swait.ge [sflag:s20], $0x50  }
0xd4: {  	[sflag:s20] =	ssyncset.done $0x0  }
0xd5: {  	s25 =	simm.s32 $0x1;
	[sflag:s20] =	ssyncadd.s32 $0xFFFFFFB0  }
0xd6: {  	_ =	swait.ge [sflag:s25], $0x2800  }
0xd7: {  	[sflag:s25] =	ssyncset.done $0x0  }
0xd8: {  	s20 =	simm.s32 $0x400;
	[sflag:s25] =	ssyncadd.s32 $0xFFFFD800;
	s25 =	sshrl.u32 s23, $0x3  }
0xd9: {  	[spmem:s12] =	stream.indirect.scatter.add.f32 [tilespmem:s20], [sflag:$0x5], $0x80, s31, s30, $0xb8;
	[tilespmem:$0x1E800] =	vst v63  }
0xda: {  	s0 =	simm.s32 $0xA;
	s6 =	sadd.s32 s26, s25  }
0xdb: {  	[tilespmem:s4], [sflag:$0xD] =	stream.linear.gather [hbm4b:s6+s4], $0x50, $0x38;
	[tilespmem:$0x1E800] =	vst v63  }
0xdc: {  	_ =	swait.ge [sflag:s0], $0x50  }
0xdd: {  	[sflag:s0] =	ssyncset.done $0x0  }
0xde: {  	s10 =	simm.s32 $0x2;
	[sflag:s0] =	ssyncadd.s32 $0xFFFFFFB0  }
0xdf: {  	_ =	swait.ge [sflag:s10], $0x2800  }
0xe0: {  	s24 =	smov.u32 s22;
	s19 =	simm.s32 $0x280;
	[sflag:s10] =	ssyncset.done $0x0  }
0xe1: {  	s14 =	rddreg [dreg:$0x9];
	[sflag:s10] =	ssyncadd.s32 $0xFFFFD800;
	s10 =	simm.s32 $0x2C00  }
0xe2: {  	[spmem:s12] =	stream.indirect.scatter.add.f32 [tilespmem:s10], [sflag:$0x6], $0x80, s19, s30, $0xb8;
	[tilespmem:$0x1E800] =	vst v63  }
0xe3: {  	s31 =	smov.u32 s28;
	s28 =	smov.u32 s26;
	s26 =	sadd.s32 s24, s14  }
0xe4: {  	[tilespmem:s15], [sflag:$0xE] =	stream.linear.gather [hbm4b:s26+s4], $0x50, $0x38;
	[tilespmem:$0x1E800] =	vst v63  }
0xe5: {  	s26 =	simm.s32 $0xB  }
0xe6: {  	_ =	swait.ge [sflag:s26], $0x50  }
0xe7: {  	[sflag:s26] =	ssyncset.done $0x0  }
0xe8: {  	[sflag:s26] =	ssyncadd.s32 $0xFFFFFFB0  }
0xe9: {  	_ =	swait.ge [sflag:s21], $0x2800  }
0xea: {  	s2 =	simm.s32 $0x5400;
	[sflag:s21] =	ssyncset.done $0x0  }
0xeb: {  	s0 =	simm.s32 $0x300;
	s29 =	rddreg [dreg:$0x7];
	[sflag:s21] =	ssyncadd.s32 $0xFFFFD800  }
0xec: {  	[spmem:s12] =	stream.indirect.scatter.add.f32 [tilespmem:s2], [sflag:$0x7], $0x80, s0, s30, $0xb8;
	[tilespmem:$0x1E800] =	vst v63  }
0xed: {  	s26 =	sadd.s32 s24, s29;
	s29 =	simm.s32 $0x100  }
0xee: {  	[tilespmem:s29], [sflag:$0xF] =	stream.linear.gather [hbm4b:s26+s4], $0x50, $0x38;
	[tilespmem:$0x1E800] =	vst v63  }
0xef: {  	_ =	swait.ge [sflag:s1], $0x50  }
0xf0: {  	[sflag:s1] =	ssyncset.done $0x0  }
0xf1: {  	[sflag:s1] =	ssyncadd.s32 $0xFFFFFFB0  }
0xf2: {  	_ =	swait.ge [sflag:s7], $0x2800  }
0xf3: {  	[sflag:s7] =	ssyncset.done $0x0  }
0xf4: {  	s14 =	simm.s32 $0x380;
	s6 =	rddreg [dreg:$0x5];
	[sflag:s7] =	ssyncadd.s32 $0xFFFFD800  }
0xf5: {  	[spmem:s12] =	stream.indirect.scatter.add.f32 [tilespmem:s8], [sflag:$0x8], $0x80, s14, s30, $0xb8;
	[tilespmem:$0x1E800] =	vst v63  }
0xf6: {  	s26 =	sadd.s32 s24, s6  }
0xf7: {  	[tilespmem:s5], [sflag:$0x10] =	stream.linear.gather [hbm4b:s26+s4], $0x50, $0x38;
	[tilespmem:$0x1E800] =	vst v63  }
0xf8: {  	s5 =	simm.s32 $0x5  }
0xf9: {  	_ =	swait.ge [sflag:s5], $0x2800  }
0xfa: {  	s26 =	smov.u32 s28;
	s28 =	smov.u32 s31;
	[sflag:s5] =	ssyncset.done $0x0  }
0xfb: {  	s31 =	simm.s32 $0x200;
	s25 =	sadd.s32 s28, s25;
	[sflag:s5] =	ssyncadd.s32 $0xFFFFD800  }
0xfc: {  	[tilespmem:s31], [sflag:$0x9] =	stream.linear.gather [hbm4b:s25+s4], $0x50, $0x38;
	[tilespmem:$0x1E800] =	vst v63  }
0xfd: {  	_ =	swait.ge [sflag:s9], $0x50  }
0xfe: {  	[sflag:s9] =	ssyncset.done $0x0  }
0xff: {  	s25 =	simm.s32 $0x6;
	[sflag:s9] =	ssyncadd.s32 $0xFFFFFFB0  }
0x100: {  	[tilespmem:s20], [sflag:$0x1] =	stream.indirect.gather [hbm4b:s3+s30], $0x80, s4, s30, $0xb8;
	[tilespmem:$0x1E800] =	vst v63  }
0x101: {  	_ =	swait.ge [sflag:s25], $0x2800  }
0x102: {  	s8 =	rddreg [dreg:$0x8];
	[sflag:s25] =	ssyncset.done $0x0  }
0x103: {  	[sflag:s25] =	ssyncadd.s32 $0xFFFFD800;
	s25 =	sadd.s32 s24, s8  }
0x104: {  	[tilespmem:s19], [sflag:$0xA] =	stream.linear.gather [hbm4b:s25+s4], $0x50, $0x38;
	[tilespmem:$0x1E800] =	vst v63  }
0x105: {  	_ =	swait.ge [sflag:s13], $0x50  }
0x106: {  	[sflag:s13] =	ssyncset.done $0x0  }
0x107: {  	[sflag:s13] =	ssyncadd.s32 $0xFFFFFFB0  }
0x108: {  	[tilespmem:s10], [sflag:$0x2] =	stream.indirect.gather [hbm4b:s3+s30], $0x80, s15, s30, $0xb8;
	[tilespmem:$0x1E800] =	vst v63  }
0x109: {  	_ =	swait.ge [sflag:s18], $0x2800  }
0x10a: {  	s20 =	rddreg [dreg:$0x6];
	[sflag:s18] =	ssyncset.done $0x0  }
0x10b: {  	[sflag:s18] =	ssyncadd.s32 $0xFFFFD800;
	s25 =	sadd.s32 s24, s20  }
0x10c: {  	[tilespmem:s0], [sflag:$0xB] =	stream.linear.gather [hbm4b:s25+s4], $0x50, $0x38;
	[tilespmem:$0x1E800] =	vst v63  }
0x10d: {  	_ =	swait.ge [sflag:s16], $0x50  }
0x10e: {  	[sflag:s16] =	ssyncset.done $0x0  }
0x10f: {  	[sflag:s16] =	ssyncadd.s32 $0xFFFFFFB0  }
0x110: {  	[tilespmem:s2], [sflag:$0x3] =	stream.indirect.gather [hbm4b:s3+s30], $0x80, s29, s30, $0xb8;
	[tilespmem:$0x1E800] =	vst v63  }
0x111: {  	p0 =	sne.s32 s22, $0x488;
	s22 =	sadd.s32 $0x28, s22;
	_ =	swait.ge [sflag:s11], $0x2800  }
0x112: {  	s23 =	sadd.s32 $0x140, s23;
	s29 =	rddreg [dreg:$0x4];
	[sflag:s11] =	ssyncset.done $0x0  }
.Ltmp1:
0x113: {  	[sflag:s11] =	ssyncadd.s32 $0xFFFFD800;
	s24 =	sadd.s32 s24, s29;
	(pc) =	sbr.rel @p0 .LBB2_4-.Ltmp1, $4  }
0x114: {  	[tilespmem:s14], [sflag:$0xC] =	stream.linear.gather [hbm4b:s24+s4], $0x50, $0x38;
	[tilespmem:$0x1E800] =	vst v63  }
0x115: {  	s6 =	simm.s32 $0x180;
	s5 =	simm.s32 $0x280;
	_ =	swait.ge [sflag:s17], $0x50  }
0x116: {  	s8 =	simm.s32 $0x5400;
	s19 =	simm.s32 $0x2C00;
	[sflag:s17] =	ssyncset.done $0x0  }
0x117: {  	s10 =	simm.s32 $0x300;
	s20 =	simm.s32 $0x380;
	[sflag:s17] =	ssyncadd.s32 $0xFFFFFFB0  }
0x118: {  	s13 =	simm.s32 $0x7C00;
	s14 =	simm.s32 $0x9  }
0x119: {  	[tilespmem:s13], [sflag:$0x4] =	stream.indirect.gather [hbm4b:s3+s30], $0x80, s6, s30, $0xb8;
	[tilespmem:$0x1E800] =	vst v63  }
0x11a: {  	_ =	swait.ge [sflag:s14], $0x50  }
0x11b: {  	[sflag:s14] =	ssyncset.done $0x0  }
0x11c: {  	s0 =	simm.s32 $0x1;
	[sflag:s14] =	ssyncadd.s32 $0xFFFFFFB0  }
0x11d: {  	_ =	swait.ge [sflag:s0], $0x2800  }
0x11e: {  	[sflag:s0] =	ssyncset.done $0x0  }
0x11f: {  	s2 =	simm.s32 $0x400;
	[sflag:s0] =	ssyncadd.s32 $0xFFFFD800  }
0x120: {  	[spmem:s12] =	stream.indirect.scatter.add.f32 [tilespmem:s2], [sflag:$0x5], $0x80, s31, s30, $0xb8;
	[tilespmem:$0x1E800] =	vst v63  }
0x121: {  	s16 =	simm.s32 $0xA;
	s22 =	rddreg [dreg:$0x13]  }
0x122: {  	[tilespmem:s4], [sflag:$0xD] =	stream.linear.gather [hbm4b:s22+s4], $0x50, $0x38;
	[tilespmem:$0x1E800] =	vst v63  }
0x123: {  	_ =	swait.ge [sflag:s16], $0x50  }
0x124: {  	[sflag:s16] =	ssyncset.done $0x0  }
0x125: {  	s25 =	simm.s32 $0x2;
	[sflag:s16] =	ssyncadd.s32 $0xFFFFFFB0  }
0x126: {  	_ =	swait.ge [sflag:s25], $0x2800  }
0x127: {  	[sflag:s25] =	ssyncset.done $0x0  }
0x128: {  	s6 =	simm.s32 $0xB;
	[sflag:s25] =	ssyncadd.s32 $0xFFFFD800  }
0x129: {  	[spmem:s12] =	stream.indirect.scatter.add.f32 [tilespmem:s19], [sflag:$0x6], $0x80, s5, s30, $0xb8;
	[tilespmem:$0x1E800] =	vst v63  }
0x12a: {  	_ =	swait.ge [sflag:s6], $0x50  }
0x12b: {  	[sflag:s6] =	ssyncset.done $0x0  }
0x12c: {  	[sflag:s6] =	ssyncadd.s32 $0xFFFFFFB0  }
0x12d: {  	_ =	swait.ge [sflag:s21], $0x2800  }
0x12e: {  	[sflag:s21] =	ssyncset.done $0x0  }
0x12f: {  	[sflag:s21] =	ssyncadd.s32 $0xFFFFD800  }
0x130: {  	[spmem:s12] =	stream.indirect.scatter.add.f32 [tilespmem:s8], [sflag:$0x7], $0x80, s10, s30, $0xb8;
	[tilespmem:$0x1E800] =	vst v63  }
0x131: {  	_ =	swait.ge [sflag:s1], $0x50  }
0x132: {  	[sflag:s1] =	ssyncset.done $0x0  }
0x133: {  	[sflag:s1] =	ssyncadd.s32 $0xFFFFFFB0  }
0x134: {  	_ =	swait.ge [sflag:s7], $0x2800  }
0x135: {  	[sflag:s7] =	ssyncset.done $0x0  }
0x136: {  	s16 =	simm.s32 $0x5;
	[sflag:s7] =	ssyncadd.s32 $0xFFFFD800  }
0x137: {  	[spmem:s12] =	stream.indirect.scatter.add.f32 [tilespmem:s13], [sflag:$0x8], $0x80, s20, s30, $0xb8;
	[tilespmem:$0x1E800] =	vst v63  }
0x138: {  	_ =	swait.ge [sflag:s16], $0x2800  }
0x139: {  	[sflag:s16] =	ssyncset.done $0x0  }
0x13a: {  	s17 =	rddreg [dreg:$0x14];
	[sflag:s16] =	ssyncadd.s32 $0xFFFFD800  }
0x13b: {  	[tilespmem:s31], [sflag:$0x9] =	stream.linear.gather [hbm4b:s17+s4], $0x50, $0x38;
	[tilespmem:$0x1E800] =	vst v63  }
0x13c: {  	_ =	swait.ge [sflag:s9], $0x50  }
0x13d: {  	[sflag:s9] =	ssyncset.done $0x0  }
0x13e: {  	[sflag:s9] =	ssyncadd.s32 $0xFFFFFFB0  }
0x13f: {  	[tilespmem:s2], [sflag:$0x1] =	stream.indirect.gather [hbm4b:s3+s30], $0x80, s4, s30, $0xb8;
	[tilespmem:$0x1E800] =	vst v63  }
0x140: {  	_ =	swait.ge [sflag:s14], $0x50  }
0x141: {  	[sflag:s14] =	ssyncset.done $0x0  }
0x142: {  	[sflag:s14] =	ssyncadd.s32 $0xFFFFFFB0  }
0x143: {  	_ =	swait.ge [sflag:s0], $0x2800  }
0x144: {  	[sflag:s0] =	ssyncset.done $0x0  }
0x145: {  	[sflag:s0] =	ssyncadd.s32 $0xFFFFD800  }
0x146: {  	[spmem:s12] =	stream.indirect.scatter.add.f32 [tilespmem:s2], [sflag:$0x5], $0x80, s31, s30, $0xb8;
	[tilespmem:$0x1E800] =	vst v63  }
0x147: {  	_ =	swait.ge [sflag:s16], $0x2800  }
0x148: {  	[sflag:s16] =	ssyncset.done $0x0  }
0x149: {  	s19 =	simm.s32 $0x6;
	[sflag:s16] =	ssyncadd.s32 $0xFFFFD800  }
0x14a: {  	_ =	swait.ge [sflag:s19], $0x2800  }
0x14b: {  	[sflag:s19] =	ssyncset.done $0x0  }
0x14c: {  	[sflag:s19] =	ssyncadd.s32 $0xFFFFD800  }
0x14d: {  	_ =	swait.ge [sflag:s18], $0x2800  }
0x14e: {  	[sflag:s18] =	ssyncset.done $0x0  }
0x14f: {  	[sflag:s18] =	ssyncadd.s32 $0xFFFFD800  }
0x150: {  	_ =	swait.ge [sflag:s11], $0x2800  }
0x151: {  	[sflag:s11] =	ssyncset.done $0x0  }
0x152: {  	s20 =	stileid.u32;
	[sflag:s11] =	ssyncadd.s32 $0xFFFFD800  }
0x153: {  	s22 =	sshll.u32 s20, $0x6;
	[bflag:$0x0] =	sbarrier.arrive $0xFFFF  }
0x154: {  	s22 =	sor.u32 $0x1C11, s22;
	s24 =	rddreg [dreg:$0x12]  }
0x155: {  	s19 =	simm.s32 $0x11;
	s25 =	rddreg [dreg:$0x16];
	s23 =	sshrl.u32 s24, $0x3  }
0x156: {  	[hbm:s25], [sflag:s22] =	dma.local [spmem:s23], $0x2800  }
0x157: {  	_ =	swait.ge [sflag:s19], $0x2800  }
0x158: {  	s29 =	simm.s32 $0x180;
	s23 =	rddreg [dreg:$0x18]  }
0x159: {  	s8 =	simm.s32 $0x100;
	s25 =	rddreg [dreg:$0x15];
	s2 =	sadd.s32 $0x1, s23  }
0x15a: {  	s10 =	simm.s32 $0xD;
	s1 =	smov.u32 s3;
	p0 =	sne.s32 s2, s25  }
.Ltmp2:
0x15b: {  	s7 =	simm.s32 $0x300;
	s13 =	simm.s32 $0x2C00;
	(pc) =	sbr.rel @p0 .LBB2_1-.Ltmp2, $4  }
0x15c: {  	s20 =	simm.s32 $0x7C00;
	s17 =	simm.s32 $0x5400;
	s9 =	simm.s32 $0x400  }
0x15d: {  	s14 =	simm.s32 $0xF;
	s0 =	simm.s32 $0x280;
	s16 =	simm.s32 $0x10  }
0x15e: {  	s18 =	simm.s32 $0xE;
	s11 =	simm.s32 $0x380;
	[sflag:s19] =	ssyncset.done $0x0  }
0x15f: {  	[sflag:s19] =	ssyncadd.s32 $0xFFFFD800;
	s23 =	simm.s32 $0xA400;
	s25 =	simm.s32 $0x80  }
0x160: {  	_ =	sfence.sel $0x180000  }
0x161: {  	[bflag:$0x0] =	sbarrier.arrive $0xFFFF  }
0x162: {  	_ =	strace $0x9000004A  }
0x163: {  	s0 =	stileid.u32;
	[bflag:$0x2] =	sbarrier.arrive $0xFFFF  }
0x164: {  	p0 =	sne.s32 s0, $0x0;
	s0 =	rddreg [dreg:$0x3]  }
0x165: {  	s0 =	sadd.s32 @!p0 $0x100000, s0  }
0x166: {  	[sflag:s0] =	ssyncadd.tile.s32 @!p0 $0x1;
	_ =	shalt  }
.Lfunc_end2:
_tile_overlayer_lowered:
.L_overlay_start_2:
0x167: {  	(tag) =	ssettag $0x2  }
0x168: {  	s0 =	rddreg [dreg:$0x0];
	s2 =	stileid.u32  }
0x169: {  	s1 =	rddreg [dreg:$0x1];
	p0 =	sne.s32 s2, $0x0  }
0x16a: {  	s3 =	rddreg [dreg:$0x2];
	[bflag:$0x3] =	sbarrier.arrive $0xFFFF;
	s2 =	simm.s32 @!p0 $0x1C11  }
0x16b: {  	[timem:s3], [sflag:s2] =	dma.local @!p0 [hbm:s0], s1  }
0x16c: {  	s0 =	simm.s32 @!p0 $0x11  }
0x16d: {  	_ =	swait.ge @!p0 [sflag:s0], s1  }
0x16e: {  	s1 =	ssub.s32 @!p0 $0x0, s1;
	[sflag:s0] =	ssyncset.done @!p0 $0x0  }
0x16f: {  	[sflag:s0] =	ssyncadd.s32 @!p0 s1  }
0x170: {  	[bflag:$0x3] =	sbarrier.arrive $0xFFFF  }
0x171: {  	_ =	shalt  }

</sc_bundles>
